<compile_context>
chip_gen: v7x
topology: tpu7x:2x2x1
jax: 0.10.2.dev20260603
libtpu: 0.0.44.dev20260713+nightly
codegen_flags: <defaults>
</compile_context>

<pallas_src>
import functools

import jax
import jax.numpy as jnp
from jax import lax
from jax.experimental import pallas as pl
from jax.experimental.pallas import tpu as pltpu
from jax.experimental.pallas import tpu_sc as plsc

N_CONS = 10000
N_VARS = 10000
N_EDGES = 320000
D_FEAT = 128
D_EDGE = 16
H = 64

NC = 2
NS = 16
NW = NC * NS
EB = 128
N_BLK = N_EDGES // EB
N_ROWS = 2528
ROWS_PER_W = N_ROWS // NW
E_PAD = N_ROWS * EB
N_SEG_PAD = 10240
ROWS_PER_TILE = N_SEG_PAD // NS



def _node_embed_kernel(x_ref, w_ref, b_ref, o_ref):
    o_ref[...] = jnp.maximum(
        jnp.dot(x_ref[...], w_ref[...], preferred_element_type=jnp.float32)
        + b_ref[...], 0.0)


def _node_embed(x, w, b):
    n = x.shape[0]
    blk = n // 5
    return pl.pallas_call(
        _node_embed_kernel,
        grid=(5,),
        in_specs=[
            pl.BlockSpec((blk, D_FEAT), lambda i: (i, 0)),
            pl.BlockSpec((D_FEAT, H), lambda i: (0, 0)),
            pl.BlockSpec((1, H), lambda i: (0, 0)),
        ],
        out_specs=pl.BlockSpec((blk, H), lambda i: (i, 0)),
        out_shape=jax.ShapeDtypeStruct((N_SEG_PAD, H), jnp.float32),
    )(x, w, b.reshape(1, H))


_EPAIR = N_EDGES // 2
_EBLK = _EPAIR // 16


def _edge_embed_kernel(x_ref, w_ref, b_ref, o_ref):
    o_ref[...] = jnp.maximum(
        jnp.dot(x_ref[...], w_ref[...], preferred_element_type=jnp.float32)
        + b_ref[...], 0.0)


def _edge_embed(ea, we, be):
    ea2 = ea.reshape(_EPAIR, 2 * D_EDGE)
    w2 = jnp.zeros((2 * D_EDGE, 2 * H), jnp.float32)
    w2 = w2.at[:D_EDGE, :H].set(we).at[D_EDGE:, H:].set(we)
    b2 = jnp.concatenate([be, be]).reshape(1, 2 * H)
    return pl.pallas_call(
        _edge_embed_kernel,
        grid=(16,),
        in_specs=[
            pl.BlockSpec((_EBLK, 2 * D_EDGE), lambda i: (i, 0)),
            pl.BlockSpec((2 * D_EDGE, 2 * H), lambda i: (0, 0)),
            pl.BlockSpec((1, 2 * H), lambda i: (0, 0)),
        ],
        out_specs=pl.BlockSpec((_EBLK, 2 * H), lambda i: (i, 0)),
        out_shape=jax.ShapeDtypeStruct((_EPAIR, 2 * H), jnp.float32),
    )(ea2, w2, b2)


def _update_kernel(x_ref, w_ref, b_ref, parts_ref, wm_ref, o_ref):
    m = parts_ref[0] + parts_ref[1]
    h0 = jnp.dot(x_ref[...], w_ref[...], preferred_element_type=jnp.float32)
    h0 = jnp.maximum(h0 + b_ref[...], 0.0)
    upd = jnp.dot(m, wm_ref[...], preferred_element_type=jnp.float32)
    o_ref[...] = jnp.maximum(h0 + upd, 0.0)


def _update(x, w, b, parts, wm):
    n = x.shape[0]
    blk = n // 5
    return pl.pallas_call(
        _update_kernel,
        grid=(5,),
        in_specs=[
            pl.BlockSpec((blk, D_FEAT), lambda i: (i, 0)),
            pl.BlockSpec((D_FEAT, H), lambda i: (0, 0)),
            pl.BlockSpec((1, H), lambda i: (0, 0)),
            pl.BlockSpec((2, blk, H), lambda i: (0, i, 0)),
            pl.BlockSpec((H, H), lambda i: (0, 0)),
        ],
        out_specs=pl.BlockSpec((blk, H), lambda i: (i, 0)),
        out_shape=jax.ShapeDtypeStruct((N_SEG_PAD, H), jnp.float32),
    )(x, w, b.reshape(1, H), parts, wm)


def _pad_idx_kernel(x_ref, o_ref):
    o_ref[:N_BLK, :] = x_ref[...]


def _pad_idx(idx):
    return pl.pallas_call(
        _pad_idx_kernel,
        out_shape=jax.ShapeDtypeStruct((N_ROWS, EB), jnp.int32),
    )(idx.reshape(N_BLK, EB))


def _ln(x, g, b, eps=1e-5):
    mu = jnp.mean(x, axis=-1, keepdims=True)
    d = x - mu
    var = jnp.mean(d * d, axis=-1, keepdims=True)
    return d * lax.rsqrt(var + eps) * g + b


def _final_kernel(hv0_ref, parts_ref, wmv_ref,
                  ln1g, ln1b, ln2g, ln2b, ln3g, ln3b,
                  f1w, f1b, f2w, f2b, f3w, f3b, f4w, f4b, f5w, f5b,
                  o_ref):
    m = parts_ref[0, :N_VARS] + parts_ref[1, :N_VARS]
    hv = jnp.maximum(
        hv0_ref[:N_VARS]
        + jnp.dot(m, wmv_ref[...], preferred_element_type=jnp.float32), 0.0)
    x = jnp.mean(hv, axis=0, keepdims=True)
    x = _ln(x, ln1g[...], ln1b[...])
    x = jnp.maximum(jnp.dot(x, f1w[...], preferred_element_type=jnp.float32)
                    + f1b[...], 0.0)
    x = _ln(x, ln2g[...], ln2b[...])
    x = jnp.maximum(jnp.dot(x, f2w[...], preferred_element_type=jnp.float32)
                    + f2b[...], 0.0)
    x = jnp.dot(x, f3w[...], preferred_element_type=jnp.float32) + f3b[...]
    x = jnp.maximum(_ln(x, ln3g[...], ln3b[...]), 0.0)
    x = jnp.maximum(jnp.dot(x, f4w[...], preferred_element_type=jnp.float32)
                    + f4b[...], 0.0)
    o_ref[...] = jnp.dot(x, f5w[...], preferred_element_type=jnp.float32) \
        + f5b[...]


def _final(hv0, parts, wmv, head):
    args = [hv0, parts, wmv] + head
    return pl.pallas_call(
        _final_kernel,
        out_shape=jax.ShapeDtypeStruct((1, 1), jnp.float32),
    )(*args)



def _sc_pass(table, gidx3, sidx2, e3d):
    mesh = plsc.VectorSubcoreMesh(core_axis_name="c", subcore_axis_name="s")
    rpt = ROWS_PER_TILE

    @functools.partial(
        pl.kernel,
        out_type=jax.ShapeDtypeStruct((NC, N_SEG_PAD, H), jnp.float32),
        mesh=mesh,
        scratch_types=[
            pltpu.VMEM((ROWS_PER_W, EB), jnp.int32),
            pltpu.VMEM((EB,), jnp.int32),
            pltpu.VMEM((EB,), jnp.int32),
            pltpu.VMEM((EB, H), jnp.float32),
            pltpu.VMEM((EB, H), jnp.float32),
            pltpu.VMEM((EB, H), jnp.float32),
            pltpu.VMEM((EB, H), jnp.float32),
            pltpu.VMEM_SHARED((N_SEG_PAD, H), jnp.float32),
            pltpu.VMEM_SHARED((N_SEG_PAD, H), jnp.float32),
            pltpu.SemaphoreType.DMA,
            pltpu.SemaphoreType.DMA,
            pltpu.SemaphoreType.DMA,
            pltpu.SemaphoreType.DMA,
            pltpu.SemaphoreType.DMA,
            pltpu.SemaphoreType.DMA,
        ],
        compiler_params=pltpu.CompilerParams(use_tc_tiling_on_sc=False),
    )
    def k(table_hbm, gidx_hbm, sidx_hbm, e_hbm, out_hbm,
          gi_all, si0, si1, r0, r1, e0, e1, acc, tbl,
          sg0, sg1, se0, se1, ss0, ss1):
        cid = lax.axis_index("c")
        sid = lax.axis_index("s")
        wid = cid * NS + sid
        base = wid * ROWS_PER_W
        nblk = jnp.minimum(ROWS_PER_W, N_BLK - base)
        rbufs = (r0, r1)
        ebufs = (e0, e1)
        sibufs = (si0, si1)
        gsrcs = (tbl, table_hbm)
        gsems = (sg0, sg1)
        esems = (se0, se1)
        ssems = (ss0, ss1)

        @plsc.parallel_loop(0, EB, unroll=4)
        def zero_row(q):
            for c in range(H // 16):
                r0[q, pl.ds(c * 16, 16)] = jnp.zeros((16,), jnp.float32)

        for z in range(rpt // EB):
            pltpu.sync_copy(r0, acc.at[pl.ds(sid * rpt + z * EB, EB)])
        pltpu.sync_copy(table_hbm.at[pl.ds(sid * rpt, rpt)],
                        tbl.at[pl.ds(sid * rpt, rpt)])
        pltpu.sync_copy(gidx_hbm.at[wid], gi_all)
        plsc.subcore_barrier()

        def issue(j, b):
            pltpu.async_copy(e_hbm.at[base + j], ebufs[b], esems[b])
            pltpu.async_copy(sidx_hbm.at[base + j], sibufs[b], ssems[b])
            pltpu.async_copy(gsrcs[b].at[gi_all.at[j]], rbufs[b], gsems[b])

        def crunch(j, b):
            rb, eb = rbufs[b], ebufs[b]
            pltpu.make_async_copy(e_hbm.at[base + j], eb, esems[b]).wait()
            pltpu.make_async_copy(
                gsrcs[b].at[gi_all.at[j]], rb, gsems[b]).wait()

            @plsc.parallel_loop(0, EB, unroll=4)
            def mul_row(q):
                for c in range(H // 16):
                    s = pl.ds(c * 16, 16)
                    rb[q, s] = rb[q, s] * eb[q, s]

            pltpu.make_async_copy(
                sidx_hbm.at[base + j], sibufs[b], ssems[b]).wait()
            pltpu.sync_copy(rb, acc.at[sibufs[b]], add=True)

        @pl.when(0 < nblk)
        def _():
            issue(0, 0)

        @pl.when(1 < nblk)
        def _():
            issue(1, 1)

        @pl.loop(0, ROWS_PER_W, step=2)
        def _(t):
            for b in range(2):
                j = t + b

                @pl.when(j < nblk)
                def _():
                    crunch(j, b)

                @pl.when(j + 2 < nblk)
                def _():
                    issue(j + 2, b)

        plsc.subcore_barrier()
        pltpu.sync_copy(acc.at[pl.ds(sid * rpt, rpt)],
                        out_hbm.at[cid, pl.ds(sid * rpt, rpt)])

    return k(table, gidx3, sidx2, e3d)



def kernel(constraint_features, edge_index, edge_attr, variable_features,
           Wc, bc, Wv, bv, We, be, Wmc, Wmv,
           ln1_g, ln1_b, ln2_g, ln2_b, ln3_g, ln3_b,
           fc1_w, fc1_b, fc2_w, fc2_b, fc3_w, fc3_b,
           fc4_w, fc4_b, fc5_w, fc5_b):
    src = edge_index[0].astype(jnp.int32)
    dst = edge_index[1].astype(jnp.int32)
    src_g = _pad_idx(src).reshape(NW, ROWS_PER_W, EB)
    dst_g = _pad_idx(dst).reshape(NW, ROWS_PER_W, EB)
    src_s = src.reshape(N_BLK, EB)
    dst_s = dst.reshape(N_BLK, EB)

    h_v0 = _node_embed(variable_features, Wv, bv)
    e = _edge_embed(edge_attr, We, be).reshape(N_BLK, EB, H)

    msgc_parts = _sc_pass(h_v0, dst_g, src_s, e)
    h_c = _update(constraint_features, Wc, bc, msgc_parts, Wmc)

    msgv_parts = _sc_pass(h_c, src_g, dst_s, e)

    head = [ln1_g.reshape(1, H), ln1_b.reshape(1, H),
            ln2_g.reshape(1, 128), ln2_b.reshape(1, 128),
            ln3_g.reshape(1, 256), ln3_b.reshape(1, 256),
            fc1_w, fc1_b.reshape(1, 128), fc2_w, fc2_b.reshape(1, 128),
            fc3_w, fc3_b.reshape(1, 256), fc4_w, fc4_b.reshape(1, 128),
            fc5_w, fc5_b.reshape(1, 1)]
    out = _final(h_v0, msgv_parts, Wmv, head)
    return out.reshape(1)

# --- scband reference (transcript-rebuilt; emitter-appended) ---
"""Pipeline reference for scband-critic-mean-83124797046898 (READ-ONLY COPY).

The authoritative reference and input builder live on the scoring server;
editing this copy changes nothing except your own understanding.
"""

import jax, jax.numpy as jnp
import numpy as np

N_CONS = 10000
N_VARS = 10000
N_EDGES = 320000
D_FEAT = 128
D_EDGE = 16
H = 64


def layer_norm(x, g, b, eps=1e-5):
    mu = jnp.mean(x, axis=-1, keepdims=True)
    var = jnp.var(x, axis=-1, keepdims=True)
    return (x - mu) / jnp.sqrt(var + eps) * g + b


def setup_inputs(seed: int = 0) -> dict:
    key = jax.random.key(seed)
    ks = jax.random.split(key, 32)
    s = 0.05
    inp = {}
    inp['constraint_features'] = jax.random.normal(ks[0], (N_CONS, D_FEAT), jnp.float32)
    src = jax.random.randint(ks[1], (1, N_EDGES), 0, N_CONS)
    dst = jax.random.randint(ks[2], (1, N_EDGES), 0, N_VARS)
    inp['edge_index'] = jnp.concatenate([src, dst], axis=0)
    inp['edge_attr'] = jax.random.normal(ks[3], (N_EDGES, D_EDGE), jnp.float32)
    inp['variable_features'] = jax.random.normal(ks[4], (N_VARS, D_FEAT), jnp.float32)
    # gnn_critic network parameters (bipartite message passing, hidden=64)
    inp['Wc'] = jax.random.normal(ks[5], (D_FEAT, H), jnp.float32) * s
    inp['bc'] = jnp.zeros((H,), jnp.float32)
    inp['Wv'] = jax.random.normal(ks[6], (D_FEAT, H), jnp.float32) * s
    inp['bv'] = jnp.zeros((H,), jnp.float32)
    inp['We'] = jax.random.normal(ks[7], (D_EDGE, H), jnp.float32) * s
    inp['be'] = jnp.zeros((H,), jnp.float32)
    inp['Wmc'] = jax.random.normal(ks[8], (H, H), jnp.float32) * s
    inp['Wmv'] = jax.random.normal(ks[9], (H, H), jnp.float32) * s
    # Critic_mean head params
    inp['ln1_g'] = jnp.ones((64,), jnp.float32)
    inp['ln1_b'] = jnp.zeros((64,), jnp.float32)
    inp['ln2_g'] = jnp.ones((128,), jnp.float32)
    inp['ln2_b'] = jnp.zeros((128,), jnp.float32)
    inp['ln3_g'] = jnp.ones((256,), jnp.float32)
    inp['ln3_b'] = jnp.zeros((256,), jnp.float32)
    inp['fc1_w'] = jax.random.normal(ks[10], (64, 128), jnp.float32) * s
    inp['fc1_b'] = jnp.zeros((128,), jnp.float32)
    inp['fc2_w'] = jax.random.normal(ks[11], (128, 128), jnp.float32) * s
    inp['fc2_b'] = jnp.zeros((128,), jnp.float32)
    inp['fc3_w'] = jax.random.normal(ks[12], (128, 256), jnp.float32) * s
    inp['fc3_b'] = jnp.zeros((256,), jnp.float32)
    inp['fc4_w'] = jax.random.normal(ks[13], (256, 128), jnp.float32) * s
    inp['fc4_b'] = jnp.zeros((128,), jnp.float32)
    inp['fc5_w'] = jax.random.normal(ks[14], (128, 1), jnp.float32) * s
    inp['fc5_b'] = jnp.zeros((1,), jnp.float32)
    return inp


def reference(constraint_features, edge_index, edge_attr, variable_features,
              Wc, bc, Wv, bv, We, be, Wmc, Wmv,
              ln1_g, ln1_b, ln2_g, ln2_b, ln3_g, ln3_b,
              fc1_w, fc1_b, fc2_w, fc2_b, fc3_w, fc3_b,
              fc4_w, fc4_b, fc5_w, fc5_b):
    src = edge_index[0]
    dst = edge_index[1]
    # node / edge embeddings
    h_c = jax.nn.relu(constraint_features @ Wc + bc)
    h_v = jax.nn.relu(variable_features @ Wv + bv)
    e = jax.nn.relu(edge_attr @ We + be)
    # variable -> constraint message passing (gather + scatter-add)
    msg_c = jax.ops.segment_sum(jnp.take(h_v, dst, axis=0) * e, src, num_segments=N_CONS)
    h_c = jax.nn.relu(h_c + msg_c @ Wmc)
    # constraint -> variable message passing
    msg_v = jax.ops.segment_sum(jnp.take(h_c, src, axis=0) * e, dst, num_segments=N_VARS)
    h_v = jax.nn.relu(h_v + msg_v @ Wmv)
    # mean pooling over variable nodes (Critic_mean)
    pooled = jnp.mean(h_v, axis=0)
    x = layer_norm(pooled, ln1_g, ln1_b)
    x = jax.nn.relu(x @ fc1_w + fc1_b)
    x = layer_norm(x, ln2_g, ln2_b)
    x = jax.nn.relu(x @ fc2_w + fc2_b)
    x = x @ fc3_w + fc3_b
    x = jax.nn.relu(layer_norm(x, ln3_g, ln3_b))
    x = jax.nn.relu(x @ fc4_w + fc4_b)
    x = x @ fc5_w + fc5_b
    return x

if __name__ == "__main__":
    import jax
    _d = setup_inputs()
    print(jax.jit(kernel)(*tuple(_d.values())))

</pallas_src>

<mosaic_0001>
#map = affine_map<(d0, d1) -> (0, 0)>
#map1 = affine_map<(d0, d1) -> (0, 0, 0)>
module attributes {stable_mosaic.version = 14 : i64} {
  func.func @k(%arg0: i32, %arg1: i32, %arg2: memref<10240x64xf32, #tpu.memory_space<hbm>>, %arg3: memref<32x79x128xi32, #tpu.memory_space<hbm>>, %arg4: memref<2500x128xi32, #tpu.memory_space<hbm>>, %arg5: memref<2500x128x64xf32, #tpu.memory_space<hbm>>, %arg6: memref<2x10240x64xf32, #tpu.memory_space<hbm>>, %arg7: memref<79x128xi32, #tpu.memory_space<vmem>>, %arg8: memref<128xi32, #tpu.memory_space<vmem>>, %arg9: memref<128xi32, #tpu.memory_space<vmem>>, %arg10: memref<128x64xf32, #tpu.memory_space<vmem>>, %arg11: memref<128x64xf32, #tpu.memory_space<vmem>>, %arg12: memref<128x64xf32, #tpu.memory_space<vmem>>, %arg13: memref<128x64xf32, #tpu.memory_space<vmem>>, %arg14: memref<10240x64xf32, #tpu.memory_space<vmem_shared>>, %arg15: memref<10240x64xf32, #tpu.memory_space<vmem_shared>>, %arg16: memref<!tpu.dma_semaphore, #tpu.memory_space<semaphore_mem>>, %arg17: memref<!tpu.dma_semaphore, #tpu.memory_space<semaphore_mem>>, %arg18: memref<!tpu.dma_semaphore, #tpu.memory_space<semaphore_mem>>, %arg19: memref<!tpu.dma_semaphore, #tpu.memory_space<semaphore_mem>>, %arg20: memref<!tpu.dma_semaphore, #tpu.memory_space<semaphore_mem>>, %arg21: memref<!tpu.dma_semaphore, #tpu.memory_space<semaphore_mem>>) attributes {dimension_semantics = [#tpu.dimension_semantics<core_parallel>, #tpu.dimension_semantics<subcore_parallel>], iteration_bounds = array<i64: 2, 16>, scalar_prefetch = 0 : i64, scratch_operands = 15 : i64, tpu.core_type = #tpu.core_type<sc_vector_subcore>, window_params = [{transform_indices = #map}, {transform_indices = #map1}, {transform_indices = #map}, {transform_indices = #map1}, {transform_indices = #map1}]} {
    %mul3A = arith.constant 16 : i32
    %mul3A_0 = arith.muli %arg0, %mul3A : i32
    %add3A = arith.addi %mul3A_0, %arg1 : i32
    %mul3A_1 = arith.constant 79 : i32
    %mul3A_2 = arith.muli %add3A, %mul3A_1 : i32
    %sub3A = arith.constant 2500 : i32
    %sub3A_3 = arith.subi %sub3A, %mul3A_2 : i32
    %min3A = arith.constant 79 : i32
    %min3A_4 = arith.minsi %min3A, %sub3A_3 : i32
    %parallel_loop3A = arith.constant 0 : i32
    %parallel_loop3A_5 = arith.constant 128 : i32
    %parallel_loop3A_6 = arith.constant 1 : i32
    scf.for %parallel_loop3A_47 = %parallel_loop3A to %parallel_loop3A_5 step %parallel_loop3A_6  : i32 {
      %parallel_loop3A_48 = arith.constant 0.000000e+00 : f32
      %parallel_loop3A_49 = vector.broadcast %parallel_loop3A_48 : f32 to vector<16xf32>
      %parallel_loop3A_50 = arith.index_cast %parallel_loop3A_47 : i32 to index
      %parallel_loop3A_51 = arith.constant 0 : index
      %parallel_loop3A_52 = tpu.vector_load %arg10[%parallel_loop3A_50, %parallel_loop3A_51] {strides = array<i32>} : memref<128x64xf32, #tpu.memory_space<vmem>>, vector<1x16xf32>,
      %parallel_loop3A_53 = vector.shape_cast %parallel_loop3A_52 : vector<1x16xf32> to vector<16xf32>
      %parallel_loop3A_54 = vector.shape_cast %parallel_loop3A_49 : vector<16xf32> to vector<1x16xf32>
      tpu.vector_store %arg10[%parallel_loop3A_50, %parallel_loop3A_51], %parallel_loop3A_54 {strides = array<i32>} : memref<128x64xf32, #tpu.memory_space<vmem>>, vector<1x16xf32>,
      %parallel_loop3A_55 = arith.constant 0.000000e+00 : f32
      %parallel_loop3A_56 = vector.broadcast %parallel_loop3A_55 : f32 to vector<16xf32>
      %parallel_loop3A_57 = arith.index_cast %parallel_loop3A_47 : i32 to index
      %parallel_loop3A_58 = arith.constant 16 : index
      %parallel_loop3A_59 = tpu.vector_load %arg10[%parallel_loop3A_57, %parallel_loop3A_58] {strides = array<i32>} : memref<128x64xf32, #tpu.memory_space<vmem>>, vector<1x16xf32>,
      %parallel_loop3A_60 = vector.shape_cast %parallel_loop3A_59 : vector<1x16xf32> to vector<16xf32>
      %parallel_loop3A_61 = vector.shape_cast %parallel_loop3A_56 : vector<16xf32> to vector<1x16xf32>
      tpu.vector_store %arg10[%parallel_loop3A_57, %parallel_loop3A_58], %parallel_loop3A_61 {strides = array<i32>} : memref<128x64xf32, #tpu.memory_space<vmem>>, vector<1x16xf32>,
      %parallel_loop3A_62 = arith.constant 0.000000e+00 : f32
      %parallel_loop3A_63 = vector.broadcast %parallel_loop3A_62 : f32 to vector<16xf32>
      %parallel_loop3A_64 = arith.index_cast %parallel_loop3A_47 : i32 to index
      %parallel_loop3A_65 = arith.constant 32 : index
      %parallel_loop3A_66 = tpu.vector_load %arg10[%parallel_loop3A_64, %parallel_loop3A_65] {strides = array<i32>} : memref<128x64xf32, #tpu.memory_space<vmem>>, vector<1x16xf32>,
      %parallel_loop3A_67 = vector.shape_cast %parallel_loop3A_66 : vector<1x16xf32> to vector<16xf32>
      %parallel_loop3A_68 = vector.shape_cast %parallel_loop3A_63 : vector<16xf32> to vector<1x16xf32>
      tpu.vector_store %arg10[%parallel_loop3A_64, %parallel_loop3A_65], %parallel_loop3A_68 {strides = array<i32>} : memref<128x64xf32, #tpu.memory_space<vmem>>, vector<1x16xf32>,
      %parallel_loop3A_69 = arith.constant 0.000000e+00 : f32
      %parallel_loop3A_70 = vector.broadcast %parallel_loop3A_69 : f32 to vector<16xf32>
      %parallel_loop3A_71 = arith.index_cast %parallel_loop3A_47 : i32 to index
      %parallel_loop3A_72 = arith.constant 48 : index
      %parallel_loop3A_73 = tpu.vector_load %arg10[%parallel_loop3A_71, %parallel_loop3A_72] {strides = array<i32>} : memref<128x64xf32, #tpu.memory_space<vmem>>, vector<1x16xf32>,
      %parallel_loop3A_74 = vector.shape_cast %parallel_loop3A_73 : vector<1x16xf32> to vector<16xf32>
      %parallel_loop3A_75 = vector.shape_cast %parallel_loop3A_70 : vector<16xf32> to vector<1x16xf32>
      tpu.vector_store %arg10[%parallel_loop3A_71, %parallel_loop3A_72], %parallel_loop3A_75 {strides = array<i32>} : memref<128x64xf32, #tpu.memory_space<vmem>>, vector<1x16xf32>,
    } {sc.loop_unroll_factor = 4 : i64, sc.parallel_access}
    %mul3A_7 = arith.constant 640 : i32
    %mul3A_8 = arith.muli %arg1, %mul3A_7 : i32
    %add3A_9 = arith.constant 0 : i32
    %add3A_10 = arith.addi %mul3A_8, %add3A_9 : i32
    "tpu.region"() ({
      %run_scoped3A = tpu.sem_alloc : memref<!tpu.dma_semaphore, #tpu.memory_space<semaphore_mem>>
      %dma_start3A = arith.constant 0 : i32
      %dma_start3A_47 = tpu.memref_slice %arg14[%add3A_10, %dma_start3A] : memref<10240x64xf32, #tpu.memory_space<vmem_shared>> -> memref<128x64xf32, #tpu.memory_space<vmem_shared>>
      %dma_start3A_48 = arith.constant 0 : i32
      %dma_start3A_49 = tpu.memref_slice %arg14[%add3A_10, %dma_start3A_48] : memref<10240x64xf32, #tpu.memory_space<vmem_shared>> -> memref<128x64xf32, #tpu.memory_space<vmem_shared>>
      tpu.enqueue_dma source(%arg10 : memref<128x64xf32, #tpu.memory_space<vmem>>) target(%dma_start3A_49 : memref<128x64xf32, #tpu.memory_space<vmem_shared>>) target_semaphore(%run_scoped3A : memref<!tpu.dma_semaphore, #tpu.memory_space<semaphore_mem>>)
      %dma_wait3A = arith.constant 0 : i32
      %dma_wait3A_50 = tpu.memref_slice %arg14[%add3A_10, %dma_wait3A] : memref<10240x64xf32, #tpu.memory_space<vmem_shared>> -> memref<128x64xf32, #tpu.memory_space<vmem_shared>>
      %dma_wait3A_51 = arith.constant 0 : i32
      %dma_wait3A_52 = tpu.memref_slice %arg14[%add3A_10, %dma_wait3A_51] : memref<10240x64xf32, #tpu.memory_space<vmem_shared>> -> memref<128x64xf32, #tpu.memory_space<vmem_shared>>
      tpu.wait_dma2 semaphore(%run_scoped3A : memref<!tpu.dma_semaphore, #tpu.memory_space<semaphore_mem>>) src(%arg10 : memref<128x64xf32, #tpu.memory_space<vmem>>) dst(%dma_wait3A_52 : memref<128x64xf32, #tpu.memory_space<vmem_shared>>)
      tpu.yield
    }) : () -> ()
    %mul3A_11 = arith.constant 640 : i32
    %mul3A_12 = arith.muli %arg1, %mul3A_11 : i32
    %add3A_13 = arith.constant 128 : i32
    %add3A_14 = arith.addi %mul3A_12, %add3A_13 : i32
    "tpu.region"() ({
      %run_scoped3A = tpu.sem_alloc : memref<!tpu.dma_semaphore, #tpu.memory_space<semaphore_mem>>
      %dma_start3A = arith.constant 0 : i32
      %dma_start3A_47 = tpu.memref_slice %arg14[%add3A_14, %dma_start3A] : memref<10240x64xf32, #tpu.memory_space<vmem_shared>> -> memref<128x64xf32, #tpu.memory_space<vmem_shared>>
      %dma_start3A_48 = arith.constant 0 : i32
      %dma_start3A_49 = tpu.memref_slice %arg14[%add3A_14, %dma_start3A_48] : memref<10240x64xf32, #tpu.memory_space<vmem_shared>> -> memref<128x64xf32, #tpu.memory_space<vmem_shared>>
      tpu.enqueue_dma source(%arg10 : memref<128x64xf32, #tpu.memory_space<vmem>>) target(%dma_start3A_49 : memref<128x64xf32, #tpu.memory_space<vmem_shared>>) target_semaphore(%run_scoped3A : memref<!tpu.dma_semaphore, #tpu.memory_space<semaphore_mem>>)
      %dma_wait3A = arith.constant 0 : i32
      %dma_wait3A_50 = tpu.memref_slice %arg14[%add3A_14, %dma_wait3A] : memref<10240x64xf32, #tpu.memory_space<vmem_shared>> -> memref<128x64xf32, #tpu.memory_space<vmem_shared>>
      %dma_wait3A_51 = arith.constant 0 : i32
      %dma_wait3A_52 = tpu.memref_slice %arg14[%add3A_14, %dma_wait3A_51] : memref<10240x64xf32, #tpu.memory_space<vmem_shared>> -> memref<128x64xf32, #tpu.memory_space<vmem_shared>>
      tpu.wait_dma2 semaphore(%run_scoped3A : memref<!tpu.dma_semaphore, #tpu.memory_space<semaphore_mem>>) src(%arg10 : memref<128x64xf32, #tpu.memory_space<vmem>>) dst(%dma_wait3A_52 : memref<128x64xf32, #tpu.memory_space<vmem_shared>>)
      tpu.yield
    }) : () -> ()
    %mul3A_15 = arith.constant 640 : i32
    %mul3A_16 = arith.muli %arg1, %mul3A_15 : i32
    %add3A_17 = arith.constant 256 : i32
    %add3A_18 = arith.addi %mul3A_16, %add3A_17 : i32
    "tpu.region"() ({
      %run_scoped3A = tpu.sem_alloc : memref<!tpu.dma_semaphore, #tpu.memory_space<semaphore_mem>>
      %dma_start3A = arith.constant 0 : i32
      %dma_start3A_47 = tpu.memref_slice %arg14[%add3A_18, %dma_start3A] : memref<10240x64xf32, #tpu.memory_space<vmem_shared>> -> memref<128x64xf32, #tpu.memory_space<vmem_shared>>
      %dma_start3A_48 = arith.constant 0 : i32
      %dma_start3A_49 = tpu.memref_slice %arg14[%add3A_18, %dma_start3A_48] : memref<10240x64xf32, #tpu.memory_space<vmem_shared>> -> memref<128x64xf32, #tpu.memory_space<vmem_shared>>
      tpu.enqueue_dma source(%arg10 : memref<128x64xf32, #tpu.memory_space<vmem>>) target(%dma_start3A_49 : memref<128x64xf32, #tpu.memory_space<vmem_shared>>) target_semaphore(%run_scoped3A : memref<!tpu.dma_semaphore, #tpu.memory_space<semaphore_mem>>)
      %dma_wait3A = arith.constant 0 : i32
      %dma_wait3A_50 = tpu.memref_slice %arg14[%add3A_18, %dma_wait3A] : memref<10240x64xf32, #tpu.memory_space<vmem_shared>> -> memref<128x64xf32, #tpu.memory_space<vmem_shared>>
      %dma_wait3A_51 = arith.constant 0 : i32
      %dma_wait3A_52 = tpu.memref_slice %arg14[%add3A_18, %dma_wait3A_51] : memref<10240x64xf32, #tpu.memory_space<vmem_shared>> -> memref<128x64xf32, #tpu.memory_space<vmem_shared>>
      tpu.wait_dma2 semaphore(%run_scoped3A : memref<!tpu.dma_semaphore, #tpu.memory_space<semaphore_mem>>) src(%arg10 : memref<128x64xf32, #tpu.memory_space<vmem>>) dst(%dma_wait3A_52 : memref<128x64xf32, #tpu.memory_space<vmem_shared>>)
      tpu.yield
    }) : () -> ()
    %mul3A_19 = arith.constant 640 : i32
    %mul3A_20 = arith.muli %arg1, %mul3A_19 : i32
    %add3A_21 = arith.constant 384 : i32
    %add3A_22 = arith.addi %mul3A_20, %add3A_21 : i32
    "tpu.region"() ({
      %run_scoped3A = tpu.sem_alloc : memref<!tpu.dma_semaphore, #tpu.memory_space<semaphore_mem>>
      %dma_start3A = arith.constant 0 : i32
      %dma_start3A_47 = tpu.memref_slice %arg14[%add3A_22, %dma_start3A] : memref<10240x64xf32, #tpu.memory_space<vmem_shared>> -> memref<128x64xf32, #tpu.memory_space<vmem_shared>>
      %dma_start3A_48 = arith.constant 0 : i32
      %dma_start3A_49 = tpu.memref_slice %arg14[%add3A_22, %dma_start3A_48] : memref<10240x64xf32, #tpu.memory_space<vmem_shared>> -> memref<128x64xf32, #tpu.memory_space<vmem_shared>>
      tpu.enqueue_dma source(%arg10 : memref<128x64xf32, #tpu.memory_space<vmem>>) target(%dma_start3A_49 : memref<128x64xf32, #tpu.memory_space<vmem_shared>>) target_semaphore(%run_scoped3A : memref<!tpu.dma_semaphore, #tpu.memory_space<semaphore_mem>>)
      %dma_wait3A = arith.constant 0 : i32
      %dma_wait3A_50 = tpu.memref_slice %arg14[%add3A_22, %dma_wait3A] : memref<10240x64xf32, #tpu.memory_space<vmem_shared>> -> memref<128x64xf32, #tpu.memory_space<vmem_shared>>
      %dma_wait3A_51 = arith.constant 0 : i32
      %dma_wait3A_52 = tpu.memref_slice %arg14[%add3A_22, %dma_wait3A_51] : memref<10240x64xf32, #tpu.memory_space<vmem_shared>> -> memref<128x64xf32, #tpu.memory_space<vmem_shared>>
      tpu.wait_dma2 semaphore(%run_scoped3A : memref<!tpu.dma_semaphore, #tpu.memory_space<semaphore_mem>>) src(%arg10 : memref<128x64xf32, #tpu.memory_space<vmem>>) dst(%dma_wait3A_52 : memref<128x64xf32, #tpu.memory_space<vmem_shared>>)
      tpu.yield
    }) : () -> ()
    %mul3A_23 = arith.constant 640 : i32
    %mul3A_24 = arith.muli %arg1, %mul3A_23 : i32
    %add3A_25 = arith.constant 512 : i32
    %add3A_26 = arith.addi %mul3A_24, %add3A_25 : i32
    "tpu.region"() ({
      %run_scoped3A = tpu.sem_alloc : memref<!tpu.dma_semaphore, #tpu.memory_space<semaphore_mem>>
      %dma_start3A = arith.constant 0 : i32
      %dma_start3A_47 = tpu.memref_slice %arg14[%add3A_26, %dma_start3A] : memref<10240x64xf32, #tpu.memory_space<vmem_shared>> -> memref<128x64xf32, #tpu.memory_space<vmem_shared>>
      %dma_start3A_48 = arith.constant 0 : i32
      %dma_start3A_49 = tpu.memref_slice %arg14[%add3A_26, %dma_start3A_48] : memref<10240x64xf32, #tpu.memory_space<vmem_shared>> -> memref<128x64xf32, #tpu.memory_space<vmem_shared>>
      tpu.enqueue_dma source(%arg10 : memref<128x64xf32, #tpu.memory_space<vmem>>) target(%dma_start3A_49 : memref<128x64xf32, #tpu.memory_space<vmem_shared>>) target_semaphore(%run_scoped3A : memref<!tpu.dma_semaphore, #tpu.memory_space<semaphore_mem>>)
      %dma_wait3A = arith.constant 0 : i32
      %dma_wait3A_50 = tpu.memref_slice %arg14[%add3A_26, %dma_wait3A] : memref<10240x64xf32, #tpu.memory_space<vmem_shared>> -> memref<128x64xf32, #tpu.memory_space<vmem_shared>>
      %dma_wait3A_51 = arith.constant 0 : i32
      %dma_wait3A_52 = tpu.memref_slice %arg14[%add3A_26, %dma_wait3A_51] : memref<10240x64xf32, #tpu.memory_space<vmem_shared>> -> memref<128x64xf32, #tpu.memory_space<vmem_shared>>
      tpu.wait_dma2 semaphore(%run_scoped3A : memref<!tpu.dma_semaphore, #tpu.memory_space<semaphore_mem>>) src(%arg10 : memref<128x64xf32, #tpu.memory_space<vmem>>) dst(%dma_wait3A_52 : memref<128x64xf32, #tpu.memory_space<vmem_shared>>)
      tpu.yield
    }) : () -> ()
    %mul3A_27 = arith.constant 640 : i32
    %mul3A_28 = arith.muli %arg1, %mul3A_27 : i32
    %mul3A_29 = arith.constant 640 : i32
    %mul3A_30 = arith.muli %arg1, %mul3A_29 : i32
    "tpu.region"() ({
      %run_scoped3A = tpu.sem_alloc : memref<!tpu.dma_semaphore, #tpu.memory_space<semaphore_mem>>
      %dma_start3A = arith.constant 0 : i32
      %dma_start3A_47 = tpu.memref_slice %arg15[%mul3A_30, %dma_start3A] : memref<10240x64xf32, #tpu.memory_space<vmem_shared>> -> memref<640x64xf32, #tpu.memory_space<vmem_shared>>
      %dma_start3A_48 = arith.constant 0 : i32
      %dma_start3A_49 = tpu.memref_slice %arg2[%mul3A_28, %dma_start3A_48] : memref<10240x64xf32, #tpu.memory_space<hbm>> -> memref<640x64xf32, #tpu.memory_space<hbm>>
      tpu.enqueue_dma source(%dma_start3A_49 : memref<640x64xf32, #tpu.memory_space<hbm>>) target(%dma_start3A_47 : memref<640x64xf32, #tpu.memory_space<vmem_shared>>) target_semaphore(%run_scoped3A : memref<!tpu.dma_semaphore, #tpu.memory_space<semaphore_mem>>)
      %dma_wait3A = arith.constant 0 : i32
      %dma_wait3A_50 = tpu.memref_slice %arg15[%mul3A_30, %dma_wait3A] : memref<10240x64xf32, #tpu.memory_space<vmem_shared>> -> memref<640x64xf32, #tpu.memory_space<vmem_shared>>
      %dma_wait3A_51 = arith.constant 0 : i32
      %dma_wait3A_52 = tpu.memref_slice %arg2[%mul3A_28, %dma_wait3A_51] : memref<10240x64xf32, #tpu.memory_space<hbm>> -> memref<640x64xf32, #tpu.memory_space<hbm>>
      tpu.wait_dma2 semaphore(%run_scoped3A : memref<!tpu.dma_semaphore, #tpu.memory_space<semaphore_mem>>) src(%dma_wait3A_52 : memref<640x64xf32, #tpu.memory_space<hbm>>) dst(%dma_wait3A_50 : memref<640x64xf32, #tpu.memory_space<vmem_shared>>)
      tpu.yield
    }) : () -> ()
    "tpu.region"() ({
      %run_scoped3A = tpu.sem_alloc : memref<!tpu.dma_semaphore, #tpu.memory_space<semaphore_mem>>
      %dma_start3A = arith.constant 0 : i32
      %dma_start3A_47 = arith.constant 0 : i32
      %dma_start3A_48 = tpu.memref_slice %arg3[%add3A, %dma_start3A, %dma_start3A_47] : memref<32x79x128xi32, #tpu.memory_space<hbm>> -> memref<1x79x128xi32, #tpu.memory_space<hbm>>
      %dma_start3A_49 = tpu.memref_squeeze %dma_start3A_48 : memref<1x79x128xi32, #tpu.memory_space<hbm>> -> memref<79x128xi32, #tpu.memory_space<hbm>>
      %dma_start3A_50 = arith.constant 0 : i32
      %dma_start3A_51 = arith.constant 0 : i32
      %dma_start3A_52 = tpu.memref_slice %arg3[%add3A, %dma_start3A_50, %dma_start3A_51] : memref<32x79x128xi32, #tpu.memory_space<hbm>> -> memref<1x79x128xi32, #tpu.memory_space<hbm>>
      %dma_start3A_53 = tpu.memref_squeeze %dma_start3A_52 : memref<1x79x128xi32, #tpu.memory_space<hbm>> -> memref<79x128xi32, #tpu.memory_space<hbm>>
      tpu.enqueue_dma source(%dma_start3A_53 : memref<79x128xi32, #tpu.memory_space<hbm>>) target(%arg7 : memref<79x128xi32, #tpu.memory_space<vmem>>) target_semaphore(%run_scoped3A : memref<!tpu.dma_semaphore, #tpu.memory_space<semaphore_mem>>)
      %dma_wait3A = arith.constant 0 : i32
      %dma_wait3A_54 = arith.constant 0 : i32
      %dma_wait3A_55 = tpu.memref_slice %arg3[%add3A, %dma_wait3A, %dma_wait3A_54] : memref<32x79x128xi32, #tpu.memory_space<hbm>> -> memref<1x79x128xi32, #tpu.memory_space<hbm>>
      %dma_wait3A_56 = tpu.memref_squeeze %dma_wait3A_55 : memref<1x79x128xi32, #tpu.memory_space<hbm>> -> memref<79x128xi32, #tpu.memory_space<hbm>>
      %dma_wait3A_57 = arith.constant 0 : i32
      %dma_wait3A_58 = arith.constant 0 : i32
      %dma_wait3A_59 = tpu.memref_slice %arg3[%add3A, %dma_wait3A_57, %dma_wait3A_58] : memref<32x79x128xi32, #tpu.memory_space<hbm>> -> memref<1x79x128xi32, #tpu.memory_space<hbm>>
      %dma_wait3A_60 = tpu.memref_squeeze %dma_wait3A_59 : memref<1x79x128xi32, #tpu.memory_space<hbm>> -> memref<79x128xi32, #tpu.memory_space<hbm>>
      tpu.wait_dma2 semaphore(%run_scoped3A : memref<!tpu.dma_semaphore, #tpu.memory_space<semaphore_mem>>) src(%dma_wait3A_60 : memref<79x128xi32, #tpu.memory_space<hbm>>) dst(%arg7 : memref<79x128xi32, #tpu.memory_space<vmem>>)
      tpu.yield
    }) : () -> ()
    %barrier3A = arith.constant 0 : index
    tpu.barrier barrier_id(%barrier3A)
    %gt3A = arith.constant 0 : i32
    %gt3A_31 = arith.cmpi sgt, %min3A_4, %gt3A : i32
    %convert_element_type3A = arith.extui %gt3A_31 : i1 to i32
    %cond3A = arith.constant 0 : i32
    %cond3A_32 = arith.cmpi ne, %convert_element_type3A, %cond3A : i32
    scf.if %cond3A_32 {
      %add3A_47 = arith.constant 0 : i32
      %add3A_48 = arith.addi %mul3A_2, %add3A_47 : i32
      %dma_start3A = arith.constant 0 : i32
      %dma_start3A_49 = arith.constant 0 : i32
      %dma_start3A_50 = tpu.memref_slice %arg5[%add3A_48, %dma_start3A, %dma_start3A_49] : memref<2500x128x64xf32, #tpu.memory_space<hbm>> -> memref<1x128x64xf32, #tpu.memory_space<hbm>>
      %dma_start3A_51 = tpu.memref_squeeze %dma_start3A_50 : memref<1x128x64xf32, #tpu.memory_space<hbm>> -> memref<128x64xf32, #tpu.memory_space<hbm>>
      %dma_start3A_52 = arith.constant 0 : i32
      %dma_start3A_53 = arith.constant 0 : i32
      %dma_start3A_54 = tpu.memref_slice %arg5[%add3A_48, %dma_start3A_52, %dma_start3A_53] : memref<2500x128x64xf32, #tpu.memory_space<hbm>> -> memref<1x128x64xf32, #tpu.memory_space<hbm>>
      %dma_start3A_55 = tpu.memref_squeeze %dma_start3A_54 : memref<1x128x64xf32, #tpu.memory_space<hbm>> -> memref<128x64xf32, #tpu.memory_space<hbm>>
      tpu.enqueue_dma source(%dma_start3A_55 : memref<128x64xf32, #tpu.memory_space<hbm>>) target(%arg12 : memref<128x64xf32, #tpu.memory_space<vmem>>) target_semaphore(%arg18 : memref<!tpu.dma_semaphore, #tpu.memory_space<semaphore_mem>>)
      %add3A_56 = arith.constant 0 : i32
      %add3A_57 = arith.addi %mul3A_2, %add3A_56 : i32
      %dma_start3A_58 = arith.constant 0 : i32
      %dma_start3A_59 = tpu.memref_slice %arg4[%add3A_57, %dma_start3A_58] : memref<2500x128xi32, #tpu.memory_space<hbm>> -> memref<1x128xi32, #tpu.memory_space<hbm>>
      %dma_start3A_60 = tpu.memref_squeeze %dma_start3A_59 : memref<1x128xi32, #tpu.memory_space<hbm>> -> memref<128xi32, #tpu.memory_space<hbm>>
      %dma_start3A_61 = arith.constant 0 : i32
      %dma_start3A_62 = tpu.memref_slice %arg4[%add3A_57, %dma_start3A_61] : memref<2500x128xi32, #tpu.memory_space<hbm>> -> memref<1x128xi32, #tpu.memory_space<hbm>>
      %dma_start3A_63 = tpu.memref_squeeze %dma_start3A_62 : memref<1x128xi32, #tpu.memory_space<hbm>> -> memref<128xi32, #tpu.memory_space<hbm>>
      tpu.enqueue_dma source(%dma_start3A_63 : memref<128xi32, #tpu.memory_space<hbm>>) target(%arg8 : memref<128xi32, #tpu.memory_space<vmem>>) target_semaphore(%arg20 : memref<!tpu.dma_semaphore, #tpu.memory_space<semaphore_mem>>)
      %dma_start3A_64 = arith.constant 0 : i32
      %dma_start3A_65 = arith.constant 0 : i32
      %dma_start3A_66 = tpu.memref_slice %arg7[%dma_start3A_64, %dma_start3A_65] : memref<79x128xi32, #tpu.memory_space<vmem>> -> memref<1x128xi32, #tpu.memory_space<vmem>>
      %dma_start3A_67 = tpu.memref_squeeze %dma_start3A_66 : memref<1x128xi32, #tpu.memory_space<vmem>> -> memref<128xi32, #tpu.memory_space<vmem>>
      %dma_start3A_68 = arith.constant 0 : i32
      %dma_start3A_69 = arith.constant 0 : i32
      %dma_start3A_70 = tpu.memref_slice %arg15[%dma_start3A_68, %dma_start3A_69] : memref<10240x64xf32, #tpu.memory_space<vmem_shared>> -> memref<10240x64xf32, #tpu.memory_space<vmem_shared>>
      tpu.enqueue_indirect_dma source(%dma_start3A_70 : memref<10240x64xf32, #tpu.memory_space<vmem_shared>>) target(%arg10 : memref<128x64xf32, #tpu.memory_space<vmem>>) offsets(%dma_start3A_67 : memref<128xi32, #tpu.memory_space<vmem>>) semaphore(%arg16 : memref<!tpu.dma_semaphore, #tpu.memory_space<semaphore_mem>>)
    } else {
    }
    %gt3A_33 = arith.constant 1 : i32
    %gt3A_34 = arith.cmpi sgt, %min3A_4, %gt3A_33 : i32
    %convert_element_type3A_35 = arith.extui %gt3A_34 : i1 to i32
    %cond3A_36 = arith.constant 0 : i32
    %cond3A_37 = arith.cmpi ne, %convert_element_type3A_35, %cond3A_36 : i32
    scf.if %cond3A_37 {
      %add3A_47 = arith.constant 1 : i32
      %add3A_48 = arith.addi %mul3A_2, %add3A_47 : i32
      %dma_start3A = arith.constant 0 : i32
      %dma_start3A_49 = arith.constant 0 : i32
      %dma_start3A_50 = tpu.memref_slice %arg5[%add3A_48, %dma_start3A, %dma_start3A_49] : memref<2500x128x64xf32, #tpu.memory_space<hbm>> -> memref<1x128x64xf32, #tpu.memory_space<hbm>>
      %dma_start3A_51 = tpu.memref_squeeze %dma_start3A_50 : memref<1x128x64xf32, #tpu.memory_space<hbm>> -> memref<128x64xf32, #tpu.memory_space<hbm>>
      %dma_start3A_52 = arith.constant 0 : i32
      %dma_start3A_53 = arith.constant 0 : i32
      %dma_start3A_54 = tpu.memref_slice %arg5[%add3A_48, %dma_start3A_52, %dma_start3A_53] : memref<2500x128x64xf32, #tpu.memory_space<hbm>> -> memref<1x128x64xf32, #tpu.memory_space<hbm>>
      %dma_start3A_55 = tpu.memref_squeeze %dma_start3A_54 : memref<1x128x64xf32, #tpu.memory_space<hbm>> -> memref<128x64xf32, #tpu.memory_space<hbm>>
      tpu.enqueue_dma source(%dma_start3A_55 : memref<128x64xf32, #tpu.memory_space<hbm>>) target(%arg13 : memref<128x64xf32, #tpu.memory_space<vmem>>) target_semaphore(%arg19 : memref<!tpu.dma_semaphore, #tpu.memory_space<semaphore_mem>>)
      %add3A_56 = arith.constant 1 : i32
      %add3A_57 = arith.addi %mul3A_2, %add3A_56 : i32
      %dma_start3A_58 = arith.constant 0 : i32
      %dma_start3A_59 = tpu.memref_slice %arg4[%add3A_57, %dma_start3A_58] : memref<2500x128xi32, #tpu.memory_space<hbm>> -> memref<1x128xi32, #tpu.memory_space<hbm>>
      %dma_start3A_60 = tpu.memref_squeeze %dma_start3A_59 : memref<1x128xi32, #tpu.memory_space<hbm>> -> memref<128xi32, #tpu.memory_space<hbm>>
      %dma_start3A_61 = arith.constant 0 : i32
      %dma_start3A_62 = tpu.memref_slice %arg4[%add3A_57, %dma_start3A_61] : memref<2500x128xi32, #tpu.memory_space<hbm>> -> memref<1x128xi32, #tpu.memory_space<hbm>>
      %dma_start3A_63 = tpu.memref_squeeze %dma_start3A_62 : memref<1x128xi32, #tpu.memory_space<hbm>> -> memref<128xi32, #tpu.memory_space<hbm>>
      tpu.enqueue_dma source(%dma_start3A_63 : memref<128xi32, #tpu.memory_space<hbm>>) target(%arg9 : memref<128xi32, #tpu.memory_space<vmem>>) target_semaphore(%arg21 : memref<!tpu.dma_semaphore, #tpu.memory_space<semaphore_mem>>)
      %dma_start3A_64 = arith.constant 1 : i32
      %dma_start3A_65 = arith.constant 0 : i32
      %dma_start3A_66 = tpu.memref_slice %arg7[%dma_start3A_64, %dma_start3A_65] : memref<79x128xi32, #tpu.memory_space<vmem>> -> memref<1x128xi32, #tpu.memory_space<vmem>>
      %dma_start3A_67 = tpu.memref_squeeze %dma_start3A_66 : memref<1x128xi32, #tpu.memory_space<vmem>> -> memref<128xi32, #tpu.memory_space<vmem>>
      %dma_start3A_68 = arith.constant 0 : i32
      %dma_start3A_69 = arith.constant 0 : i32
      %dma_start3A_70 = tpu.memref_slice %arg2[%dma_start3A_68, %dma_start3A_69] : memref<10240x64xf32, #tpu.memory_space<hbm>> -> memref<10240x64xf32, #tpu.memory_space<hbm>>
      tpu.enqueue_indirect_dma source(%dma_start3A_70 : memref<10240x64xf32, #tpu.memory_space<hbm>>) target(%arg11 : memref<128x64xf32, #tpu.memory_space<vmem>>) offsets(%dma_start3A_67 : memref<128xi32, #tpu.memory_space<vmem>>) semaphore(%arg17 : memref<!tpu.dma_semaphore, #tpu.memory_space<semaphore_mem>>)
    } else {
    }
    %scan3A = arith.constant 0 : i32
    %scan3A_38 = arith.constant 40 : i32
    %scan3A_39 = arith.addi %scan3A, %scan3A_38 : i32
    %scan3A_40 = arith.constant 1 : i32
    scf.for %scan3A_47 = %scan3A to %scan3A_39 step %scan3A_40  : i32 {
      %mul3A_48 = arith.constant 2 : i32
      %mul3A_49 = arith.muli %scan3A_47, %mul3A_48 : i32
      %add3A_50 = arith.constant 0 : i32
      %add3A_51 = arith.addi %add3A_50, %mul3A_49 : i32
      %add3A_52 = arith.constant 0 : i32
      %add3A_53 = arith.addi %add3A_51, %add3A_52 : i32
      %lt3A = arith.cmpi slt, %add3A_53, %min3A_4 : i32
      %convert_element_type3A_54 = arith.extui %lt3A : i1 to i32
      %cond3A_55 = arith.constant 0 : i32
      %cond3A_56 = arith.cmpi ne, %convert_element_type3A_54, %cond3A_55 : i32
      scf.if %cond3A_56 {
        %add3A_75 = arith.addi %mul3A_2, %add3A_53 : i32
        %dma_wait3A = arith.constant 0 : i32
        %dma_wait3A_76 = arith.constant 0 : i32
        %dma_wait3A_77 = tpu.memref_slice %arg5[%add3A_75, %dma_wait3A, %dma_wait3A_76] : memref<2500x128x64xf32, #tpu.memory_space<hbm>> -> memref<1x128x64xf32, #tpu.memory_space<hbm>>
        %dma_wait3A_78 = tpu.memref_squeeze %dma_wait3A_77 : memref<1x128x64xf32, #tpu.memory_space<hbm>> -> memref<128x64xf32, #tpu.memory_space<hbm>>
        %dma_wait3A_79 = arith.constant 0 : i32
        %dma_wait3A_80 = arith.constant 0 : i32
        %dma_wait3A_81 = tpu.memref_slice %arg5[%add3A_75, %dma_wait3A_79, %dma_wait3A_80] : memref<2500x128x64xf32, #tpu.memory_space<hbm>> -> memref<1x128x64xf32, #tpu.memory_space<hbm>>
        %dma_wait3A_82 = tpu.memref_squeeze %dma_wait3A_81 : memref<1x128x64xf32, #tpu.memory_space<hbm>> -> memref<128x64xf32, #tpu.memory_space<hbm>>
        tpu.wait_dma2 semaphore(%arg18 : memref<!tpu.dma_semaphore, #tpu.memory_space<semaphore_mem>>) src(%dma_wait3A_82 : memref<128x64xf32, #tpu.memory_space<hbm>>) dst(%arg12 : memref<128x64xf32, #tpu.memory_space<vmem>>)
        %dma_wait3A_83 = arith.constant 0 : i32
        %dma_wait3A_84 = tpu.memref_slice %arg7[%add3A_53, %dma_wait3A_83] : memref<79x128xi32, #tpu.memory_space<vmem>> -> memref<1x128xi32, #tpu.memory_space<vmem>>
        %dma_wait3A_85 = tpu.memref_squeeze %dma_wait3A_84 : memref<1x128xi32, #tpu.memory_space<vmem>> -> memref<128xi32, #tpu.memory_space<vmem>>
        %dma_wait3A_86 = arith.constant 0 : i32
        %dma_wait3A_87 = arith.constant 0 : i32
        %dma_wait3A_88 = tpu.memref_slice %arg15[%dma_wait3A_86, %dma_wait3A_87] : memref<10240x64xf32, #tpu.memory_space<vmem_shared>> -> memref<10240x64xf32, #tpu.memory_space<vmem_shared>>
        tpu.wait_indirect_dma semaphore(%arg16 : memref<!tpu.dma_semaphore, #tpu.memory_space<semaphore_mem>>) src(%dma_wait3A_88 : memref<10240x64xf32, #tpu.memory_space<vmem_shared>>) dst(%arg10 : memref<128x64xf32, #tpu.memory_space<vmem>>)
        %parallel_loop3A_89 = arith.constant 0 : i32
        %parallel_loop3A_90 = arith.constant 128 : i32
        %parallel_loop3A_91 = arith.constant 1 : i32
        scf.for %parallel_loop3A_99 = %parallel_loop3A_89 to %parallel_loop3A_90 step %parallel_loop3A_91  : i32 {
          %parallel_loop3A_100 = arith.index_cast %parallel_loop3A_99 : i32 to index
          %parallel_loop3A_101 = arith.constant 0 : index
          %parallel_loop3A_102 = tpu.vector_load %arg10[%parallel_loop3A_100, %parallel_loop3A_101] {strides = array<i32>} : memref<128x64xf32, #tpu.memory_space<vmem>>, vector<1x16xf32>,
          %parallel_loop3A_103 = vector.shape_cast %parallel_loop3A_102 : vector<1x16xf32> to vector<16xf32>
          %parallel_loop3A_104 = arith.index_cast %parallel_loop3A_99 : i32 to index
          %parallel_loop3A_105 = arith.constant 0 : index
          %parallel_loop3A_106 = tpu.vector_load %arg12[%parallel_loop3A_104, %parallel_loop3A_105] {strides = array<i32>} : memref<128x64xf32, #tpu.memory_space<vmem>>, vector<1x16xf32>,
          %parallel_loop3A_107 = vector.shape_cast %parallel_loop3A_106 : vector<1x16xf32> to vector<16xf32>
          %parallel_loop3A_108 = arith.mulf %parallel_loop3A_103, %parallel_loop3A_107 : vector<16xf32>
          %parallel_loop3A_109 = arith.index_cast %parallel_loop3A_99 : i32 to index
          %parallel_loop3A_110 = arith.constant 0 : index
          %parallel_loop3A_111 = tpu.vector_load %arg10[%parallel_loop3A_109, %parallel_loop3A_110] {strides = array<i32>} : memref<128x64xf32, #tpu.memory_space<vmem>>, vector<1x16xf32>,
          %parallel_loop3A_112 = vector.shape_cast %parallel_loop3A_111 : vector<1x16xf32> to vector<16xf32>
          %parallel_loop3A_113 = vector.shape_cast %parallel_loop3A_108 : vector<16xf32> to vector<1x16xf32>
          tpu.vector_store %arg10[%parallel_loop3A_109, %parallel_loop3A_110], %parallel_loop3A_113 {strides = array<i32>} : memref<128x64xf32, #tpu.memory_space<vmem>>, vector<1x16xf32>,
          %parallel_loop3A_114 = arith.index_cast %parallel_loop3A_99 : i32 to index
          %parallel_loop3A_115 = arith.constant 16 : index
          %parallel_loop3A_116 = tpu.vector_load %arg10[%parallel_loop3A_114, %parallel_loop3A_115] {strides = array<i32>} : memref<128x64xf32, #tpu.memory_space<vmem>>, vector<1x16xf32>,
          %parallel_loop3A_117 = vector.shape_cast %parallel_loop3A_116 : vector<1x16xf32> to vector<16xf32>
          %parallel_loop3A_118 = arith.index_cast %parallel_loop3A_99 : i32 to index
          %parallel_loop3A_119 = arith.constant 16 : index
          %parallel_loop3A_120 = tpu.vector_load %arg12[%parallel_loop3A_118, %parallel_loop3A_119] {strides = array<i32>} : memref<128x64xf32, #tpu.memory_space<vmem>>, vector<1x16xf32>,
          %parallel_loop3A_121 = vector.shape_cast %parallel_loop3A_120 : vector<1x16xf32> to vector<16xf32>
          %parallel_loop3A_122 = arith.mulf %parallel_loop3A_117, %parallel_loop3A_121 : vector<16xf32>
          %parallel_loop3A_123 = arith.index_cast %parallel_loop3A_99 : i32 to index
          %parallel_loop3A_124 = arith.constant 16 : index
          %parallel_loop3A_125 = tpu.vector_load %arg10[%parallel_loop3A_123, %parallel_loop3A_124] {strides = array<i32>} : memref<128x64xf32, #tpu.memory_space<vmem>>, vector<1x16xf32>,
          %parallel_loop3A_126 = vector.shape_cast %parallel_loop3A_125 : vector<1x16xf32> to vector<16xf32>
          %parallel_loop3A_127 = vector.shape_cast %parallel_loop3A_122 : vector<16xf32> to vector<1x16xf32>
          tpu.vector_store %arg10[%parallel_loop3A_123, %parallel_loop3A_124], %parallel_loop3A_127 {strides = array<i32>} : memref<128x64xf32, #tpu.memory_space<vmem>>, vector<1x16xf32>,
          %parallel_loop3A_128 = arith.index_cast %parallel_loop3A_99 : i32 to index
          %parallel_loop3A_129 = arith.constant 32 : index
          %parallel_loop3A_130 = tpu.vector_load %arg10[%parallel_loop3A_128, %parallel_loop3A_129] {strides = array<i32>} : memref<128x64xf32, #tpu.memory_space<vmem>>, vector<1x16xf32>,
          %parallel_loop3A_131 = vector.shape_cast %parallel_loop3A_130 : vector<1x16xf32> to vector<16xf32>
          %parallel_loop3A_132 = arith.index_cast %parallel_loop3A_99 : i32 to index
          %parallel_loop3A_133 = arith.constant 32 : index
          %parallel_loop3A_134 = tpu.vector_load %arg12[%parallel_loop3A_132, %parallel_loop3A_133] {strides = array<i32>} : memref<128x64xf32, #tpu.memory_space<vmem>>, vector<1x16xf32>,
          %parallel_loop3A_135 = vector.shape_cast %parallel_loop3A_134 : vector<1x16xf32> to vector<16xf32>
          %parallel_loop3A_136 = arith.mulf %parallel_loop3A_131, %parallel_loop3A_135 : vector<16xf32>
          %parallel_loop3A_137 = arith.index_cast %parallel_loop3A_99 : i32 to index
          %parallel_loop3A_138 = arith.constant 32 : index
          %parallel_loop3A_139 = tpu.vector_load %arg10[%parallel_loop3A_137, %parallel_loop3A_138] {strides = array<i32>} : memref<128x64xf32, #tpu.memory_space<vmem>>, vector<1x16xf32>,
          %parallel_loop3A_140 = vector.shape_cast %parallel_loop3A_139 : vector<1x16xf32> to vector<16xf32>
          %parallel_loop3A_141 = vector.shape_cast %parallel_loop3A_136 : vector<16xf32> to vector<1x16xf32>
          tpu.vector_store %arg10[%parallel_loop3A_137, %parallel_loop3A_138], %parallel_loop3A_141 {strides = array<i32>} : memref<128x64xf32, #tpu.memory_space<vmem>>, vector<1x16xf32>,
          %parallel_loop3A_142 = arith.index_cast %parallel_loop3A_99 : i32 to index
          %parallel_loop3A_143 = arith.constant 48 : index
          %parallel_loop3A_144 = tpu.vector_load %arg10[%parallel_loop3A_142, %parallel_loop3A_143] {strides = array<i32>} : memref<128x64xf32, #tpu.memory_space<vmem>>, vector<1x16xf32>,
          %parallel_loop3A_145 = vector.shape_cast %parallel_loop3A_144 : vector<1x16xf32> to vector<16xf32>
          %parallel_loop3A_146 = arith.index_cast %parallel_loop3A_99 : i32 to index
          %parallel_loop3A_147 = arith.constant 48 : index
          %parallel_loop3A_148 = tpu.vector_load %arg12[%parallel_loop3A_146, %parallel_loop3A_147] {strides = array<i32>} : memref<128x64xf32, #tpu.memory_space<vmem>>, vector<1x16xf32>,
          %parallel_loop3A_149 = vector.shape_cast %parallel_loop3A_148 : vector<1x16xf32> to vector<16xf32>
          %parallel_loop3A_150 = arith.mulf %parallel_loop3A_145, %parallel_loop3A_149 : vector<16xf32>
          %parallel_loop3A_151 = arith.index_cast %parallel_loop3A_99 : i32 to index
          %parallel_loop3A_152 = arith.constant 48 : index
          %parallel_loop3A_153 = tpu.vector_load %arg10[%parallel_loop3A_151, %parallel_loop3A_152] {strides = array<i32>} : memref<128x64xf32, #tpu.memory_space<vmem>>, vector<1x16xf32>,
          %parallel_loop3A_154 = vector.shape_cast %parallel_loop3A_153 : vector<1x16xf32> to vector<16xf32>
          %parallel_loop3A_155 = vector.shape_cast %parallel_loop3A_150 : vector<16xf32> to vector<1x16xf32>
          tpu.vector_store %arg10[%parallel_loop3A_151, %parallel_loop3A_152], %parallel_loop3A_155 {strides = array<i32>} : memref<128x64xf32, #tpu.memory_space<vmem>>, vector<1x16xf32>,
        } {sc.loop_unroll_factor = 4 : i64, sc.parallel_access}
        %add3A_92 = arith.addi %mul3A_2, %add3A_53 : i32
        %dma_wait3A_93 = arith.constant 0 : i32
        %dma_wait3A_94 = tpu.memref_slice %arg4[%add3A_92, %dma_wait3A_93] : memref<2500x128xi32, #tpu.memory_space<hbm>> -> memref<1x128xi32, #tpu.memory_space<hbm>>
        %dma_wait3A_95 = tpu.memref_squeeze %dma_wait3A_94 : memref<1x128xi32, #tpu.memory_space<hbm>> -> memref<128xi32, #tpu.memory_space<hbm>>
        %dma_wait3A_96 = arith.constant 0 : i32
        %dma_wait3A_97 = tpu.memref_slice %arg4[%add3A_92, %dma_wait3A_96] : memref<2500x128xi32, #tpu.memory_space<hbm>> -> memref<1x128xi32, #tpu.memory_space<hbm>>
        %dma_wait3A_98 = tpu.memref_squeeze %dma_wait3A_97 : memref<1x128xi32, #tpu.memory_space<hbm>> -> memref<128xi32, #tpu.memory_space<hbm>>
        tpu.wait_dma2 semaphore(%arg20 : memref<!tpu.dma_semaphore, #tpu.memory_space<semaphore_mem>>) src(%dma_wait3A_98 : memref<128xi32, #tpu.memory_space<hbm>>) dst(%arg8 : memref<128xi32, #tpu.memory_space<vmem>>)
        "tpu.region"() ({
          %run_scoped3A = tpu.sem_alloc : memref<!tpu.dma_semaphore, #tpu.memory_space<semaphore_mem>>
          %dma_start3A = arith.constant 0 : i32
          %dma_start3A_99 = arith.constant 0 : i32
          %dma_start3A_100 = tpu.memref_slice %arg14[%dma_start3A, %dma_start3A_99] : memref<10240x64xf32, #tpu.memory_space<vmem_shared>> -> memref<10240x64xf32, #tpu.memory_space<vmem_shared>>
          tpu.enqueue_indirect_dma source(%arg10 : memref<128x64xf32, #tpu.memory_space<vmem>>) target(%dma_start3A_100 : memref<10240x64xf32, #tpu.memory_space<vmem_shared>>) offsets(%arg8 : memref<128xi32, #tpu.memory_space<vmem>>) semaphore(%run_scoped3A : memref<!tpu.dma_semaphore, #tpu.memory_space<semaphore_mem>>) {add = true}
          %dma_wait3A_101 = arith.constant 0 : i32
          %dma_wait3A_102 = arith.constant 0 : i32
          %dma_wait3A_103 = tpu.memref_slice %arg14[%dma_wait3A_101, %dma_wait3A_102] : memref<10240x64xf32, #tpu.memory_space<vmem_shared>> -> memref<10240x64xf32, #tpu.memory_space<vmem_shared>>
          tpu.wait_indirect_dma semaphore(%run_scoped3A : memref<!tpu.dma_semaphore, #tpu.memory_space<semaphore_mem>>) src(%arg10 : memref<128x64xf32, #tpu.memory_space<vmem>>) dst(%dma_wait3A_103 : memref<10240x64xf32, #tpu.memory_space<vmem_shared>>)
          tpu.yield
        }) : () -> ()
      } else {
      }
      %add3A_57 = arith.constant 2 : i32
      %add3A_58 = arith.addi %add3A_53, %add3A_57 : i32
      %lt3A_59 = arith.cmpi slt, %add3A_58, %min3A_4 : i32
      %convert_element_type3A_60 = arith.extui %lt3A_59 : i1 to i32
      %cond3A_61 = arith.constant 0 : i32
      %cond3A_62 = arith.cmpi ne, %convert_element_type3A_60, %cond3A_61 : i32
      scf.if %cond3A_62 {
        %add3A_75 = arith.constant 2 : i32
        %add3A_76 = arith.addi %add3A_53, %add3A_75 : i32
        %add3A_77 = arith.addi %mul3A_2, %add3A_76 : i32
        %dma_start3A = arith.constant 0 : i32
        %dma_start3A_78 = arith.constant 0 : i32
        %dma_start3A_79 = tpu.memref_slice %arg5[%add3A_77, %dma_start3A, %dma_start3A_78] : memref<2500x128x64xf32, #tpu.memory_space<hbm>> -> memref<1x128x64xf32, #tpu.memory_space<hbm>>
        %dma_start3A_80 = tpu.memref_squeeze %dma_start3A_79 : memref<1x128x64xf32, #tpu.memory_space<hbm>> -> memref<128x64xf32, #tpu.memory_space<hbm>>
        %dma_start3A_81 = arith.constant 0 : i32
        %dma_start3A_82 = arith.constant 0 : i32
        %dma_start3A_83 = tpu.memref_slice %arg5[%add3A_77, %dma_start3A_81, %dma_start3A_82] : memref<2500x128x64xf32, #tpu.memory_space<hbm>> -> memref<1x128x64xf32, #tpu.memory_space<hbm>>
        %dma_start3A_84 = tpu.memref_squeeze %dma_start3A_83 : memref<1x128x64xf32, #tpu.memory_space<hbm>> -> memref<128x64xf32, #tpu.memory_space<hbm>>
        tpu.enqueue_dma source(%dma_start3A_84 : memref<128x64xf32, #tpu.memory_space<hbm>>) target(%arg12 : memref<128x64xf32, #tpu.memory_space<vmem>>) target_semaphore(%arg18 : memref<!tpu.dma_semaphore, #tpu.memory_space<semaphore_mem>>)
        %add3A_85 = arith.addi %mul3A_2, %add3A_76 : i32
        %dma_start3A_86 = arith.constant 0 : i32
        %dma_start3A_87 = tpu.memref_slice %arg4[%add3A_85, %dma_start3A_86] : memref<2500x128xi32, #tpu.memory_space<hbm>> -> memref<1x128xi32, #tpu.memory_space<hbm>>
        %dma_start3A_88 = tpu.memref_squeeze %dma_start3A_87 : memref<1x128xi32, #tpu.memory_space<hbm>> -> memref<128xi32, #tpu.memory_space<hbm>>
        %dma_start3A_89 = arith.constant 0 : i32
        %dma_start3A_90 = tpu.memref_slice %arg4[%add3A_85, %dma_start3A_89] : memref<2500x128xi32, #tpu.memory_space<hbm>> -> memref<1x128xi32, #tpu.memory_space<hbm>>
        %dma_start3A_91 = tpu.memref_squeeze %dma_start3A_90 : memref<1x128xi32, #tpu.memory_space<hbm>> -> memref<128xi32, #tpu.memory_space<hbm>>
        tpu.enqueue_dma source(%dma_start3A_91 : memref<128xi32, #tpu.memory_space<hbm>>) target(%arg8 : memref<128xi32, #tpu.memory_space<vmem>>) target_semaphore(%arg20 : memref<!tpu.dma_semaphore, #tpu.memory_space<semaphore_mem>>)
        %dma_start3A_92 = arith.constant 0 : i32
        %dma_start3A_93 = tpu.memref_slice %arg7[%add3A_76, %dma_start3A_92] : memref<79x128xi32, #tpu.memory_space<vmem>> -> memref<1x128xi32, #tpu.memory_space<vmem>>
        %dma_start3A_94 = tpu.memref_squeeze %dma_start3A_93 : memref<1x128xi32, #tpu.memory_space<vmem>> -> memref<128xi32, #tpu.memory_space<vmem>>
        %dma_start3A_95 = arith.constant 0 : i32
        %dma_start3A_96 = arith.constant 0 : i32
        %dma_start3A_97 = tpu.memref_slice %arg15[%dma_start3A_95, %dma_start3A_96] : memref<10240x64xf32, #tpu.memory_space<vmem_shared>> -> memref<10240x64xf32, #tpu.memory_space<vmem_shared>>
        tpu.enqueue_indirect_dma source(%dma_start3A_97 : memref<10240x64xf32, #tpu.memory_space<vmem_shared>>) target(%arg10 : memref<128x64xf32, #tpu.memory_space<vmem>>) offsets(%dma_start3A_94 : memref<128xi32, #tpu.memory_space<vmem>>) semaphore(%arg16 : memref<!tpu.dma_semaphore, #tpu.memory_space<semaphore_mem>>)
      } else {
      }
      %add3A_63 = arith.constant 1 : i32
      %add3A_64 = arith.addi %add3A_51, %add3A_63 : i32
      %lt3A_65 = arith.cmpi slt, %add3A_64, %min3A_4 : i32
      %convert_element_type3A_66 = arith.extui %lt3A_65 : i1 to i32
      %cond3A_67 = arith.constant 0 : i32
      %cond3A_68 = arith.cmpi ne, %convert_element_type3A_66, %cond3A_67 : i32
      scf.if %cond3A_68 {
        %add3A_75 = arith.addi %mul3A_2, %add3A_64 : i32
        %dma_wait3A = arith.constant 0 : i32
        %dma_wait3A_76 = arith.constant 0 : i32
        %dma_wait3A_77 = tpu.memref_slice %arg5[%add3A_75, %dma_wait3A, %dma_wait3A_76] : memref<2500x128x64xf32, #tpu.memory_space<hbm>> -> memref<1x128x64xf32, #tpu.memory_space<hbm>>
        %dma_wait3A_78 = tpu.memref_squeeze %dma_wait3A_77 : memref<1x128x64xf32, #tpu.memory_space<hbm>> -> memref<128x64xf32, #tpu.memory_space<hbm>>
        %dma_wait3A_79 = arith.constant 0 : i32
        %dma_wait3A_80 = arith.constant 0 : i32
        %dma_wait3A_81 = tpu.memref_slice %arg5[%add3A_75, %dma_wait3A_79, %dma_wait3A_80] : memref<2500x128x64xf32, #tpu.memory_space<hbm>> -> memref<1x128x64xf32, #tpu.memory_space<hbm>>
        %dma_wait3A_82 = tpu.memref_squeeze %dma_wait3A_81 : memref<1x128x64xf32, #tpu.memory_space<hbm>> -> memref<128x64xf32, #tpu.memory_space<hbm>>
        tpu.wait_dma2 semaphore(%arg19 : memref<!tpu.dma_semaphore, #tpu.memory_space<semaphore_mem>>) src(%dma_wait3A_82 : memref<128x64xf32, #tpu.memory_space<hbm>>) dst(%arg13 : memref<128x64xf32, #tpu.memory_space<vmem>>)
        %dma_wait3A_83 = arith.constant 0 : i32
        %dma_wait3A_84 = tpu.memref_slice %arg7[%add3A_64, %dma_wait3A_83] : memref<79x128xi32, #tpu.memory_space<vmem>> -> memref<1x128xi32, #tpu.memory_space<vmem>>
        %dma_wait3A_85 = tpu.memref_squeeze %dma_wait3A_84 : memref<1x128xi32, #tpu.memory_space<vmem>> -> memref<128xi32, #tpu.memory_space<vmem>>
        %dma_wait3A_86 = arith.constant 0 : i32
        %dma_wait3A_87 = arith.constant 0 : i32
        %dma_wait3A_88 = tpu.memref_slice %arg2[%dma_wait3A_86, %dma_wait3A_87] : memref<10240x64xf32, #tpu.memory_space<hbm>> -> memref<10240x64xf32, #tpu.memory_space<hbm>>
        tpu.wait_indirect_dma semaphore(%arg17 : memref<!tpu.dma_semaphore, #tpu.memory_space<semaphore_mem>>) src(%dma_wait3A_88 : memref<10240x64xf32, #tpu.memory_space<hbm>>) dst(%arg11 : memref<128x64xf32, #tpu.memory_space<vmem>>)
        %parallel_loop3A_89 = arith.constant 0 : i32
        %parallel_loop3A_90 = arith.constant 128 : i32
        %parallel_loop3A_91 = arith.constant 1 : i32
        scf.for %parallel_loop3A_99 = %parallel_loop3A_89 to %parallel_loop3A_90 step %parallel_loop3A_91  : i32 {
          %parallel_loop3A_100 = arith.index_cast %parallel_loop3A_99 : i32 to index
          %parallel_loop3A_101 = arith.constant 0 : index
          %parallel_loop3A_102 = tpu.vector_load %arg11[%parallel_loop3A_100, %parallel_loop3A_101] {strides = array<i32>} : memref<128x64xf32, #tpu.memory_space<vmem>>, vector<1x16xf32>,
          %parallel_loop3A_103 = vector.shape_cast %parallel_loop3A_102 : vector<1x16xf32> to vector<16xf32>
          %parallel_loop3A_104 = arith.index_cast %parallel_loop3A_99 : i32 to index
          %parallel_loop3A_105 = arith.constant 0 : index
          %parallel_loop3A_106 = tpu.vector_load %arg13[%parallel_loop3A_104, %parallel_loop3A_105] {strides = array<i32>} : memref<128x64xf32, #tpu.memory_space<vmem>>, vector<1x16xf32>,
          %parallel_loop3A_107 = vector.shape_cast %parallel_loop3A_106 : vector<1x16xf32> to vector<16xf32>
          %parallel_loop3A_108 = arith.mulf %parallel_loop3A_103, %parallel_loop3A_107 : vector<16xf32>
          %parallel_loop3A_109 = arith.index_cast %parallel_loop3A_99 : i32 to index
          %parallel_loop3A_110 = arith.constant 0 : index
          %parallel_loop3A_111 = tpu.vector_load %arg11[%parallel_loop3A_109, %parallel_loop3A_110] {strides = array<i32>} : memref<128x64xf32, #tpu.memory_space<vmem>>, vector<1x16xf32>,
          %parallel_loop3A_112 = vector.shape_cast %parallel_loop3A_111 : vector<1x16xf32> to vector<16xf32>
          %parallel_loop3A_113 = vector.shape_cast %parallel_loop3A_108 : vector<16xf32> to vector<1x16xf32>
          tpu.vector_store %arg11[%parallel_loop3A_109, %parallel_loop3A_110], %parallel_loop3A_113 {strides = array<i32>} : memref<128x64xf32, #tpu.memory_space<vmem>>, vector<1x16xf32>,
          %parallel_loop3A_114 = arith.index_cast %parallel_loop3A_99 : i32 to index
          %parallel_loop3A_115 = arith.constant 16 : index
          %parallel_loop3A_116 = tpu.vector_load %arg11[%parallel_loop3A_114, %parallel_loop3A_115] {strides = array<i32>} : memref<128x64xf32, #tpu.memory_space<vmem>>, vector<1x16xf32>,
          %parallel_loop3A_117 = vector.shape_cast %parallel_loop3A_116 : vector<1x16xf32> to vector<16xf32>
          %parallel_loop3A_118 = arith.index_cast %parallel_loop3A_99 : i32 to index
          %parallel_loop3A_119 = arith.constant 16 : index
          %parallel_loop3A_120 = tpu.vector_load %arg13[%parallel_loop3A_118, %parallel_loop3A_119] {strides = array<i32>} : memref<128x64xf32, #tpu.memory_space<vmem>>, vector<1x16xf32>,
          %parallel_loop3A_121 = vector.shape_cast %parallel_loop3A_120 : vector<1x16xf32> to vector<16xf32>
          %parallel_loop3A_122 = arith.mulf %parallel_loop3A_117, %parallel_loop3A_121 : vector<16xf32>
          %parallel_loop3A_123 = arith.index_cast %parallel_loop3A_99 : i32 to index
          %parallel_loop3A_124 = arith.constant 16 : index
          %parallel_loop3A_125 = tpu.vector_load %arg11[%parallel_loop3A_123, %parallel_loop3A_124] {strides = array<i32>} : memref<128x64xf32, #tpu.memory_space<vmem>>, vector<1x16xf32>,
          %parallel_loop3A_126 = vector.shape_cast %parallel_loop3A_125 : vector<1x16xf32> to vector<16xf32>
          %parallel_loop3A_127 = vector.shape_cast %parallel_loop3A_122 : vector<16xf32> to vector<1x16xf32>
          tpu.vector_store %arg11[%parallel_loop3A_123, %parallel_loop3A_124], %parallel_loop3A_127 {strides = array<i32>} : memref<128x64xf32, #tpu.memory_space<vmem>>, vector<1x16xf32>,
          %parallel_loop3A_128 = arith.index_cast %parallel_loop3A_99 : i32 to index
          %parallel_loop3A_129 = arith.constant 32 : index
          %parallel_loop3A_130 = tpu.vector_load %arg11[%parallel_loop3A_128, %parallel_loop3A_129] {strides = array<i32>} : memref<128x64xf32, #tpu.memory_space<vmem>>, vector<1x16xf32>,
          %parallel_loop3A_131 = vector.shape_cast %parallel_loop3A_130 : vector<1x16xf32> to vector<16xf32>
          %parallel_loop3A_132 = arith.index_cast %parallel_loop3A_99 : i32 to index
          %parallel_loop3A_133 = arith.constant 32 : index
          %parallel_loop3A_134 = tpu.vector_load %arg13[%parallel_loop3A_132, %parallel_loop3A_133] {strides = array<i32>} : memref<128x64xf32, #tpu.memory_space<vmem>>, vector<1x16xf32>,
          %parallel_loop3A_135 = vector.shape_cast %parallel_loop3A_134 : vector<1x16xf32> to vector<16xf32>
          %parallel_loop3A_136 = arith.mulf %parallel_loop3A_131, %parallel_loop3A_135 : vector<16xf32>
          %parallel_loop3A_137 = arith.index_cast %parallel_loop3A_99 : i32 to index
          %parallel_loop3A_138 = arith.constant 32 : index
          %parallel_loop3A_139 = tpu.vector_load %arg11[%parallel_loop3A_137, %parallel_loop3A_138] {strides = array<i32>} : memref<128x64xf32, #tpu.memory_space<vmem>>, vector<1x16xf32>,
          %parallel_loop3A_140 = vector.shape_cast %parallel_loop3A_139 : vector<1x16xf32> to vector<16xf32>
          %parallel_loop3A_141 = vector.shape_cast %parallel_loop3A_136 : vector<16xf32> to vector<1x16xf32>
          tpu.vector_store %arg11[%parallel_loop3A_137, %parallel_loop3A_138], %parallel_loop3A_141 {strides = array<i32>} : memref<128x64xf32, #tpu.memory_space<vmem>>, vector<1x16xf32>,
          %parallel_loop3A_142 = arith.index_cast %parallel_loop3A_99 : i32 to index
          %parallel_loop3A_143 = arith.constant 48 : index
          %parallel_loop3A_144 = tpu.vector_load %arg11[%parallel_loop3A_142, %parallel_loop3A_143] {strides = array<i32>} : memref<128x64xf32, #tpu.memory_space<vmem>>, vector<1x16xf32>,
          %parallel_loop3A_145 = vector.shape_cast %parallel_loop3A_144 : vector<1x16xf32> to vector<16xf32>
          %parallel_loop3A_146 = arith.index_cast %parallel_loop3A_99 : i32 to index
          %parallel_loop3A_147 = arith.constant 48 : index
          %parallel_loop3A_148 = tpu.vector_load %arg13[%parallel_loop3A_146, %parallel_loop3A_147] {strides = array<i32>} : memref<128x64xf32, #tpu.memory_space<vmem>>, vector<1x16xf32>,
          %parallel_loop3A_149 = vector.shape_cast %parallel_loop3A_148 : vector<1x16xf32> to vector<16xf32>
          %parallel_loop3A_150 = arith.mulf %parallel_loop3A_145, %parallel_loop3A_149 : vector<16xf32>
          %parallel_loop3A_151 = arith.index_cast %parallel_loop3A_99 : i32 to index
          %parallel_loop3A_152 = arith.constant 48 : index
          %parallel_loop3A_153 = tpu.vector_load %arg11[%parallel_loop3A_151, %parallel_loop3A_152] {strides = array<i32>} : memref<128x64xf32, #tpu.memory_space<vmem>>, vector<1x16xf32>,
          %parallel_loop3A_154 = vector.shape_cast %parallel_loop3A_153 : vector<1x16xf32> to vector<16xf32>
          %parallel_loop3A_155 = vector.shape_cast %parallel_loop3A_150 : vector<16xf32> to vector<1x16xf32>
          tpu.vector_store %arg11[%parallel_loop3A_151, %parallel_loop3A_152], %parallel_loop3A_155 {strides = array<i32>} : memref<128x64xf32, #tpu.memory_space<vmem>>, vector<1x16xf32>,
        } {sc.loop_unroll_factor = 4 : i64, sc.parallel_access}
        %add3A_92 = arith.addi %mul3A_2, %add3A_64 : i32
        %dma_wait3A_93 = arith.constant 0 : i32
        %dma_wait3A_94 = tpu.memref_slice %arg4[%add3A_92, %dma_wait3A_93] : memref<2500x128xi32, #tpu.memory_space<hbm>> -> memref<1x128xi32, #tpu.memory_space<hbm>>
        %dma_wait3A_95 = tpu.memref_squeeze %dma_wait3A_94 : memref<1x128xi32, #tpu.memory_space<hbm>> -> memref<128xi32, #tpu.memory_space<hbm>>
        %dma_wait3A_96 = arith.constant 0 : i32
        %dma_wait3A_97 = tpu.memref_slice %arg4[%add3A_92, %dma_wait3A_96] : memref<2500x128xi32, #tpu.memory_space<hbm>> -> memref<1x128xi32, #tpu.memory_space<hbm>>
        %dma_wait3A_98 = tpu.memref_squeeze %dma_wait3A_97 : memref<1x128xi32, #tpu.memory_space<hbm>> -> memref<128xi32, #tpu.memory_space<hbm>>
        tpu.wait_dma2 semaphore(%arg21 : memref<!tpu.dma_semaphore, #tpu.memory_space<semaphore_mem>>) src(%dma_wait3A_98 : memref<128xi32, #tpu.memory_space<hbm>>) dst(%arg9 : memref<128xi32, #tpu.memory_space<vmem>>)
        "tpu.region"() ({
          %run_scoped3A = tpu.sem_alloc : memref<!tpu.dma_semaphore, #tpu.memory_space<semaphore_mem>>
          %dma_start3A = arith.constant 0 : i32
          %dma_start3A_99 = arith.constant 0 : i32
          %dma_start3A_100 = tpu.memref_slice %arg14[%dma_start3A, %dma_start3A_99] : memref<10240x64xf32, #tpu.memory_space<vmem_shared>> -> memref<10240x64xf32, #tpu.memory_space<vmem_shared>>
          tpu.enqueue_indirect_dma source(%arg11 : memref<128x64xf32, #tpu.memory_space<vmem>>) target(%dma_start3A_100 : memref<10240x64xf32, #tpu.memory_space<vmem_shared>>) offsets(%arg9 : memref<128xi32, #tpu.memory_space<vmem>>) semaphore(%run_scoped3A : memref<!tpu.dma_semaphore, #tpu.memory_space<semaphore_mem>>) {add = true}
          %dma_wait3A_101 = arith.constant 0 : i32
          %dma_wait3A_102 = arith.constant 0 : i32
          %dma_wait3A_103 = tpu.memref_slice %arg14[%dma_wait3A_101, %dma_wait3A_102] : memref<10240x64xf32, #tpu.memory_space<vmem_shared>> -> memref<10240x64xf32, #tpu.memory_space<vmem_shared>>
          tpu.wait_indirect_dma semaphore(%run_scoped3A : memref<!tpu.dma_semaphore, #tpu.memory_space<semaphore_mem>>) src(%arg11 : memref<128x64xf32, #tpu.memory_space<vmem>>) dst(%dma_wait3A_103 : memref<10240x64xf32, #tpu.memory_space<vmem_shared>>)
          tpu.yield
        }) : () -> ()
      } else {
      }
      %add3A_69 = arith.constant 2 : i32
      %add3A_70 = arith.addi %add3A_64, %add3A_69 : i32
      %lt3A_71 = arith.cmpi slt, %add3A_70, %min3A_4 : i32
      %convert_element_type3A_72 = arith.extui %lt3A_71 : i1 to i32
      %cond3A_73 = arith.constant 0 : i32
      %cond3A_74 = arith.cmpi ne, %convert_element_type3A_72, %cond3A_73 : i32
      scf.if %cond3A_74 {
        %add3A_75 = arith.constant 2 : i32
        %add3A_76 = arith.addi %add3A_64, %add3A_75 : i32
        %add3A_77 = arith.addi %mul3A_2, %add3A_76 : i32
        %dma_start3A = arith.constant 0 : i32
        %dma_start3A_78 = arith.constant 0 : i32
        %dma_start3A_79 = tpu.memref_slice %arg5[%add3A_77, %dma_start3A, %dma_start3A_78] : memref<2500x128x64xf32, #tpu.memory_space<hbm>> -> memref<1x128x64xf32, #tpu.memory_space<hbm>>
        %dma_start3A_80 = tpu.memref_squeeze %dma_start3A_79 : memref<1x128x64xf32, #tpu.memory_space<hbm>> -> memref<128x64xf32, #tpu.memory_space<hbm>>
        %dma_start3A_81 = arith.constant 0 : i32
        %dma_start3A_82 = arith.constant 0 : i32
        %dma_start3A_83 = tpu.memref_slice %arg5[%add3A_77, %dma_start3A_81, %dma_start3A_82] : memref<2500x128x64xf32, #tpu.memory_space<hbm>> -> memref<1x128x64xf32, #tpu.memory_space<hbm>>
        %dma_start3A_84 = tpu.memref_squeeze %dma_start3A_83 : memref<1x128x64xf32, #tpu.memory_space<hbm>> -> memref<128x64xf32, #tpu.memory_space<hbm>>
        tpu.enqueue_dma source(%dma_start3A_84 : memref<128x64xf32, #tpu.memory_space<hbm>>) target(%arg13 : memref<128x64xf32, #tpu.memory_space<vmem>>) target_semaphore(%arg19 : memref<!tpu.dma_semaphore, #tpu.memory_space<semaphore_mem>>)
        %add3A_85 = arith.addi %mul3A_2, %add3A_76 : i32
        %dma_start3A_86 = arith.constant 0 : i32
        %dma_start3A_87 = tpu.memref_slice %arg4[%add3A_85, %dma_start3A_86] : memref<2500x128xi32, #tpu.memory_space<hbm>> -> memref<1x128xi32, #tpu.memory_space<hbm>>
        %dma_start3A_88 = tpu.memref_squeeze %dma_start3A_87 : memref<1x128xi32, #tpu.memory_space<hbm>> -> memref<128xi32, #tpu.memory_space<hbm>>
        %dma_start3A_89 = arith.constant 0 : i32
        %dma_start3A_90 = tpu.memref_slice %arg4[%add3A_85, %dma_start3A_89] : memref<2500x128xi32, #tpu.memory_space<hbm>> -> memref<1x128xi32, #tpu.memory_space<hbm>>
        %dma_start3A_91 = tpu.memref_squeeze %dma_start3A_90 : memref<1x128xi32, #tpu.memory_space<hbm>> -> memref<128xi32, #tpu.memory_space<hbm>>
        tpu.enqueue_dma source(%dma_start3A_91 : memref<128xi32, #tpu.memory_space<hbm>>) target(%arg9 : memref<128xi32, #tpu.memory_space<vmem>>) target_semaphore(%arg21 : memref<!tpu.dma_semaphore, #tpu.memory_space<semaphore_mem>>)
        %dma_start3A_92 = arith.constant 0 : i32
        %dma_start3A_93 = tpu.memref_slice %arg7[%add3A_76, %dma_start3A_92] : memref<79x128xi32, #tpu.memory_space<vmem>> -> memref<1x128xi32, #tpu.memory_space<vmem>>
        %dma_start3A_94 = tpu.memref_squeeze %dma_start3A_93 : memref<1x128xi32, #tpu.memory_space<vmem>> -> memref<128xi32, #tpu.memory_space<vmem>>
        %dma_start3A_95 = arith.constant 0 : i32
        %dma_start3A_96 = arith.constant 0 : i32
        %dma_start3A_97 = tpu.memref_slice %arg2[%dma_start3A_95, %dma_start3A_96] : memref<10240x64xf32, #tpu.memory_space<hbm>> -> memref<10240x64xf32, #tpu.memory_space<hbm>>
        tpu.enqueue_indirect_dma source(%dma_start3A_97 : memref<10240x64xf32, #tpu.memory_space<hbm>>) target(%arg11 : memref<128x64xf32, #tpu.memory_space<vmem>>) offsets(%dma_start3A_94 : memref<128xi32, #tpu.memory_space<vmem>>) semaphore(%arg17 : memref<!tpu.dma_semaphore, #tpu.memory_space<semaphore_mem>>)
      } else {
      }
    }
    %scan3A_41 = arith.constant 40 : i32
    %barrier3A_42 = arith.constant 0 : index
    tpu.barrier barrier_id(%barrier3A_42)
    %mul3A_43 = arith.constant 640 : i32
    %mul3A_44 = arith.muli %arg1, %mul3A_43 : i32
    %mul3A_45 = arith.constant 640 : i32
    %mul3A_46 = arith.muli %arg1, %mul3A_45 : i32
    "tpu.region"() ({
      %run_scoped3A = tpu.sem_alloc : memref<!tpu.dma_semaphore, #tpu.memory_space<semaphore_mem>>
      %dma_start3A = arith.constant 0 : i32
      %dma_start3A_47 = tpu.memref_slice %arg6[%arg0, %mul3A_46, %dma_start3A] : memref<2x10240x64xf32, #tpu.memory_space<hbm>> -> memref<1x640x64xf32, #tpu.memory_space<hbm>>
      %dma_start3A_48 = tpu.memref_squeeze %dma_start3A_47 : memref<1x640x64xf32, #tpu.memory_space<hbm>> -> memref<640x64xf32, #tpu.memory_space<hbm>>
      %dma_start3A_49 = arith.constant 0 : i32
      %dma_start3A_50 = tpu.memref_slice %arg14[%mul3A_44, %dma_start3A_49] : memref<10240x64xf32, #tpu.memory_space<vmem_shared>> -> memref<640x64xf32, #tpu.memory_space<vmem_shared>>
      tpu.enqueue_dma source(%dma_start3A_50 : memref<640x64xf32, #tpu.memory_space<vmem_shared>>) target(%dma_start3A_48 : memref<640x64xf32, #tpu.memory_space<hbm>>) target_semaphore(%run_scoped3A : memref<!tpu.dma_semaphore, #tpu.memory_space<semaphore_mem>>)
      %dma_wait3A = arith.constant 0 : i32
      %dma_wait3A_51 = tpu.memref_slice %arg6[%arg0, %mul3A_46, %dma_wait3A] : memref<2x10240x64xf32, #tpu.memory_space<hbm>> -> memref<1x640x64xf32, #tpu.memory_space<hbm>>
      %dma_wait3A_52 = tpu.memref_squeeze %dma_wait3A_51 : memref<1x640x64xf32, #tpu.memory_space<hbm>> -> memref<640x64xf32, #tpu.memory_space<hbm>>
      %dma_wait3A_53 = arith.constant 0 : i32
      %dma_wait3A_54 = tpu.memref_slice %arg14[%mul3A_44, %dma_wait3A_53] : memref<10240x64xf32, #tpu.memory_space<vmem_shared>> -> memref<640x64xf32, #tpu.memory_space<vmem_shared>>
      tpu.wait_dma2 semaphore(%run_scoped3A : memref<!tpu.dma_semaphore, #tpu.memory_space<semaphore_mem>>) src(%dma_wait3A_54 : memref<640x64xf32, #tpu.memory_space<vmem_shared>>) dst(%dma_wait3A_52 : memref<640x64xf32, #tpu.memory_space<hbm>>)
      tpu.yield
    }) : () -> ()
    return
  }
}

#map = affine_map<(d0, d1) -> (0, 0)>
#map1 = affine_map<(d0, d1) -> (0, 0, 0)>
module attributes {stable_mosaic.version = 14 : i64} {
  func.func @k(%arg0: i32, %arg1: i32, %arg2: memref<10240x64xf32, #tpu.memory_space<hbm>>, %arg3: memref<32x79x128xi32, #tpu.memory_space<hbm>>, %arg4: memref<2500x128xi32, #tpu.memory_space<hbm>>, %arg5: memref<2500x128x64xf32, #tpu.memory_space<hbm>>, %arg6: memref<2x10240x64xf32, #tpu.memory_space<hbm>>, %arg7: memref<79x128xi32, #tpu.memory_space<vmem>>, %arg8: memref<128xi32, #tpu.memory_space<vmem>>, %arg9: memref<128xi32, #tpu.memory_space<vmem>>, %arg10: memref<128x64xf32, #tpu.memory_space<vmem>>, %arg11: memref<128x64xf32, #tpu.memory_space<vmem>>, %arg12: memref<128x64xf32, #tpu.memory_space<vmem>>, %arg13: memref<128x64xf32, #tpu.memory_space<vmem>>, %arg14: memref<10240x64xf32, #tpu.memory_space<vmem_shared>>, %arg15: memref<10240x64xf32, #tpu.memory_space<vmem_shared>>, %arg16: memref<!tpu.dma_semaphore, #tpu.memory_space<semaphore_mem>>, %arg17: memref<!tpu.dma_semaphore, #tpu.memory_space<semaphore_mem>>, %arg18: memref<!tpu.dma_semaphore, #tpu.memory_space<semaphore_mem>>, %arg19: memref<!tpu.dma_semaphore, #tpu.memory_space<semaphore_mem>>, %arg20: memref<!tpu.dma_semaphore, #tpu.memory_space<semaphore_mem>>, %arg21: memref<!tpu.dma_semaphore, #tpu.memory_space<semaphore_mem>>) attributes {dimension_semantics = [#tpu.dimension_semantics<core_parallel>, #tpu.dimension_semantics<subcore_parallel>], iteration_bounds = array<i64: 2, 16>, scalar_prefetch = 0 : i64, scratch_operands = 15 : i64, tpu.core_type = #tpu.core_type<sc_vector_subcore>, window_params = [{transform_indices = #map}, {transform_indices = #map1}, {transform_indices = #map}, {transform_indices = #map1}, {transform_indices = #map1}]} {
    %mul3A = arith.constant 16 : i32
    %mul3A_0 = arith.muli %arg0, %mul3A : i32
    %add3A = arith.addi %mul3A_0, %arg1 : i32
    %mul3A_1 = arith.constant 79 : i32
    %mul3A_2 = arith.muli %add3A, %mul3A_1 : i32
    %sub3A = arith.constant 2500 : i32
    %sub3A_3 = arith.subi %sub3A, %mul3A_2 : i32
    %min3A = arith.constant 79 : i32
    %min3A_4 = arith.minsi %min3A, %sub3A_3 : i32
    %parallel_loop3A = arith.constant 0 : i32
    %parallel_loop3A_5 = arith.constant 128 : i32
    %parallel_loop3A_6 = arith.constant 1 : i32
    scf.for %parallel_loop3A_47 = %parallel_loop3A to %parallel_loop3A_5 step %parallel_loop3A_6  : i32 {
      %parallel_loop3A_48 = arith.constant 0.000000e+00 : f32
      %parallel_loop3A_49 = vector.broadcast %parallel_loop3A_48 : f32 to vector<16xf32>
      %parallel_loop3A_50 = arith.index_cast %parallel_loop3A_47 : i32 to index
      %parallel_loop3A_51 = arith.constant 0 : index
      %parallel_loop3A_52 = tpu.vector_load %arg10[%parallel_loop3A_50, %parallel_loop3A_51] {strides = array<i32>} : memref<128x64xf32, #tpu.memory_space<vmem>>, vector<1x16xf32>,
      %parallel_loop3A_53 = vector.shape_cast %parallel_loop3A_52 : vector<1x16xf32> to vector<16xf32>
      %parallel_loop3A_54 = vector.shape_cast %parallel_loop3A_49 : vector<16xf32> to vector<1x16xf32>
      tpu.vector_store %arg10[%parallel_loop3A_50, %parallel_loop3A_51], %parallel_loop3A_54 {strides = array<i32>} : memref<128x64xf32, #tpu.memory_space<vmem>>, vector<1x16xf32>,
      %parallel_loop3A_55 = arith.constant 0.000000e+00 : f32
      %parallel_loop3A_56 = vector.broadcast %parallel_loop3A_55 : f32 to vector<16xf32>
      %parallel_loop3A_57 = arith.index_cast %parallel_loop3A_47 : i32 to index
      %parallel_loop3A_58 = arith.constant 16 : index
      %parallel_loop3A_59 = tpu.vector_load %arg10[%parallel_loop3A_57, %parallel_loop3A_58] {strides = array<i32>} : memref<128x64xf32, #tpu.memory_space<vmem>>, vector<1x16xf32>,
      %parallel_loop3A_60 = vector.shape_cast %parallel_loop3A_59 : vector<1x16xf32> to vector<16xf32>
      %parallel_loop3A_61 = vector.shape_cast %parallel_loop3A_56 : vector<16xf32> to vector<1x16xf32>
      tpu.vector_store %arg10[%parallel_loop3A_57, %parallel_loop3A_58], %parallel_loop3A_61 {strides = array<i32>} : memref<128x64xf32, #tpu.memory_space<vmem>>, vector<1x16xf32>,
      %parallel_loop3A_62 = arith.constant 0.000000e+00 : f32
      %parallel_loop3A_63 = vector.broadcast %parallel_loop3A_62 : f32 to vector<16xf32>
      %parallel_loop3A_64 = arith.index_cast %parallel_loop3A_47 : i32 to index
      %parallel_loop3A_65 = arith.constant 32 : index
      %parallel_loop3A_66 = tpu.vector_load %arg10[%parallel_loop3A_64, %parallel_loop3A_65] {strides = array<i32>} : memref<128x64xf32, #tpu.memory_space<vmem>>, vector<1x16xf32>,
      %parallel_loop3A_67 = vector.shape_cast %parallel_loop3A_66 : vector<1x16xf32> to vector<16xf32>
      %parallel_loop3A_68 = vector.shape_cast %parallel_loop3A_63 : vector<16xf32> to vector<1x16xf32>
      tpu.vector_store %arg10[%parallel_loop3A_64, %parallel_loop3A_65], %parallel_loop3A_68 {strides = array<i32>} : memref<128x64xf32, #tpu.memory_space<vmem>>, vector<1x16xf32>,
      %parallel_loop3A_69 = arith.constant 0.000000e+00 : f32
      %parallel_loop3A_70 = vector.broadcast %parallel_loop3A_69 : f32 to vector<16xf32>
      %parallel_loop3A_71 = arith.index_cast %parallel_loop3A_47 : i32 to index
      %parallel_loop3A_72 = arith.constant 48 : index
      %parallel_loop3A_73 = tpu.vector_load %arg10[%parallel_loop3A_71, %parallel_loop3A_72] {strides = array<i32>} : memref<128x64xf32, #tpu.memory_space<vmem>>, vector<1x16xf32>,
      %parallel_loop3A_74 = vector.shape_cast %parallel_loop3A_73 : vector<1x16xf32> to vector<16xf32>
      %parallel_loop3A_75 = vector.shape_cast %parallel_loop3A_70 : vector<16xf32> to vector<1x16xf32>
      tpu.vector_store %arg10[%parallel_loop3A_71, %parallel_loop3A_72], %parallel_loop3A_75 {strides = array<i32>} : memref<128x64xf32, #tpu.memory_space<vmem>>, vector<1x16xf32>,
    } {sc.loop_unroll_factor = 4 : i64, sc.parallel_access}
    %mul3A_7 = arith.constant 640 : i32
    %mul3A_8 = arith.muli %arg1, %mul3A_7 : i32
    %add3A_9 = arith.constant 0 : i32
    %add3A_10 = arith.addi %mul3A_8, %add3A_9 : i32
    "tpu.region"() ({
      %run_scoped3A = tpu.sem_alloc : memref<!tpu.dma_semaphore, #tpu.memory_space<semaphore_mem>>
      %dma_start3A = arith.constant 0 : i32
      %dma_start3A_47 = tpu.memref_slice %arg14[%add3A_10, %dma_start3A] : memref<10240x64xf32, #tpu.memory_space<vmem_shared>> -> memref<128x64xf32, #tpu.memory_space<vmem_shared>>
      %dma_start3A_48 = arith.constant 0 : i32
      %dma_start3A_49 = tpu.memref_slice %arg14[%add3A_10, %dma_start3A_48] : memref<10240x64xf32, #tpu.memory_space<vmem_shared>> -> memref<128x64xf32, #tpu.memory_space<vmem_shared>>
      tpu.enqueue_dma source(%arg10 : memref<128x64xf32, #tpu.memory_space<vmem>>) target(%dma_start3A_49 : memref<128x64xf32, #tpu.memory_space<vmem_shared>>) target_semaphore(%run_scoped3A : memref<!tpu.dma_semaphore, #tpu.memory_space<semaphore_mem>>)
      %dma_wait3A = arith.constant 0 : i32
      %dma_wait3A_50 = tpu.memref_slice %arg14[%add3A_10, %dma_wait3A] : memref<10240x64xf32, #tpu.memory_space<vmem_shared>> -> memref<128x64xf32, #tpu.memory_space<vmem_shared>>
      %dma_wait3A_51 = arith.constant 0 : i32
      %dma_wait3A_52 = tpu.memref_slice %arg14[%add3A_10, %dma_wait3A_51] : memref<10240x64xf32, #tpu.memory_space<vmem_shared>> -> memref<128x64xf32, #tpu.memory_space<vmem_shared>>
      tpu.wait_dma2 semaphore(%run_scoped3A : memref<!tpu.dma_semaphore, #tpu.memory_space<semaphore_mem>>) src(%arg10 : memref<128x64xf32, #tpu.memory_space<vmem>>) dst(%dma_wait3A_52 : memref<128x64xf32, #tpu.memory_space<vmem_shared>>)
      tpu.yield
    }) : () -> ()
    %mul3A_11 = arith.constant 640 : i32
    %mul3A_12 = arith.muli %arg1, %mul3A_11 : i32
    %add3A_13 = arith.constant 128 : i32
    %add3A_14 = arith.addi %mul3A_12, %add3A_13 : i32
    "tpu.region"() ({
      %run_scoped3A = tpu.sem_alloc : memref<!tpu.dma_semaphore, #tpu.memory_space<semaphore_mem>>
      %dma_start3A = arith.constant 0 : i32
      %dma_start3A_47 = tpu.memref_slice %arg14[%add3A_14, %dma_start3A] : memref<10240x64xf32, #tpu.memory_space<vmem_shared>> -> memref<128x64xf32, #tpu.memory_space<vmem_shared>>
      %dma_start3A_48 = arith.constant 0 : i32
      %dma_start3A_49 = tpu.memref_slice %arg14[%add3A_14, %dma_start3A_48] : memref<10240x64xf32, #tpu.memory_space<vmem_shared>> -> memref<128x64xf32, #tpu.memory_space<vmem_shared>>
      tpu.enqueue_dma source(%arg10 : memref<128x64xf32, #tpu.memory_space<vmem>>) target(%dma_start3A_49 : memref<128x64xf32, #tpu.memory_space<vmem_shared>>) target_semaphore(%run_scoped3A : memref<!tpu.dma_semaphore, #tpu.memory_space<semaphore_mem>>)
      %dma_wait3A = arith.constant 0 : i32
      %dma_wait3A_50 = tpu.memref_slice %arg14[%add3A_14, %dma_wait3A] : memref<10240x64xf32, #tpu.memory_space<vmem_shared>> -> memref<128x64xf32, #tpu.memory_space<vmem_shared>>
      %dma_wait3A_51 = arith.constant 0 : i32
      %dma_wait3A_52 = tpu.memref_slice %arg14[%add3A_14, %dma_wait3A_51] : memref<10240x64xf32, #tpu.memory_space<vmem_shared>> -> memref<128x64xf32, #tpu.memory_space<vmem_shared>>
      tpu.wait_dma2 semaphore(%run_scoped3A : memref<!tpu.dma_semaphore, #tpu.memory_space<semaphore_mem>>) src(%arg10 : memref<128x64xf32, #tpu.memory_space<vmem>>) dst(%dma_wait3A_52 : memref<128x64xf32, #tpu.memory_space<vmem_shared>>)
      tpu.yield
    }) : () -> ()
    %mul3A_15 = arith.constant 640 : i32
    %mul3A_16 = arith.muli %arg1, %mul3A_15 : i32
    %add3A_17 = arith.constant 256 : i32
    %add3A_18 = arith.addi %mul3A_16, %add3A_17 : i32
    "tpu.region"() ({
      %run_scoped3A = tpu.sem_alloc : memref<!tpu.dma_semaphore, #tpu.memory_space<semaphore_mem>>
      %dma_start3A = arith.constant 0 : i32
      %dma_start3A_47 = tpu.memref_slice %arg14[%add3A_18, %dma_start3A] : memref<10240x64xf32, #tpu.memory_space<vmem_shared>> -> memref<128x64xf32, #tpu.memory_space<vmem_shared>>
      %dma_start3A_48 = arith.constant 0 : i32
      %dma_start3A_49 = tpu.memref_slice %arg14[%add3A_18, %dma_start3A_48] : memref<10240x64xf32, #tpu.memory_space<vmem_shared>> -> memref<128x64xf32, #tpu.memory_space<vmem_shared>>
      tpu.enqueue_dma source(%arg10 : memref<128x64xf32, #tpu.memory_space<vmem>>) target(%dma_start3A_49 : memref<128x64xf32, #tpu.memory_space<vmem_shared>>) target_semaphore(%run_scoped3A : memref<!tpu.dma_semaphore, #tpu.memory_space<semaphore_mem>>)
      %dma_wait3A = arith.constant 0 : i32
      %dma_wait3A_50 = tpu.memref_slice %arg14[%add3A_18, %dma_wait3A] : memref<10240x64xf32, #tpu.memory_space<vmem_shared>> -> memref<128x64xf32, #tpu.memory_space<vmem_shared>>
      %dma_wait3A_51 = arith.constant 0 : i32
      %dma_wait3A_52 = tpu.memref_slice %arg14[%add3A_18, %dma_wait3A_51] : memref<10240x64xf32, #tpu.memory_space<vmem_shared>> -> memref<128x64xf32, #tpu.memory_space<vmem_shared>>
      tpu.wait_dma2 semaphore(%run_scoped3A : memref<!tpu.dma_semaphore, #tpu.memory_space<semaphore_mem>>) src(%arg10 : memref<128x64xf32, #tpu.memory_space<vmem>>) dst(%dma_wait3A_52 : memref<128x64xf32, #tpu.memory_space<vmem_shared>>)
      tpu.yield
    }) : () -> ()
    %mul3A_19 = arith.constant 640 : i32
    %mul3A_20 = arith.muli %arg1, %mul3A_19 : i32
    %add3A_21 = arith.constant 384 : i32
    %add3A_22 = arith.addi %mul3A_20, %add3A_21 : i32
    "tpu.region"() ({
      %run_scoped3A = tpu.sem_alloc : memref<!tpu.dma_semaphore, #tpu.memory_space<semaphore_mem>>
      %dma_start3A = arith.constant 0 : i32
      %dma_start3A_47 = tpu.memref_slice %arg14[%add3A_22, %dma_start3A] : memref<10240x64xf32, #tpu.memory_space<vmem_shared>> -> memref<128x64xf32, #tpu.memory_space<vmem_shared>>
      %dma_start3A_48 = arith.constant 0 : i32
      %dma_start3A_49 = tpu.memref_slice %arg14[%add3A_22, %dma_start3A_48] : memref<10240x64xf32, #tpu.memory_space<vmem_shared>> -> memref<128x64xf32, #tpu.memory_space<vmem_shared>>
      tpu.enqueue_dma source(%arg10 : memref<128x64xf32, #tpu.memory_space<vmem>>) target(%dma_start3A_49 : memref<128x64xf32, #tpu.memory_space<vmem_shared>>) target_semaphore(%run_scoped3A : memref<!tpu.dma_semaphore, #tpu.memory_space<semaphore_mem>>)
      %dma_wait3A = arith.constant 0 : i32
      %dma_wait3A_50 = tpu.memref_slice %arg14[%add3A_22, %dma_wait3A] : memref<10240x64xf32, #tpu.memory_space<vmem_shared>> -> memref<128x64xf32, #tpu.memory_space<vmem_shared>>
      %dma_wait3A_51 = arith.constant 0 : i32
      %dma_wait3A_52 = tpu.memref_slice %arg14[%add3A_22, %dma_wait3A_51] : memref<10240x64xf32, #tpu.memory_space<vmem_shared>> -> memref<128x64xf32, #tpu.memory_space<vmem_shared>>
      tpu.wait_dma2 semaphore(%run_scoped3A : memref<!tpu.dma_semaphore, #tpu.memory_space<semaphore_mem>>) src(%arg10 : memref<128x64xf32, #tpu.memory_space<vmem>>) dst(%dma_wait3A_52 : memref<128x64xf32, #tpu.memory_space<vmem_shared>>)
      tpu.yield
    }) : () -> ()
    %mul3A_23 = arith.constant 640 : i32
    %mul3A_24 = arith.muli %arg1, %mul3A_23 : i32
    %add3A_25 = arith.constant 512 : i32
    %add3A_26 = arith.addi %mul3A_24, %add3A_25 : i32
    "tpu.region"() ({
      %run_scoped3A = tpu.sem_alloc : memref<!tpu.dma_semaphore, #tpu.memory_space<semaphore_mem>>
      %dma_start3A = arith.constant 0 : i32
      %dma_start3A_47 = tpu.memref_slice %arg14[%add3A_26, %dma_start3A] : memref<10240x64xf32, #tpu.memory_space<vmem_shared>> -> memref<128x64xf32, #tpu.memory_space<vmem_shared>>
      %dma_start3A_48 = arith.constant 0 : i32
      %dma_start3A_49 = tpu.memref_slice %arg14[%add3A_26, %dma_start3A_48] : memref<10240x64xf32, #tpu.memory_space<vmem_shared>> -> memref<128x64xf32, #tpu.memory_space<vmem_shared>>
      tpu.enqueue_dma source(%arg10 : memref<128x64xf32, #tpu.memory_space<vmem>>) target(%dma_start3A_49 : memref<128x64xf32, #tpu.memory_space<vmem_shared>>) target_semaphore(%run_scoped3A : memref<!tpu.dma_semaphore, #tpu.memory_space<semaphore_mem>>)
      %dma_wait3A = arith.constant 0 : i32
      %dma_wait3A_50 = tpu.memref_slice %arg14[%add3A_26, %dma_wait3A] : memref<10240x64xf32, #tpu.memory_space<vmem_shared>> -> memref<128x64xf32, #tpu.memory_space<vmem_shared>>
      %dma_wait3A_51 = arith.constant 0 : i32
      %dma_wait3A_52 = tpu.memref_slice %arg14[%add3A_26, %dma_wait3A_51] : memref<10240x64xf32, #tpu.memory_space<vmem_shared>> -> memref<128x64xf32, #tpu.memory_space<vmem_shared>>
      tpu.wait_dma2 semaphore(%run_scoped3A : memref<!tpu.dma_semaphore, #tpu.memory_space<semaphore_mem>>) src(%arg10 : memref<128x64xf32, #tpu.memory_space<vmem>>) dst(%dma_wait3A_52 : memref<128x64xf32, #tpu.memory_space<vmem_shared>>)
      tpu.yield
    }) : () -> ()
    %mul3A_27 = arith.constant 640 : i32
    %mul3A_28 = arith.muli %arg1, %mul3A_27 : i32
    %mul3A_29 = arith.constant 640 : i32
    %mul3A_30 = arith.muli %arg1, %mul3A_29 : i32
    "tpu.region"() ({
      %run_scoped3A = tpu.sem_alloc : memref<!tpu.dma_semaphore, #tpu.memory_space<semaphore_mem>>
      %dma_start3A = arith.constant 0 : i32
      %dma_start3A_47 = tpu.memref_slice %arg15[%mul3A_30, %dma_start3A] : memref<10240x64xf32, #tpu.memory_space<vmem_shared>> -> memref<640x64xf32, #tpu.memory_space<vmem_shared>>
      %dma_start3A_48 = arith.constant 0 : i32
      %dma_start3A_49 = tpu.memref_slice %arg2[%mul3A_28, %dma_start3A_48] : memref<10240x64xf32, #tpu.memory_space<hbm>> -> memref<640x64xf32, #tpu.memory_space<hbm>>
      tpu.enqueue_dma source(%dma_start3A_49 : memref<640x64xf32, #tpu.memory_space<hbm>>) target(%dma_start3A_47 : memref<640x64xf32, #tpu.memory_space<vmem_shared>>) target_semaphore(%run_scoped3A : memref<!tpu.dma_semaphore, #tpu.memory_space<semaphore_mem>>)
      %dma_wait3A = arith.constant 0 : i32
      %dma_wait3A_50 = tpu.memref_slice %arg15[%mul3A_30, %dma_wait3A] : memref<10240x64xf32, #tpu.memory_space<vmem_shared>> -> memref<640x64xf32, #tpu.memory_space<vmem_shared>>
      %dma_wait3A_51 = arith.constant 0 : i32
      %dma_wait3A_52 = tpu.memref_slice %arg2[%mul3A_28, %dma_wait3A_51] : memref<10240x64xf32, #tpu.memory_space<hbm>> -> memref<640x64xf32, #tpu.memory_space<hbm>>
      tpu.wait_dma2 semaphore(%run_scoped3A : memref<!tpu.dma_semaphore, #tpu.memory_space<semaphore_mem>>) src(%dma_wait3A_52 : memref<640x64xf32, #tpu.memory_space<hbm>>) dst(%dma_wait3A_50 : memref<640x64xf32, #tpu.memory_space<vmem_shared>>)
      tpu.yield
    }) : () -> ()
    "tpu.region"() ({
      %run_scoped3A = tpu.sem_alloc : memref<!tpu.dma_semaphore, #tpu.memory_space<semaphore_mem>>
      %dma_start3A = arith.constant 0 : i32
      %dma_start3A_47 = arith.constant 0 : i32
      %dma_start3A_48 = tpu.memref_slice %arg3[%add3A, %dma_start3A, %dma_start3A_47] : memref<32x79x128xi32, #tpu.memory_space<hbm>> -> memref<1x79x128xi32, #tpu.memory_space<hbm>>
      %dma_start3A_49 = tpu.memref_squeeze %dma_start3A_48 : memref<1x79x128xi32, #tpu.memory_space<hbm>> -> memref<79x128xi32, #tpu.memory_space<hbm>>
      %dma_start3A_50 = arith.constant 0 : i32
      %dma_start3A_51 = arith.constant 0 : i32
      %dma_start3A_52 = tpu.memref_slice %arg3[%add3A, %dma_start3A_50, %dma_start3A_51] : memref<32x79x128xi32, #tpu.memory_space<hbm>> -> memref<1x79x128xi32, #tpu.memory_space<hbm>>
      %dma_start3A_53 = tpu.memref_squeeze %dma_start3A_52 : memref<1x79x128xi32, #tpu.memory_space<hbm>> -> memref<79x128xi32, #tpu.memory_space<hbm>>
      tpu.enqueue_dma source(%dma_start3A_53 : memref<79x128xi32, #tpu.memory_space<hbm>>) target(%arg7 : memref<79x128xi32, #tpu.memory_space<vmem>>) target_semaphore(%run_scoped3A : memref<!tpu.dma_semaphore, #tpu.memory_space<semaphore_mem>>)
      %dma_wait3A = arith.constant 0 : i32
      %dma_wait3A_54 = arith.constant 0 : i32
      %dma_wait3A_55 = tpu.memref_slice %arg3[%add3A, %dma_wait3A, %dma_wait3A_54] : memref<32x79x128xi32, #tpu.memory_space<hbm>> -> memref<1x79x128xi32, #tpu.memory_space<hbm>>
      %dma_wait3A_56 = tpu.memref_squeeze %dma_wait3A_55 : memref<1x79x128xi32, #tpu.memory_space<hbm>> -> memref<79x128xi32, #tpu.memory_space<hbm>>
      %dma_wait3A_57 = arith.constant 0 : i32
      %dma_wait3A_58 = arith.constant 0 : i32
      %dma_wait3A_59 = tpu.memref_slice %arg3[%add3A, %dma_wait3A_57, %dma_wait3A_58] : memref<32x79x128xi32, #tpu.memory_space<hbm>> -> memref<1x79x128xi32, #tpu.memory_space<hbm>>
      %dma_wait3A_60 = tpu.memref_squeeze %dma_wait3A_59 : memref<1x79x128xi32, #tpu.memory_space<hbm>> -> memref<79x128xi32, #tpu.memory_space<hbm>>
      tpu.wait_dma2 semaphore(%run_scoped3A : memref<!tpu.dma_semaphore, #tpu.memory_space<semaphore_mem>>) src(%dma_wait3A_60 : memref<79x128xi32, #tpu.memory_space<hbm>>) dst(%arg7 : memref<79x128xi32, #tpu.memory_space<vmem>>)
      tpu.yield
    }) : () -> ()
    %barrier3A = arith.constant 0 : index
    tpu.barrier barrier_id(%barrier3A)
    %gt3A = arith.constant 0 : i32
    %gt3A_31 = arith.cmpi sgt, %min3A_4, %gt3A : i32
    %convert_element_type3A = arith.extui %gt3A_31 : i1 to i32
    %cond3A = arith.constant 0 : i32
    %cond3A_32 = arith.cmpi ne, %convert_element_type3A, %cond3A : i32
    scf.if %cond3A_32 {
      %add3A_47 = arith.constant 0 : i32
      %add3A_48 = arith.addi %mul3A_2, %add3A_47 : i32
      %dma_start3A = arith.constant 0 : i32
      %dma_start3A_49 = arith.constant 0 : i32
      %dma_start3A_50 = tpu.memref_slice %arg5[%add3A_48, %dma_start3A, %dma_start3A_49] : memref<2500x128x64xf32, #tpu.memory_space<hbm>> -> memref<1x128x64xf32, #tpu.memory_space<hbm>>
      %dma_start3A_51 = tpu.memref_squeeze %dma_start3A_50 : memref<1x128x64xf32, #tpu.memory_space<hbm>> -> memref<128x64xf32, #tpu.memory_space<hbm>>
      %dma_start3A_52 = arith.constant 0 : i32
      %dma_start3A_53 = arith.constant 0 : i32
      %dma_start3A_54 = tpu.memref_slice %arg5[%add3A_48, %dma_start3A_52, %dma_start3A_53] : memref<2500x128x64xf32, #tpu.memory_space<hbm>> -> memref<1x128x64xf32, #tpu.memory_space<hbm>>
      %dma_start3A_55 = tpu.memref_squeeze %dma_start3A_54 : memref<1x128x64xf32, #tpu.memory_space<hbm>> -> memref<128x64xf32, #tpu.memory_space<hbm>>
      tpu.enqueue_dma source(%dma_start3A_55 : memref<128x64xf32, #tpu.memory_space<hbm>>) target(%arg12 : memref<128x64xf32, #tpu.memory_space<vmem>>) target_semaphore(%arg18 : memref<!tpu.dma_semaphore, #tpu.memory_space<semaphore_mem>>)
      %add3A_56 = arith.constant 0 : i32
      %add3A_57 = arith.addi %mul3A_2, %add3A_56 : i32
      %dma_start3A_58 = arith.constant 0 : i32
      %dma_start3A_59 = tpu.memref_slice %arg4[%add3A_57, %dma_start3A_58] : memref<2500x128xi32, #tpu.memory_space<hbm>> -> memref<1x128xi32, #tpu.memory_space<hbm>>
      %dma_start3A_60 = tpu.memref_squeeze %dma_start3A_59 : memref<1x128xi32, #tpu.memory_space<hbm>> -> memref<128xi32, #tpu.memory_space<hbm>>
      %dma_start3A_61 = arith.constant 0 : i32
      %dma_start3A_62 = tpu.memref_slice %arg4[%add3A_57, %dma_start3A_61] : memref<2500x128xi32, #tpu.memory_space<hbm>> -> memref<1x128xi32, #tpu.memory_space<hbm>>
      %dma_start3A_63 = tpu.memref_squeeze %dma_start3A_62 : memref<1x128xi32, #tpu.memory_space<hbm>> -> memref<128xi32, #tpu.memory_space<hbm>>
      tpu.enqueue_dma source(%dma_start3A_63 : memref<128xi32, #tpu.memory_space<hbm>>) target(%arg8 : memref<128xi32, #tpu.memory_space<vmem>>) target_semaphore(%arg20 : memref<!tpu.dma_semaphore, #tpu.memory_space<semaphore_mem>>)
      %dma_start3A_64 = arith.constant 0 : i32
      %dma_start3A_65 = arith.constant 0 : i32
      %dma_start3A_66 = tpu.memref_slice %arg7[%dma_start3A_64, %dma_start3A_65] : memref<79x128xi32, #tpu.memory_space<vmem>> -> memref<1x128xi32, #tpu.memory_space<vmem>>
      %dma_start3A_67 = tpu.memref_squeeze %dma_start3A_66 : memref<1x128xi32, #tpu.memory_space<vmem>> -> memref<128xi32, #tpu.memory_space<vmem>>
      %dma_start3A_68 = arith.constant 0 : i32
      %dma_start3A_69 = arith.constant 0 : i32
      %dma_start3A_70 = tpu.memref_slice %arg15[%dma_start3A_68, %dma_start3A_69] : memref<10240x64xf32, #tpu.memory_space<vmem_shared>> -> memref<10240x64xf32, #tpu.memory_space<vmem_shared>>
      tpu.enqueue_indirect_dma source(%dma_start3A_70 : memref<10240x64xf32, #tpu.memory_space<vmem_shared>>) target(%arg10 : memref<128x64xf32, #tpu.memory_space<vmem>>) offsets(%dma_start3A_67 : memref<128xi32, #tpu.memory_space<vmem>>) semaphore(%arg16 : memref<!tpu.dma_semaphore, #tpu.memory_space<semaphore_mem>>)
    } else {
    }
    %gt3A_33 = arith.constant 1 : i32
    %gt3A_34 = arith.cmpi sgt, %min3A_4, %gt3A_33 : i32
    %convert_element_type3A_35 = arith.extui %gt3A_34 : i1 to i32
    %cond3A_36 = arith.constant 0 : i32
    %cond3A_37 = arith.cmpi ne, %convert_element_type3A_35, %cond3A_36 : i32
    scf.if %cond3A_37 {
      %add3A_47 = arith.constant 1 : i32
      %add3A_48 = arith.addi %mul3A_2, %add3A_47 : i32
      %dma_start3A = arith.constant 0 : i32
      %dma_start3A_49 = arith.constant 0 : i32
      %dma_start3A_50 = tpu.memref_slice %arg5[%add3A_48, %dma_start3A, %dma_start3A_49] : memref<2500x128x64xf32, #tpu.memory_space<hbm>> -> memref<1x128x64xf32, #tpu.memory_space<hbm>>
      %dma_start3A_51 = tpu.memref_squeeze %dma_start3A_50 : memref<1x128x64xf32, #tpu.memory_space<hbm>> -> memref<128x64xf32, #tpu.memory_space<hbm>>
      %dma_start3A_52 = arith.constant 0 : i32
      %dma_start3A_53 = arith.constant 0 : i32
      %dma_start3A_54 = tpu.memref_slice %arg5[%add3A_48, %dma_start3A_52, %dma_start3A_53] : memref<2500x128x64xf32, #tpu.memory_space<hbm>> -> memref<1x128x64xf32, #tpu.memory_space<hbm>>
      %dma_start3A_55 = tpu.memref_squeeze %dma_start3A_54 : memref<1x128x64xf32, #tpu.memory_space<hbm>> -> memref<128x64xf32, #tpu.memory_space<hbm>>
      tpu.enqueue_dma source(%dma_start3A_55 : memref<128x64xf32, #tpu.memory_space<hbm>>) target(%arg13 : memref<128x64xf32, #tpu.memory_space<vmem>>) target_semaphore(%arg19 : memref<!tpu.dma_semaphore, #tpu.memory_space<semaphore_mem>>)
      %add3A_56 = arith.constant 1 : i32
      %add3A_57 = arith.addi %mul3A_2, %add3A_56 : i32
      %dma_start3A_58 = arith.constant 0 : i32
      %dma_start3A_59 = tpu.memref_slice %arg4[%add3A_57, %dma_start3A_58] : memref<2500x128xi32, #tpu.memory_space<hbm>> -> memref<1x128xi32, #tpu.memory_space<hbm>>
      %dma_start3A_60 = tpu.memref_squeeze %dma_start3A_59 : memref<1x128xi32, #tpu.memory_space<hbm>> -> memref<128xi32, #tpu.memory_space<hbm>>
      %dma_start3A_61 = arith.constant 0 : i32
      %dma_start3A_62 = tpu.memref_slice %arg4[%add3A_57, %dma_start3A_61] : memref<2500x128xi32, #tpu.memory_space<hbm>> -> memref<1x128xi32, #tpu.memory_space<hbm>>
      %dma_start3A_63 = tpu.memref_squeeze %dma_start3A_62 : memref<1x128xi32, #tpu.memory_space<hbm>> -> memref<128xi32, #tpu.memory_space<hbm>>
      tpu.enqueue_dma source(%dma_start3A_63 : memref<128xi32, #tpu.memory_space<hbm>>) target(%arg9 : memref<128xi32, #tpu.memory_space<vmem>>) target_semaphore(%arg21 : memref<!tpu.dma_semaphore, #tpu.memory_space<semaphore_mem>>)
      %dma_start3A_64 = arith.constant 1 : i32
      %dma_start3A_65 = arith.constant 0 : i32
      %dma_start3A_66 = tpu.memref_slice %arg7[%dma_start3A_64, %dma_start3A_65] : memref<79x128xi32, #tpu.memory_space<vmem>> -> memref<1x128xi32, #tpu.memory_space<vmem>>
      %dma_start3A_67 = tpu.memref_squeeze %dma_start3A_66 : memref<1x128xi32, #tpu.memory_space<vmem>> -> memref<128xi32, #tpu.memory_space<vmem>>
      %dma_start3A_68 = arith.constant 0 : i32
      %dma_start3A_69 = arith.constant 0 : i32
      %dma_start3A_70 = tpu.memref_slice %arg2[%dma_start3A_68, %dma_start3A_69] : memref<10240x64xf32, #tpu.memory_space<hbm>> -> memref<10240x64xf32, #tpu.memory_space<hbm>>
      tpu.enqueue_indirect_dma source(%dma_start3A_70 : memref<10240x64xf32, #tpu.memory_space<hbm>>) target(%arg11 : memref<128x64xf32, #tpu.memory_space<vmem>>) offsets(%dma_start3A_67 : memref<128xi32, #tpu.memory_space<vmem>>) semaphore(%arg17 : memref<!tpu.dma_semaphore, #tpu.memory_space<semaphore_mem>>)
    } else {
    }
    %scan3A = arith.constant 0 : i32
    %scan3A_38 = arith.constant 40 : i32
    %scan3A_39 = arith.addi %scan3A, %scan3A_38 : i32
    %scan3A_40 = arith.constant 1 : i32
    scf.for %scan3A_47 = %scan3A to %scan3A_39 step %scan3A_40  : i32 {
      %mul3A_48 = arith.constant 2 : i32
      %mul3A_49 = arith.muli %scan3A_47, %mul3A_48 : i32
      %add3A_50 = arith.constant 0 : i32
      %add3A_51 = arith.addi %add3A_50, %mul3A_49 : i32
      %add3A_52 = arith.constant 0 : i32
      %add3A_53 = arith.addi %add3A_51, %add3A_52 : i32
      %lt3A = arith.cmpi slt, %add3A_53, %min3A_4 : i32
      %convert_element_type3A_54 = arith.extui %lt3A : i1 to i32
      %cond3A_55 = arith.constant 0 : i32
      %cond3A_56 = arith.cmpi ne, %convert_element_type3A_54, %cond3A_55 : i32
      scf.if %cond3A_56 {
        %add3A_75 = arith.addi %mul3A_2, %add3A_53 : i32
        %dma_wait3A = arith.constant 0 : i32
        %dma_wait3A_76 = arith.constant 0 : i32
        %dma_wait3A_77 = tpu.memref_slice %arg5[%add3A_75, %dma_wait3A, %dma_wait3A_76] : memref<2500x128x64xf32, #tpu.memory_space<hbm>> -> memref<1x128x64xf32, #tpu.memory_space<hbm>>
        %dma_wait3A_78 = tpu.memref_squeeze %dma_wait3A_77 : memref<1x128x64xf32, #tpu.memory_space<hbm>> -> memref<128x64xf32, #tpu.memory_space<hbm>>
        %dma_wait3A_79 = arith.constant 0 : i32
        %dma_wait3A_80 = arith.constant 0 : i32
        %dma_wait3A_81 = tpu.memref_slice %arg5[%add3A_75, %dma_wait3A_79, %dma_wait3A_80] : memref<2500x128x64xf32, #tpu.memory_space<hbm>> -> memref<1x128x64xf32, #tpu.memory_space<hbm>>
        %dma_wait3A_82 = tpu.memref_squeeze %dma_wait3A_81 : memref<1x128x64xf32, #tpu.memory_space<hbm>> -> memref<128x64xf32, #tpu.memory_space<hbm>>
        tpu.wait_dma2 semaphore(%arg18 : memref<!tpu.dma_semaphore, #tpu.memory_space<semaphore_mem>>) src(%dma_wait3A_82 : memref<128x64xf32, #tpu.memory_space<hbm>>) dst(%arg12 : memref<128x64xf32, #tpu.memory_space<vmem>>)
        %dma_wait3A_83 = arith.constant 0 : i32
        %dma_wait3A_84 = tpu.memref_slice %arg7[%add3A_53, %dma_wait3A_83] : memref<79x128xi32, #tpu.memory_space<vmem>> -> memref<1x128xi32, #tpu.memory_space<vmem>>
        %dma_wait3A_85 = tpu.memref_squeeze %dma_wait3A_84 : memref<1x128xi32, #tpu.memory_space<vmem>> -> memref<128xi32, #tpu.memory_space<vmem>>
        %dma_wait3A_86 = arith.constant 0 : i32
        %dma_wait3A_87 = arith.constant 0 : i32
        %dma_wait3A_88 = tpu.memref_slice %arg15[%dma_wait3A_86, %dma_wait3A_87] : memref<10240x64xf32, #tpu.memory_space<vmem_shared>> -> memref<10240x64xf32, #tpu.memory_space<vmem_shared>>
        tpu.wait_indirect_dma semaphore(%arg16 : memref<!tpu.dma_semaphore, #tpu.memory_space<semaphore_mem>>) src(%dma_wait3A_88 : memref<10240x64xf32, #tpu.memory_space<vmem_shared>>) dst(%arg10 : memref<128x64xf32, #tpu.memory_space<vmem>>)
        %parallel_loop3A_89 = arith.constant 0 : i32
        %parallel_loop3A_90 = arith.constant 128 : i32
        %parallel_loop3A_91 = arith.constant 1 : i32
        scf.for %parallel_loop3A_99 = %parallel_loop3A_89 to %parallel_loop3A_90 step %parallel_loop3A_91  : i32 {
          %parallel_loop3A_100 = arith.index_cast %parallel_loop3A_99 : i32 to index
          %parallel_loop3A_101 = arith.constant 0 : index
          %parallel_loop3A_102 = tpu.vector_load %arg10[%parallel_loop3A_100, %parallel_loop3A_101] {strides = array<i32>} : memref<128x64xf32, #tpu.memory_space<vmem>>, vector<1x16xf32>,
          %parallel_loop3A_103 = vector.shape_cast %parallel_loop3A_102 : vector<1x16xf32> to vector<16xf32>
          %parallel_loop3A_104 = arith.index_cast %parallel_loop3A_99 : i32 to index
          %parallel_loop3A_105 = arith.constant 0 : index
          %parallel_loop3A_106 = tpu.vector_load %arg12[%parallel_loop3A_104, %parallel_loop3A_105] {strides = array<i32>} : memref<128x64xf32, #tpu.memory_space<vmem>>, vector<1x16xf32>,
          %parallel_loop3A_107 = vector.shape_cast %parallel_loop3A_106 : vector<1x16xf32> to vector<16xf32>
          %parallel_loop3A_108 = arith.mulf %parallel_loop3A_103, %parallel_loop3A_107 : vector<16xf32>
          %parallel_loop3A_109 = arith.index_cast %parallel_loop3A_99 : i32 to index
          %parallel_loop3A_110 = arith.constant 0 : index
          %parallel_loop3A_111 = tpu.vector_load %arg10[%parallel_loop3A_109, %parallel_loop3A_110] {strides = array<i32>} : memref<128x64xf32, #tpu.memory_space<vmem>>, vector<1x16xf32>,
          %parallel_loop3A_112 = vector.shape_cast %parallel_loop3A_111 : vector<1x16xf32> to vector<16xf32>
          %parallel_loop3A_113 = vector.shape_cast %parallel_loop3A_108 : vector<16xf32> to vector<1x16xf32>
          tpu.vector_store %arg10[%parallel_loop3A_109, %parallel_loop3A_110], %parallel_loop3A_113 {strides = array<i32>} : memref<128x64xf32, #tpu.memory_space<vmem>>, vector<1x16xf32>,
          %parallel_loop3A_114 = arith.index_cast %parallel_loop3A_99 : i32 to index
          %parallel_loop3A_115 = arith.constant 16 : index
          %parallel_loop3A_116 = tpu.vector_load %arg10[%parallel_loop3A_114, %parallel_loop3A_115] {strides = array<i32>} : memref<128x64xf32, #tpu.memory_space<vmem>>, vector<1x16xf32>,
          %parallel_loop3A_117 = vector.shape_cast %parallel_loop3A_116 : vector<1x16xf32> to vector<16xf32>
          %parallel_loop3A_118 = arith.index_cast %parallel_loop3A_99 : i32 to index
          %parallel_loop3A_119 = arith.constant 16 : index
          %parallel_loop3A_120 = tpu.vector_load %arg12[%parallel_loop3A_118, %parallel_loop3A_119] {strides = array<i32>} : memref<128x64xf32, #tpu.memory_space<vmem>>, vector<1x16xf32>,
          %parallel_loop3A_121 = vector.shape_cast %parallel_loop3A_120 : vector<1x16xf32> to vector<16xf32>
          %parallel_loop3A_122 = arith.mulf %parallel_loop3A_117, %parallel_loop3A_121 : vector<16xf32>
          %parallel_loop3A_123 = arith.index_cast %parallel_loop3A_99 : i32 to index
          %parallel_loop3A_124 = arith.constant 16 : index
          %parallel_loop3A_125 = tpu.vector_load %arg10[%parallel_loop3A_123, %parallel_loop3A_124] {strides = array<i32>} : memref<128x64xf32, #tpu.memory_space<vmem>>, vector<1x16xf32>,
          %parallel_loop3A_126 = vector.shape_cast %parallel_loop3A_125 : vector<1x16xf32> to vector<16xf32>
          %parallel_loop3A_127 = vector.shape_cast %parallel_loop3A_122 : vector<16xf32> to vector<1x16xf32>
          tpu.vector_store %arg10[%parallel_loop3A_123, %parallel_loop3A_124], %parallel_loop3A_127 {strides = array<i32>} : memref<128x64xf32, #tpu.memory_space<vmem>>, vector<1x16xf32>,
          %parallel_loop3A_128 = arith.index_cast %parallel_loop3A_99 : i32 to index
          %parallel_loop3A_129 = arith.constant 32 : index
          %parallel_loop3A_130 = tpu.vector_load %arg10[%parallel_loop3A_128, %parallel_loop3A_129] {strides = array<i32>} : memref<128x64xf32, #tpu.memory_space<vmem>>, vector<1x16xf32>,
          %parallel_loop3A_131 = vector.shape_cast %parallel_loop3A_130 : vector<1x16xf32> to vector<16xf32>
          %parallel_loop3A_132 = arith.index_cast %parallel_loop3A_99 : i32 to index
          %parallel_loop3A_133 = arith.constant 32 : index
          %parallel_loop3A_134 = tpu.vector_load %arg12[%parallel_loop3A_132, %parallel_loop3A_133] {strides = array<i32>} : memref<128x64xf32, #tpu.memory_space<vmem>>, vector<1x16xf32>,
          %parallel_loop3A_135 = vector.shape_cast %parallel_loop3A_134 : vector<1x16xf32> to vector<16xf32>
          %parallel_loop3A_136 = arith.mulf %parallel_loop3A_131, %parallel_loop3A_135 : vector<16xf32>
          %parallel_loop3A_137 = arith.index_cast %parallel_loop3A_99 : i32 to index
          %parallel_loop3A_138 = arith.constant 32 : index
          %parallel_loop3A_139 = tpu.vector_load %arg10[%parallel_loop3A_137, %parallel_loop3A_138] {strides = array<i32>} : memref<128x64xf32, #tpu.memory_space<vmem>>, vector<1x16xf32>,
          %parallel_loop3A_140 = vector.shape_cast %parallel_loop3A_139 : vector<1x16xf32> to vector<16xf32>
          %parallel_loop3A_141 = vector.shape_cast %parallel_loop3A_136 : vector<16xf32> to vector<1x16xf32>
          tpu.vector_store %arg10[%parallel_loop3A_137, %parallel_loop3A_138], %parallel_loop3A_141 {strides = array<i32>} : memref<128x64xf32, #tpu.memory_space<vmem>>, vector<1x16xf32>,
          %parallel_loop3A_142 = arith.index_cast %parallel_loop3A_99 : i32 to index
          %parallel_loop3A_143 = arith.constant 48 : index
          %parallel_loop3A_144 = tpu.vector_load %arg10[%parallel_loop3A_142, %parallel_loop3A_143] {strides = array<i32>} : memref<128x64xf32, #tpu.memory_space<vmem>>, vector<1x16xf32>,
          %parallel_loop3A_145 = vector.shape_cast %parallel_loop3A_144 : vector<1x16xf32> to vector<16xf32>
          %parallel_loop3A_146 = arith.index_cast %parallel_loop3A_99 : i32 to index
          %parallel_loop3A_147 = arith.constant 48 : index
          %parallel_loop3A_148 = tpu.vector_load %arg12[%parallel_loop3A_146, %parallel_loop3A_147] {strides = array<i32>} : memref<128x64xf32, #tpu.memory_space<vmem>>, vector<1x16xf32>,
          %parallel_loop3A_149 = vector.shape_cast %parallel_loop3A_148 : vector<1x16xf32> to vector<16xf32>
          %parallel_loop3A_150 = arith.mulf %parallel_loop3A_145, %parallel_loop3A_149 : vector<16xf32>
          %parallel_loop3A_151 = arith.index_cast %parallel_loop3A_99 : i32 to index
          %parallel_loop3A_152 = arith.constant 48 : index
          %parallel_loop3A_153 = tpu.vector_load %arg10[%parallel_loop3A_151, %parallel_loop3A_152] {strides = array<i32>} : memref<128x64xf32, #tpu.memory_space<vmem>>, vector<1x16xf32>,
          %parallel_loop3A_154 = vector.shape_cast %parallel_loop3A_153 : vector<1x16xf32> to vector<16xf32>
          %parallel_loop3A_155 = vector.shape_cast %parallel_loop3A_150 : vector<16xf32> to vector<1x16xf32>
          tpu.vector_store %arg10[%parallel_loop3A_151, %parallel_loop3A_152], %parallel_loop3A_155 {strides = array<i32>} : memref<128x64xf32, #tpu.memory_space<vmem>>, vector<1x16xf32>,
        } {sc.loop_unroll_factor = 4 : i64, sc.parallel_access}
        %add3A_92 = arith.addi %mul3A_2, %add3A_53 : i32
        %dma_wait3A_93 = arith.constant 0 : i32
        %dma_wait3A_94 = tpu.memref_slice %arg4[%add3A_92, %dma_wait3A_93] : memref<2500x128xi32, #tpu.memory_space<hbm>> -> memref<1x128xi32, #tpu.memory_space<hbm>>
        %dma_wait3A_95 = tpu.memref_squeeze %dma_wait3A_94 : memref<1x128xi32, #tpu.memory_space<hbm>> -> memref<128xi32, #tpu.memory_space<hbm>>
        %dma_wait3A_96 = arith.constant 0 : i32
        %dma_wait3A_97 = tpu.memref_slice %arg4[%add3A_92, %dma_wait3A_96] : memref<2500x128xi32, #tpu.memory_space<hbm>> -> memref<1x128xi32, #tpu.memory_space<hbm>>
        %dma_wait3A_98 = tpu.memref_squeeze %dma_wait3A_97 : memref<1x128xi32, #tpu.memory_space<hbm>> -> memref<128xi32, #tpu.memory_space<hbm>>
        tpu.wait_dma2 semaphore(%arg20 : memref<!tpu.dma_semaphore, #tpu.memory_space<semaphore_mem>>) src(%dma_wait3A_98 : memref<128xi32, #tpu.memory_space<hbm>>) dst(%arg8 : memref<128xi32, #tpu.memory_space<vmem>>)
        "tpu.region"() ({
          %run_scoped3A = tpu.sem_alloc : memref<!tpu.dma_semaphore, #tpu.memory_space<semaphore_mem>>
          %dma_start3A = arith.constant 0 : i32
          %dma_start3A_99 = arith.constant 0 : i32
          %dma_start3A_100 = tpu.memref_slice %arg14[%dma_start3A, %dma_start3A_99] : memref<10240x64xf32, #tpu.memory_space<vmem_shared>> -> memref<10240x64xf32, #tpu.memory_space<vmem_shared>>
          tpu.enqueue_indirect_dma source(%arg10 : memref<128x64xf32, #tpu.memory_space<vmem>>) target(%dma_start3A_100 : memref<10240x64xf32, #tpu.memory_space<vmem_shared>>) offsets(%arg8 : memref<128xi32, #tpu.memory_space<vmem>>) semaphore(%run_scoped3A : memref<!tpu.dma_semaphore, #tpu.memory_space<semaphore_mem>>) {add = true}
          %dma_wait3A_101 = arith.constant 0 : i32
          %dma_wait3A_102 = arith.constant 0 : i32
          %dma_wait3A_103 = tpu.memref_slice %arg14[%dma_wait3A_101, %dma_wait3A_102] : memref<10240x64xf32, #tpu.memory_space<vmem_shared>> -> memref<10240x64xf32, #tpu.memory_space<vmem_shared>>
          tpu.wait_indirect_dma semaphore(%run_scoped3A : memref<!tpu.dma_semaphore, #tpu.memory_space<semaphore_mem>>) src(%arg10 : memref<128x64xf32, #tpu.memory_space<vmem>>) dst(%dma_wait3A_103 : memref<10240x64xf32, #tpu.memory_space<vmem_shared>>)
          tpu.yield
        }) : () -> ()
      } else {
      }
      %add3A_57 = arith.constant 2 : i32
      %add3A_58 = arith.addi %add3A_53, %add3A_57 : i32
      %lt3A_59 = arith.cmpi slt, %add3A_58, %min3A_4 : i32
      %convert_element_type3A_60 = arith.extui %lt3A_59 : i1 to i32
      %cond3A_61 = arith.constant 0 : i32
      %cond3A_62 = arith.cmpi ne, %convert_element_type3A_60, %cond3A_61 : i32
      scf.if %cond3A_62 {
        %add3A_75 = arith.constant 2 : i32
        %add3A_76 = arith.addi %add3A_53, %add3A_75 : i32
        %add3A_77 = arith.addi %mul3A_2, %add3A_76 : i32
        %dma_start3A = arith.constant 0 : i32
        %dma_start3A_78 = arith.constant 0 : i32
        %dma_start3A_79 = tpu.memref_slice %arg5[%add3A_77, %dma_start3A, %dma_start3A_78] : memref<2500x128x64xf32, #tpu.memory_space<hbm>> -> memref<1x128x64xf32, #tpu.memory_space<hbm>>
        %dma_start3A_80 = tpu.memref_squeeze %dma_start3A_79 : memref<1x128x64xf32, #tpu.memory_space<hbm>> -> memref<128x64xf32, #tpu.memory_space<hbm>>
        %dma_start3A_81 = arith.constant 0 : i32
        %dma_start3A_82 = arith.constant 0 : i32
        %dma_start3A_83 = tpu.memref_slice %arg5[%add3A_77, %dma_start3A_81, %dma_start3A_82] : memref<2500x128x64xf32, #tpu.memory_space<hbm>> -> memref<1x128x64xf32, #tpu.memory_space<hbm>>
        %dma_start3A_84 = tpu.memref_squeeze %dma_start3A_83 : memref<1x128x64xf32, #tpu.memory_space<hbm>> -> memref<128x64xf32, #tpu.memory_space<hbm>>
        tpu.enqueue_dma source(%dma_start3A_84 : memref<128x64xf32, #tpu.memory_space<hbm>>) target(%arg12 : memref<128x64xf32, #tpu.memory_space<vmem>>) target_semaphore(%arg18 : memref<!tpu.dma_semaphore, #tpu.memory_space<semaphore_mem>>)
        %add3A_85 = arith.addi %mul3A_2, %add3A_76 : i32
        %dma_start3A_86 = arith.constant 0 : i32
        %dma_start3A_87 = tpu.memref_slice %arg4[%add3A_85, %dma_start3A_86] : memref<2500x128xi32, #tpu.memory_space<hbm>> -> memref<1x128xi32, #tpu.memory_space<hbm>>
        %dma_start3A_88 = tpu.memref_squeeze %dma_start3A_87 : memref<1x128xi32, #tpu.memory_space<hbm>> -> memref<128xi32, #tpu.memory_space<hbm>>
        %dma_start3A_89 = arith.constant 0 : i32
        %dma_start3A_90 = tpu.memref_slice %arg4[%add3A_85, %dma_start3A_89] : memref<2500x128xi32, #tpu.memory_space<hbm>> -> memref<1x128xi32, #tpu.memory_space<hbm>>
        %dma_start3A_91 = tpu.memref_squeeze %dma_start3A_90 : memref<1x128xi32, #tpu.memory_space<hbm>> -> memref<128xi32, #tpu.memory_space<hbm>>
        tpu.enqueue_dma source(%dma_start3A_91 : memref<128xi32, #tpu.memory_space<hbm>>) target(%arg8 : memref<128xi32, #tpu.memory_space<vmem>>) target_semaphore(%arg20 : memref<!tpu.dma_semaphore, #tpu.memory_space<semaphore_mem>>)
        %dma_start3A_92 = arith.constant 0 : i32
        %dma_start3A_93 = tpu.memref_slice %arg7[%add3A_76, %dma_start3A_92] : memref<79x128xi32, #tpu.memory_space<vmem>> -> memref<1x128xi32, #tpu.memory_space<vmem>>
        %dma_start3A_94 = tpu.memref_squeeze %dma_start3A_93 : memref<1x128xi32, #tpu.memory_space<vmem>> -> memref<128xi32, #tpu.memory_space<vmem>>
        %dma_start3A_95 = arith.constant 0 : i32
        %dma_start3A_96 = arith.constant 0 : i32
        %dma_start3A_97 = tpu.memref_slice %arg15[%dma_start3A_95, %dma_start3A_96] : memref<10240x64xf32, #tpu.memory_space<vmem_shared>> -> memref<10240x64xf32, #tpu.memory_space<vmem_shared>>
        tpu.enqueue_indirect_dma source(%dma_start3A_97 : memref<10240x64xf32, #tpu.memory_space<vmem_shared>>) target(%arg10 : memref<128x64xf32, #tpu.memory_space<vmem>>) offsets(%dma_start3A_94 : memref<128xi32, #tpu.memory_space<vmem>>) semaphore(%arg16 : memref<!tpu.dma_semaphore, #tpu.memory_space<semaphore_mem>>)
      } else {
      }
      %add3A_63 = arith.constant 1 : i32
      %add3A_64 = arith.addi %add3A_51, %add3A_63 : i32
      %lt3A_65 = arith.cmpi slt, %add3A_64, %min3A_4 : i32
      %convert_element_type3A_66 = arith.extui %lt3A_65 : i1 to i32
      %cond3A_67 = arith.constant 0 : i32
      %cond3A_68 = arith.cmpi ne, %convert_element_type3A_66, %cond3A_67 : i32
      scf.if %cond3A_68 {
        %add3A_75 = arith.addi %mul3A_2, %add3A_64 : i32
        %dma_wait3A = arith.constant 0 : i32
        %dma_wait3A_76 = arith.constant 0 : i32
        %dma_wait3A_77 = tpu.memref_slice %arg5[%add3A_75, %dma_wait3A, %dma_wait3A_76] : memref<2500x128x64xf32, #tpu.memory_space<hbm>> -> memref<1x128x64xf32, #tpu.memory_space<hbm>>
        %dma_wait3A_78 = tpu.memref_squeeze %dma_wait3A_77 : memref<1x128x64xf32, #tpu.memory_space<hbm>> -> memref<128x64xf32, #tpu.memory_space<hbm>>
        %dma_wait3A_79 = arith.constant 0 : i32
        %dma_wait3A_80 = arith.constant 0 : i32
        %dma_wait3A_81 = tpu.memref_slice %arg5[%add3A_75, %dma_wait3A_79, %dma_wait3A_80] : memref<2500x128x64xf32, #tpu.memory_space<hbm>> -> memref<1x128x64xf32, #tpu.memory_space<hbm>>
        %dma_wait3A_82 = tpu.memref_squeeze %dma_wait3A_81 : memref<1x128x64xf32, #tpu.memory_space<hbm>> -> memref<128x64xf32, #tpu.memory_space<hbm>>
        tpu.wait_dma2 semaphore(%arg19 : memref<!tpu.dma_semaphore, #tpu.memory_space<semaphore_mem>>) src(%dma_wait3A_82 : memref<128x64xf32, #tpu.memory_space<hbm>>) dst(%arg13 : memref<128x64xf32, #tpu.memory_space<vmem>>)
        %dma_wait3A_83 = arith.constant 0 : i32
        %dma_wait3A_84 = tpu.memref_slice %arg7[%add3A_64, %dma_wait3A_83] : memref<79x128xi32, #tpu.memory_space<vmem>> -> memref<1x128xi32, #tpu.memory_space<vmem>>
        %dma_wait3A_85 = tpu.memref_squeeze %dma_wait3A_84 : memref<1x128xi32, #tpu.memory_space<vmem>> -> memref<128xi32, #tpu.memory_space<vmem>>
        %dma_wait3A_86 = arith.constant 0 : i32
        %dma_wait3A_87 = arith.constant 0 : i32
        %dma_wait3A_88 = tpu.memref_slice %arg2[%dma_wait3A_86, %dma_wait3A_87] : memref<10240x64xf32, #tpu.memory_space<hbm>> -> memref<10240x64xf32, #tpu.memory_space<hbm>>
        tpu.wait_indirect_dma semaphore(%arg17 : memref<!tpu.dma_semaphore, #tpu.memory_space<semaphore_mem>>) src(%dma_wait3A_88 : memref<10240x64xf32, #tpu.memory_space<hbm>>) dst(%arg11 : memref<128x64xf32, #tpu.memory_space<vmem>>)
        %parallel_loop3A_89 = arith.constant 0 : i32
        %parallel_loop3A_90 = arith.constant 128 : i32
        %parallel_loop3A_91 = arith.constant 1 : i32
        scf.for %parallel_loop3A_99 = %parallel_loop3A_89 to %parallel_loop3A_90 step %parallel_loop3A_91  : i32 {
          %parallel_loop3A_100 = arith.index_cast %parallel_loop3A_99 : i32 to index
          %parallel_loop3A_101 = arith.constant 0 : index
          %parallel_loop3A_102 = tpu.vector_load %arg11[%parallel_loop3A_100, %parallel_loop3A_101] {strides = array<i32>} : memref<128x64xf32, #tpu.memory_space<vmem>>, vector<1x16xf32>,
          %parallel_loop3A_103 = vector.shape_cast %parallel_loop3A_102 : vector<1x16xf32> to vector<16xf32>
          %parallel_loop3A_104 = arith.index_cast %parallel_loop3A_99 : i32 to index
          %parallel_loop3A_105 = arith.constant 0 : index
          %parallel_loop3A_106 = tpu.vector_load %arg13[%parallel_loop3A_104, %parallel_loop3A_105] {strides = array<i32>} : memref<128x64xf32, #tpu.memory_space<vmem>>, vector<1x16xf32>,
          %parallel_loop3A_107 = vector.shape_cast %parallel_loop3A_106 : vector<1x16xf32> to vector<16xf32>
          %parallel_loop3A_108 = arith.mulf %parallel_loop3A_103, %parallel_loop3A_107 : vector<16xf32>
          %parallel_loop3A_109 = arith.index_cast %parallel_loop3A_99 : i32 to index
          %parallel_loop3A_110 = arith.constant 0 : index
          %parallel_loop3A_111 = tpu.vector_load %arg11[%parallel_loop3A_109, %parallel_loop3A_110] {strides = array<i32>} : memref<128x64xf32, #tpu.memory_space<vmem>>, vector<1x16xf32>,
          %parallel_loop3A_112 = vector.shape_cast %parallel_loop3A_111 : vector<1x16xf32> to vector<16xf32>
          %parallel_loop3A_113 = vector.shape_cast %parallel_loop3A_108 : vector<16xf32> to vector<1x16xf32>
          tpu.vector_store %arg11[%parallel_loop3A_109, %parallel_loop3A_110], %parallel_loop3A_113 {strides = array<i32>} : memref<128x64xf32, #tpu.memory_space<vmem>>, vector<1x16xf32>,
          %parallel_loop3A_114 = arith.index_cast %parallel_loop3A_99 : i32 to index
          %parallel_loop3A_115 = arith.constant 16 : index
          %parallel_loop3A_116 = tpu.vector_load %arg11[%parallel_loop3A_114, %parallel_loop3A_115] {strides = array<i32>} : memref<128x64xf32, #tpu.memory_space<vmem>>, vector<1x16xf32>,
          %parallel_loop3A_117 = vector.shape_cast %parallel_loop3A_116 : vector<1x16xf32> to vector<16xf32>
          %parallel_loop3A_118 = arith.index_cast %parallel_loop3A_99 : i32 to index
          %parallel_loop3A_119 = arith.constant 16 : index
          %parallel_loop3A_120 = tpu.vector_load %arg13[%parallel_loop3A_118, %parallel_loop3A_119] {strides = array<i32>} : memref<128x64xf32, #tpu.memory_space<vmem>>, vector<1x16xf32>,
          %parallel_loop3A_121 = vector.shape_cast %parallel_loop3A_120 : vector<1x16xf32> to vector<16xf32>
          %parallel_loop3A_122 = arith.mulf %parallel_loop3A_117, %parallel_loop3A_121 : vector<16xf32>
          %parallel_loop3A_123 = arith.index_cast %parallel_loop3A_99 : i32 to index
          %parallel_loop3A_124 = arith.constant 16 : index
          %parallel_loop3A_125 = tpu.vector_load %arg11[%parallel_loop3A_123, %parallel_loop3A_124] {strides = array<i32>} : memref<128x64xf32, #tpu.memory_space<vmem>>, vector<1x16xf32>,
          %parallel_loop3A_126 = vector.shape_cast %parallel_loop3A_125 : vector<1x16xf32> to vector<16xf32>
          %parallel_loop3A_127 = vector.shape_cast %parallel_loop3A_122 : vector<16xf32> to vector<1x16xf32>
          tpu.vector_store %arg11[%parallel_loop3A_123, %parallel_loop3A_124], %parallel_loop3A_127 {strides = array<i32>} : memref<128x64xf32, #tpu.memory_space<vmem>>, vector<1x16xf32>,
          %parallel_loop3A_128 = arith.index_cast %parallel_loop3A_99 : i32 to index
          %parallel_loop3A_129 = arith.constant 32 : index
          %parallel_loop3A_130 = tpu.vector_load %arg11[%parallel_loop3A_128, %parallel_loop3A_129] {strides = array<i32>} : memref<128x64xf32, #tpu.memory_space<vmem>>, vector<1x16xf32>,
          %parallel_loop3A_131 = vector.shape_cast %parallel_loop3A_130 : vector<1x16xf32> to vector<16xf32>
          %parallel_loop3A_132 = arith.index_cast %parallel_loop3A_99 : i32 to index
          %parallel_loop3A_133 = arith.constant 32 : index
          %parallel_loop3A_134 = tpu.vector_load %arg13[%parallel_loop3A_132, %parallel_loop3A_133] {strides = array<i32>} : memref<128x64xf32, #tpu.memory_space<vmem>>, vector<1x16xf32>,
          %parallel_loop3A_135 = vector.shape_cast %parallel_loop3A_134 : vector<1x16xf32> to vector<16xf32>
          %parallel_loop3A_136 = arith.mulf %parallel_loop3A_131, %parallel_loop3A_135 : vector<16xf32>
          %parallel_loop3A_137 = arith.index_cast %parallel_loop3A_99 : i32 to index
          %parallel_loop3A_138 = arith.constant 32 : index
          %parallel_loop3A_139 = tpu.vector_load %arg11[%parallel_loop3A_137, %parallel_loop3A_138] {strides = array<i32>} : memref<128x64xf32, #tpu.memory_space<vmem>>, vector<1x16xf32>,
          %parallel_loop3A_140 = vector.shape_cast %parallel_loop3A_139 : vector<1x16xf32> to vector<16xf32>
          %parallel_loop3A_141 = vector.shape_cast %parallel_loop3A_136 : vector<16xf32> to vector<1x16xf32>
          tpu.vector_store %arg11[%parallel_loop3A_137, %parallel_loop3A_138], %parallel_loop3A_141 {strides = array<i32>} : memref<128x64xf32, #tpu.memory_space<vmem>>, vector<1x16xf32>,
          %parallel_loop3A_142 = arith.index_cast %parallel_loop3A_99 : i32 to index
          %parallel_loop3A_143 = arith.constant 48 : index
          %parallel_loop3A_144 = tpu.vector_load %arg11[%parallel_loop3A_142, %parallel_loop3A_143] {strides = array<i32>} : memref<128x64xf32, #tpu.memory_space<vmem>>, vector<1x16xf32>,
          %parallel_loop3A_145 = vector.shape_cast %parallel_loop3A_144 : vector<1x16xf32> to vector<16xf32>
          %parallel_loop3A_146 = arith.index_cast %parallel_loop3A_99 : i32 to index
          %parallel_loop3A_147 = arith.constant 48 : index
          %parallel_loop3A_148 = tpu.vector_load %arg13[%parallel_loop3A_146, %parallel_loop3A_147] {strides = array<i32>} : memref<128x64xf32, #tpu.memory_space<vmem>>, vector<1x16xf32>,
          %parallel_loop3A_149 = vector.shape_cast %parallel_loop3A_148 : vector<1x16xf32> to vector<16xf32>
          %parallel_loop3A_150 = arith.mulf %parallel_loop3A_145, %parallel_loop3A_149 : vector<16xf32>
          %parallel_loop3A_151 = arith.index_cast %parallel_loop3A_99 : i32 to index
          %parallel_loop3A_152 = arith.constant 48 : index
          %parallel_loop3A_153 = tpu.vector_load %arg11[%parallel_loop3A_151, %parallel_loop3A_152] {strides = array<i32>} : memref<128x64xf32, #tpu.memory_space<vmem>>, vector<1x16xf32>,
          %parallel_loop3A_154 = vector.shape_cast %parallel_loop3A_153 : vector<1x16xf32> to vector<16xf32>
          %parallel_loop3A_155 = vector.shape_cast %parallel_loop3A_150 : vector<16xf32> to vector<1x16xf32>
          tpu.vector_store %arg11[%parallel_loop3A_151, %parallel_loop3A_152], %parallel_loop3A_155 {strides = array<i32>} : memref<128x64xf32, #tpu.memory_space<vmem>>, vector<1x16xf32>,
        } {sc.loop_unroll_factor = 4 : i64, sc.parallel_access}
        %add3A_92 = arith.addi %mul3A_2, %add3A_64 : i32
        %dma_wait3A_93 = arith.constant 0 : i32
        %dma_wait3A_94 = tpu.memref_slice %arg4[%add3A_92, %dma_wait3A_93] : memref<2500x128xi32, #tpu.memory_space<hbm>> -> memref<1x128xi32, #tpu.memory_space<hbm>>
        %dma_wait3A_95 = tpu.memref_squeeze %dma_wait3A_94 : memref<1x128xi32, #tpu.memory_space<hbm>> -> memref<128xi32, #tpu.memory_space<hbm>>
        %dma_wait3A_96 = arith.constant 0 : i32
        %dma_wait3A_97 = tpu.memref_slice %arg4[%add3A_92, %dma_wait3A_96] : memref<2500x128xi32, #tpu.memory_space<hbm>> -> memref<1x128xi32, #tpu.memory_space<hbm>>
        %dma_wait3A_98 = tpu.memref_squeeze %dma_wait3A_97 : memref<1x128xi32, #tpu.memory_space<hbm>> -> memref<128xi32, #tpu.memory_space<hbm>>
        tpu.wait_dma2 semaphore(%arg21 : memref<!tpu.dma_semaphore, #tpu.memory_space<semaphore_mem>>) src(%dma_wait3A_98 : memref<128xi32, #tpu.memory_space<hbm>>) dst(%arg9 : memref<128xi32, #tpu.memory_space<vmem>>)
        "tpu.region"() ({
          %run_scoped3A = tpu.sem_alloc : memref<!tpu.dma_semaphore, #tpu.memory_space<semaphore_mem>>
          %dma_start3A = arith.constant 0 : i32
          %dma_start3A_99 = arith.constant 0 : i32
          %dma_start3A_100 = tpu.memref_slice %arg14[%dma_start3A, %dma_start3A_99] : memref<10240x64xf32, #tpu.memory_space<vmem_shared>> -> memref<10240x64xf32, #tpu.memory_space<vmem_shared>>
          tpu.enqueue_indirect_dma source(%arg11 : memref<128x64xf32, #tpu.memory_space<vmem>>) target(%dma_start3A_100 : memref<10240x64xf32, #tpu.memory_space<vmem_shared>>) offsets(%arg9 : memref<128xi32, #tpu.memory_space<vmem>>) semaphore(%run_scoped3A : memref<!tpu.dma_semaphore, #tpu.memory_space<semaphore_mem>>) {add = true}
          %dma_wait3A_101 = arith.constant 0 : i32
          %dma_wait3A_102 = arith.constant 0 : i32
          %dma_wait3A_103 = tpu.memref_slice %arg14[%dma_wait3A_101, %dma_wait3A_102] : memref<10240x64xf32, #tpu.memory_space<vmem_shared>> -> memref<10240x64xf32, #tpu.memory_space<vmem_shared>>
          tpu.wait_indirect_dma semaphore(%run_scoped3A : memref<!tpu.dma_semaphore, #tpu.memory_space<semaphore_mem>>) src(%arg11 : memref<128x64xf32, #tpu.memory_space<vmem>>) dst(%dma_wait3A_103 : memref<10240x64xf32, #tpu.memory_space<vmem_shared>>)
          tpu.yield
        }) : () -> ()
      } else {
      }
      %add3A_69 = arith.constant 2 : i32
      %add3A_70 = arith.addi %add3A_64, %add3A_69 : i32
      %lt3A_71 = arith.cmpi slt, %add3A_70, %min3A_4 : i32
      %convert_element_type3A_72 = arith.extui %lt3A_71 : i1 to i32
      %cond3A_73 = arith.constant 0 : i32
      %cond3A_74 = arith.cmpi ne, %convert_element_type3A_72, %cond3A_73 : i32
      scf.if %cond3A_74 {
        %add3A_75 = arith.constant 2 : i32
        %add3A_76 = arith.addi %add3A_64, %add3A_75 : i32
        %add3A_77 = arith.addi %mul3A_2, %add3A_76 : i32
        %dma_start3A = arith.constant 0 : i32
        %dma_start3A_78 = arith.constant 0 : i32
        %dma_start3A_79 = tpu.memref_slice %arg5[%add3A_77, %dma_start3A, %dma_start3A_78] : memref<2500x128x64xf32, #tpu.memory_space<hbm>> -> memref<1x128x64xf32, #tpu.memory_space<hbm>>
        %dma_start3A_80 = tpu.memref_squeeze %dma_start3A_79 : memref<1x128x64xf32, #tpu.memory_space<hbm>> -> memref<128x64xf32, #tpu.memory_space<hbm>>
        %dma_start3A_81 = arith.constant 0 : i32
        %dma_start3A_82 = arith.constant 0 : i32
        %dma_start3A_83 = tpu.memref_slice %arg5[%add3A_77, %dma_start3A_81, %dma_start3A_82] : memref<2500x128x64xf32, #tpu.memory_space<hbm>> -> memref<1x128x64xf32, #tpu.memory_space<hbm>>
        %dma_start3A_84 = tpu.memref_squeeze %dma_start3A_83 : memref<1x128x64xf32, #tpu.memory_space<hbm>> -> memref<128x64xf32, #tpu.memory_space<hbm>>
        tpu.enqueue_dma source(%dma_start3A_84 : memref<128x64xf32, #tpu.memory_space<hbm>>) target(%arg13 : memref<128x64xf32, #tpu.memory_space<vmem>>) target_semaphore(%arg19 : memref<!tpu.dma_semaphore, #tpu.memory_space<semaphore_mem>>)
        %add3A_85 = arith.addi %mul3A_2, %add3A_76 : i32
        %dma_start3A_86 = arith.constant 0 : i32
        %dma_start3A_87 = tpu.memref_slice %arg4[%add3A_85, %dma_start3A_86] : memref<2500x128xi32, #tpu.memory_space<hbm>> -> memref<1x128xi32, #tpu.memory_space<hbm>>
        %dma_start3A_88 = tpu.memref_squeeze %dma_start3A_87 : memref<1x128xi32, #tpu.memory_space<hbm>> -> memref<128xi32, #tpu.memory_space<hbm>>
        %dma_start3A_89 = arith.constant 0 : i32
        %dma_start3A_90 = tpu.memref_slice %arg4[%add3A_85, %dma_start3A_89] : memref<2500x128xi32, #tpu.memory_space<hbm>> -> memref<1x128xi32, #tpu.memory_space<hbm>>
        %dma_start3A_91 = tpu.memref_squeeze %dma_start3A_90 : memref<1x128xi32, #tpu.memory_space<hbm>> -> memref<128xi32, #tpu.memory_space<hbm>>
        tpu.enqueue_dma source(%dma_start3A_91 : memref<128xi32, #tpu.memory_space<hbm>>) target(%arg9 : memref<128xi32, #tpu.memory_space<vmem>>) target_semaphore(%arg21 : memref<!tpu.dma_semaphore, #tpu.memory_space<semaphore_mem>>)
        %dma_start3A_92 = arith.constant 0 : i32
        %dma_start3A_93 = tpu.memref_slice %arg7[%add3A_76, %dma_start3A_92] : memref<79x128xi32, #tpu.memory_space<vmem>> -> memref<1x128xi32, #tpu.memory_space<vmem>>
        %dma_start3A_94 = tpu.memref_squeeze %dma_start3A_93 : memref<1x128xi32, #tpu.memory_space<vmem>> -> memref<128xi32, #tpu.memory_space<vmem>>
        %dma_start3A_95 = arith.constant 0 : i32
        %dma_start3A_96 = arith.constant 0 : i32
        %dma_start3A_97 = tpu.memref_slice %arg2[%dma_start3A_95, %dma_start3A_96] : memref<10240x64xf32, #tpu.memory_space<hbm>> -> memref<10240x64xf32, #tpu.memory_space<hbm>>
        tpu.enqueue_indirect_dma source(%dma_start3A_97 : memref<10240x64xf32, #tpu.memory_space<hbm>>) target(%arg11 : memref<128x64xf32, #tpu.memory_space<vmem>>) offsets(%dma_start3A_94 : memref<128xi32, #tpu.memory_space<vmem>>) semaphore(%arg17 : memref<!tpu.dma_semaphore, #tpu.memory_space<semaphore_mem>>)
      } else {
      }
    }
    %scan3A_41 = arith.constant 40 : i32
    %barrier3A_42 = arith.constant 0 : index
    tpu.barrier barrier_id(%barrier3A_42)
    %mul3A_43 = arith.constant 640 : i32
    %mul3A_44 = arith.muli %arg1, %mul3A_43 : i32
    %mul3A_45 = arith.constant 640 : i32
    %mul3A_46 = arith.muli %arg1, %mul3A_45 : i32
    "tpu.region"() ({
      %run_scoped3A = tpu.sem_alloc : memref<!tpu.dma_semaphore, #tpu.memory_space<semaphore_mem>>
      %dma_start3A = arith.constant 0 : i32
      %dma_start3A_47 = tpu.memref_slice %arg6[%arg0, %mul3A_46, %dma_start3A] : memref<2x10240x64xf32, #tpu.memory_space<hbm>> -> memref<1x640x64xf32, #tpu.memory_space<hbm>>
      %dma_start3A_48 = tpu.memref_squeeze %dma_start3A_47 : memref<1x640x64xf32, #tpu.memory_space<hbm>> -> memref<640x64xf32, #tpu.memory_space<hbm>>
      %dma_start3A_49 = arith.constant 0 : i32
      %dma_start3A_50 = tpu.memref_slice %arg14[%mul3A_44, %dma_start3A_49] : memref<10240x64xf32, #tpu.memory_space<vmem_shared>> -> memref<640x64xf32, #tpu.memory_space<vmem_shared>>
      tpu.enqueue_dma source(%dma_start3A_50 : memref<640x64xf32, #tpu.memory_space<vmem_shared>>) target(%dma_start3A_48 : memref<640x64xf32, #tpu.memory_space<hbm>>) target_semaphore(%run_scoped3A : memref<!tpu.dma_semaphore, #tpu.memory_space<semaphore_mem>>)
      %dma_wait3A = arith.constant 0 : i32
      %dma_wait3A_51 = tpu.memref_slice %arg6[%arg0, %mul3A_46, %dma_wait3A] : memref<2x10240x64xf32, #tpu.memory_space<hbm>> -> memref<1x640x64xf32, #tpu.memory_space<hbm>>
      %dma_wait3A_52 = tpu.memref_squeeze %dma_wait3A_51 : memref<1x640x64xf32, #tpu.memory_space<hbm>> -> memref<640x64xf32, #tpu.memory_space<hbm>>
      %dma_wait3A_53 = arith.constant 0 : i32
      %dma_wait3A_54 = tpu.memref_slice %arg14[%mul3A_44, %dma_wait3A_53] : memref<10240x64xf32, #tpu.memory_space<vmem_shared>> -> memref<640x64xf32, #tpu.memory_space<vmem_shared>>
      tpu.wait_dma2 semaphore(%run_scoped3A : memref<!tpu.dma_semaphore, #tpu.memory_space<semaphore_mem>>) src(%dma_wait3A_54 : memref<640x64xf32, #tpu.memory_space<vmem_shared>>) dst(%dma_wait3A_52 : memref<640x64xf32, #tpu.memory_space<hbm>>)
      tpu.yield
    }) : () -> ()
    return
  }
}

module attributes {stable_mosaic.version = 14 : i64} {
  func.func @_pad_idx_kernel(%arg0: memref<2500x128xi32, #tpu.memory_space<vmem>>, %arg1: memref<2528x128xi32, #tpu.memory_space<vmem>>) attributes {dimension_semantics = [], scalar_prefetch = 0 : i64, scratch_operands = 0 : i64, tpu.core_type = #tpu.core_type<tc>} {
    %get3A = arith.constant 0 : index
    %get3A_0 = arith.constant 0 : index
    %get3A_1 = vector.load %arg0[%get3A, %get3A_0] : memref<2500x128xi32, #tpu.memory_space<vmem>>, vector<2500x128xi32>
    %swap3A = arith.constant 0 : index
    %swap3A_2 = arith.constant 0 : index
    %swap3A_3 = vector.load %arg1[%swap3A, %swap3A_2] : memref<2528x128xi32, #tpu.memory_space<vmem>>, vector<2500x128xi32>
    tpu.vector_store %arg1[%swap3A, %swap3A_2], %get3A_1 {strides = array<i32>} : memref<2528x128xi32, #tpu.memory_space<vmem>>, vector<2500x128xi32>,
    return
  }
}

module attributes {stable_mosaic.version = 14 : i64} {
  func.func @_node_embed_kernel(%arg0: i32, %arg1: memref<2000x128xf32, #tpu.memory_space<vmem>>, %arg2: memref<128x64xf32, #tpu.memory_space<vmem>>, %arg3: memref<1x64xf32, #tpu.memory_space<vmem>>, %arg4: memref<2000x64xf32, #tpu.memory_space<vmem>>) attributes {dimension_semantics = [#tpu.dimension_semantics<arbitrary>], iteration_bounds = array<i64: 5>, scalar_prefetch = 0 : i64, scratch_operands = 0 : i64, tpu.core_type = #tpu.core_type<tc>, window_params = [{transform_indices = @transform_0, window_bounds = array<i64: 2000, 128>}, {pipeline_mode = #tpu.pipeline_mode<synchronous>, transform_indices = @transform_1, window_bounds = array<i64: 128, 64>}, {pipeline_mode = #tpu.pipeline_mode<synchronous>, transform_indices = @transform_2, window_bounds = array<i64: 1, 64>}, {transform_indices = @transform_3, window_bounds = array<i64: 2000, 64>}]} {
    %get3A = arith.constant 0 : index
    %get3A_0 = arith.constant 0 : index
    %get3A_1 = vector.load %arg1[%get3A, %get3A_0] : memref<2000x128xf32, #tpu.memory_space<vmem>>, vector<2000x128xf32>
    %get3A_2 = arith.constant 0 : index
    %get3A_3 = arith.constant 0 : index
    %get3A_4 = vector.load %arg2[%get3A_2, %get3A_3] : memref<128x64xf32, #tpu.memory_space<vmem>>, vector<128x64xf32>
    %dot_general3A = arith.constant dense<0.000000e+00> : vector<2000x64xf32>
    %dot_general3A_5 = tpu.matmul %get3A_1, %get3A_4, %dot_general3A {dimension_numbers = #tpu.dot_dimension_numbers<[1], [0], [0], [1], [0, 0, 1, 1], [], []>, transpose_lhs_hint = false} : vector<2000x128xf32>, vector<128x64xf32>, vector<2000x64xf32> -> vector<2000x64xf32>
    %get3A_6 = arith.constant 0 : index
    %get3A_7 = arith.constant 0 : index
    %get3A_8 = vector.load %arg3[%get3A_6, %get3A_7] : memref<1x64xf32, #tpu.memory_space<vmem>>, vector<1x64xf32>
    %add3A = vector.broadcast %get3A_8 : vector<1x64xf32> to vector<2000x64xf32>
    %add3A_9 = arith.addf %dot_general3A_5, %add3A : vector<2000x64xf32>
    %max3A = arith.constant 0.000000e+00 : f32
    %max3A_10 = vector.broadcast %max3A : f32 to vector<2000x64xf32>
    %max3A_11 = arith.maximumf %add3A_9, %max3A_10 : vector<2000x64xf32>
    %swap3A = arith.constant 0 : index
    %swap3A_12 = arith.constant 0 : index
    %swap3A_13 = vector.load %arg4[%swap3A, %swap3A_12] : memref<2000x64xf32, #tpu.memory_space<vmem>>, vector<2000x64xf32>
    tpu.vector_store %arg4[%swap3A, %swap3A_12], %max3A_11 {strides = array<i32>} : memref<2000x64xf32, #tpu.memory_space<vmem>>, vector<2000x64xf32>,
    return
  }
  func.func @transform_0(%arg0: i32) -> (i32, i32) {
    %c0_i32 = arith.constant 0 : i32
    %c0_i32_0 = arith.constant 0 : i32
    return %arg0, %c0_i32 : i32, i32
  }
  func.func @transform_1(%arg0: i32) -> (i32, i32) {
    %c0_i32 = arith.constant 0 : i32
    %c0_i32_0 = arith.constant 0 : i32
    %c0_i32_1 = arith.constant 0 : i32
    return %c0_i32, %c0_i32_0 : i32, i32
  }
  func.func @transform_2(%arg0: i32) -> (i32, i32) {
    %c0_i32 = arith.constant 0 : i32
    %c0_i32_0 = arith.constant 0 : i32
    %c0_i32_1 = arith.constant 0 : i32
    return %c0_i32, %c0_i32_0 : i32, i32
  }
  func.func @transform_3(%arg0: i32) -> (i32, i32) {
    %c0_i32 = arith.constant 0 : i32
    %c0_i32_0 = arith.constant 0 : i32
    return %arg0, %c0_i32 : i32, i32
  }
}

module attributes {stable_mosaic.version = 14 : i64} {
  func.func @_edge_embed_kernel(%arg0: i32, %arg1: memref<10000x32xf32, #tpu.memory_space<vmem>>, %arg2: memref<32x128xf32, #tpu.memory_space<vmem>>, %arg3: memref<1x128xf32, #tpu.memory_space<vmem>>, %arg4: memref<10000x128xf32, #tpu.memory_space<vmem>>) attributes {dimension_semantics = [#tpu.dimension_semantics<arbitrary>], iteration_bounds = array<i64: 16>, scalar_prefetch = 0 : i64, scratch_operands = 0 : i64, tpu.core_type = #tpu.core_type<tc>, window_params = [{transform_indices = @transform_0, window_bounds = array<i64: 10000, 32>}, {pipeline_mode = #tpu.pipeline_mode<synchronous>, transform_indices = @transform_1, window_bounds = array<i64: 32, 128>}, {pipeline_mode = #tpu.pipeline_mode<synchronous>, transform_indices = @transform_2, window_bounds = array<i64: 1, 128>}, {transform_indices = @transform_3, window_bounds = array<i64: 10000, 128>}]} {
    %get3A = arith.constant 0 : index
    %get3A_0 = arith.constant 0 : index
    %get3A_1 = vector.load %arg1[%get3A, %get3A_0] : memref<10000x32xf32, #tpu.memory_space<vmem>>, vector<10000x32xf32>
    %get3A_2 = arith.constant 0 : index
    %get3A_3 = arith.constant 0 : index
    %get3A_4 = vector.load %arg2[%get3A_2, %get3A_3] : memref<32x128xf32, #tpu.memory_space<vmem>>, vector<32x128xf32>
    %dot_general3A = arith.constant dense<0.000000e+00> : vector<10000x128xf32>
    %dot_general3A_5 = tpu.matmul %get3A_1, %get3A_4, %dot_general3A {dimension_numbers = #tpu.dot_dimension_numbers<[1], [0], [0], [1], [0, 0, 1, 1], [], []>, transpose_lhs_hint = false} : vector<10000x32xf32>, vector<32x128xf32>, vector<10000x128xf32> -> vector<10000x128xf32>
    %get3A_6 = arith.constant 0 : index
    %get3A_7 = arith.constant 0 : index
    %get3A_8 = vector.load %arg3[%get3A_6, %get3A_7] : memref<1x128xf32, #tpu.memory_space<vmem>>, vector<1x128xf32>
    %add3A = vector.broadcast %get3A_8 : vector<1x128xf32> to vector<10000x128xf32>
    %add3A_9 = arith.addf %dot_general3A_5, %add3A : vector<10000x128xf32>
    %max3A = arith.constant 0.000000e+00 : f32
    %max3A_10 = vector.broadcast %max3A : f32 to vector<10000x128xf32>
    %max3A_11 = arith.maximumf %add3A_9, %max3A_10 : vector<10000x128xf32>
    %swap3A = arith.constant 0 : index
    %swap3A_12 = arith.constant 0 : index
    %swap3A_13 = vector.load %arg4[%swap3A, %swap3A_12] : memref<10000x128xf32, #tpu.memory_space<vmem>>, vector<10000x128xf32>
    tpu.vector_store %arg4[%swap3A, %swap3A_12], %max3A_11 {strides = array<i32>} : memref<10000x128xf32, #tpu.memory_space<vmem>>, vector<10000x128xf32>,
    return
  }
  func.func @transform_0(%arg0: i32) -> (i32, i32) {
    %c0_i32 = arith.constant 0 : i32
    %c0_i32_0 = arith.constant 0 : i32
    return %arg0, %c0_i32 : i32, i32
  }
  func.func @transform_1(%arg0: i32) -> (i32, i32) {
    %c0_i32 = arith.constant 0 : i32
    %c0_i32_0 = arith.constant 0 : i32
    %c0_i32_1 = arith.constant 0 : i32
    return %c0_i32, %c0_i32_0 : i32, i32
  }
  func.func @transform_2(%arg0: i32) -> (i32, i32) {
    %c0_i32 = arith.constant 0 : i32
    %c0_i32_0 = arith.constant 0 : i32
    %c0_i32_1 = arith.constant 0 : i32
    return %c0_i32, %c0_i32_0 : i32, i32
  }
  func.func @transform_3(%arg0: i32) -> (i32, i32) {
    %c0_i32 = arith.constant 0 : i32
    %c0_i32_0 = arith.constant 0 : i32
    return %arg0, %c0_i32 : i32, i32
  }
}

module attributes {stable_mosaic.version = 14 : i64} {
  func.func @_update_kernel(%arg0: i32, %arg1: memref<2000x128xf32, #tpu.memory_space<vmem>>, %arg2: memref<128x64xf32, #tpu.memory_space<vmem>>, %arg3: memref<1x64xf32, #tpu.memory_space<vmem>>, %arg4: memref<2x2000x64xf32, #tpu.memory_space<vmem>>, %arg5: memref<64x64xf32, #tpu.memory_space<vmem>>, %arg6: memref<2000x64xf32, #tpu.memory_space<vmem>>) attributes {dimension_semantics = [#tpu.dimension_semantics<arbitrary>], iteration_bounds = array<i64: 5>, scalar_prefetch = 0 : i64, scratch_operands = 0 : i64, tpu.core_type = #tpu.core_type<tc>, window_params = [{transform_indices = @transform_0, window_bounds = array<i64: 2000, 128>}, {pipeline_mode = #tpu.pipeline_mode<synchronous>, transform_indices = @transform_1, window_bounds = array<i64: 128, 64>}, {pipeline_mode = #tpu.pipeline_mode<synchronous>, transform_indices = @transform_2, window_bounds = array<i64: 1, 64>}, {transform_indices = @transform_3, window_bounds = array<i64: 2, 2000, 64>}, {pipeline_mode = #tpu.pipeline_mode<synchronous>, transform_indices = @transform_4, window_bounds = array<i64: 64, 64>}, {transform_indices = @transform_5, window_bounds = array<i64: 2000, 64>}]} {
    %get3A = arith.constant 0 : index
    %get3A_0 = arith.constant 0 : index
    %get3A_1 = arith.constant 0 : index
    %get3A_2 = vector.load %arg4[%get3A, %get3A_0, %get3A_1] : memref<2x2000x64xf32, #tpu.memory_space<vmem>>, vector<1x2000x64xf32>
    %get3A_3 = vector.shape_cast %get3A_2 : vector<1x2000x64xf32> to vector<2000x64xf32>
    %get3A_4 = arith.constant 1 : index
    %get3A_5 = arith.constant 0 : index
    %get3A_6 = arith.constant 0 : index
    %get3A_7 = vector.load %arg4[%get3A_4, %get3A_5, %get3A_6] : memref<2x2000x64xf32, #tpu.memory_space<vmem>>, vector<1x2000x64xf32>
    %get3A_8 = vector.shape_cast %get3A_7 : vector<1x2000x64xf32> to vector<2000x64xf32>
    %add3A = arith.addf %get3A_3, %get3A_8 : vector<2000x64xf32>
    %get3A_9 = arith.constant 0 : index
    %get3A_10 = arith.constant 0 : index
    %get3A_11 = vector.load %arg1[%get3A_9, %get3A_10] : memref<2000x128xf32, #tpu.memory_space<vmem>>, vector<2000x128xf32>
    %get3A_12 = arith.constant 0 : index
    %get3A_13 = arith.constant 0 : index
    %get3A_14 = vector.load %arg2[%get3A_12, %get3A_13] : memref<128x64xf32, #tpu.memory_space<vmem>>, vector<128x64xf32>
    %dot_general3A = arith.constant dense<0.000000e+00> : vector<2000x64xf32>
    %dot_general3A_15 = tpu.matmul %get3A_11, %get3A_14, %dot_general3A {dimension_numbers = #tpu.dot_dimension_numbers<[1], [0], [0], [1], [0, 0, 1, 1], [], []>, transpose_lhs_hint = false} : vector<2000x128xf32>, vector<128x64xf32>, vector<2000x64xf32> -> vector<2000x64xf32>
    %get3A_16 = arith.constant 0 : index
    %get3A_17 = arith.constant 0 : index
    %get3A_18 = vector.load %arg3[%get3A_16, %get3A_17] : memref<1x64xf32, #tpu.memory_space<vmem>>, vector<1x64xf32>
    %add3A_19 = vector.broadcast %get3A_18 : vector<1x64xf32> to vector<2000x64xf32>
    %add3A_20 = arith.addf %dot_general3A_15, %add3A_19 : vector<2000x64xf32>
    %max3A = arith.constant 0.000000e+00 : f32
    %max3A_21 = vector.broadcast %max3A : f32 to vector<2000x64xf32>
    %max3A_22 = arith.maximumf %add3A_20, %max3A_21 : vector<2000x64xf32>
    %get3A_23 = arith.constant 0 : index
    %get3A_24 = arith.constant 0 : index
    %get3A_25 = vector.load %arg5[%get3A_23, %get3A_24] : memref<64x64xf32, #tpu.memory_space<vmem>>, vector<64x64xf32>
    %dot_general3A_26 = arith.constant dense<0.000000e+00> : vector<2000x64xf32>
    %dot_general3A_27 = tpu.matmul %add3A, %get3A_25, %dot_general3A_26 {dimension_numbers = #tpu.dot_dimension_numbers<[1], [0], [0], [1], [0, 0, 1, 1], [], []>, transpose_lhs_hint = false} : vector<2000x64xf32>, vector<64x64xf32>, vector<2000x64xf32> -> vector<2000x64xf32>
    %add3A_28 = arith.addf %max3A_22, %dot_general3A_27 : vector<2000x64xf32>
    %max3A_29 = arith.constant 0.000000e+00 : f32
    %max3A_30 = vector.broadcast %max3A_29 : f32 to vector<2000x64xf32>
    %max3A_31 = arith.maximumf %add3A_28, %max3A_30 : vector<2000x64xf32>
    %swap3A = arith.constant 0 : index
    %swap3A_32 = arith.constant 0 : index
    %swap3A_33 = vector.load %arg6[%swap3A, %swap3A_32] : memref<2000x64xf32, #tpu.memory_space<vmem>>, vector<2000x64xf32>
    tpu.vector_store %arg6[%swap3A, %swap3A_32], %max3A_31 {strides = array<i32>} : memref<2000x64xf32, #tpu.memory_space<vmem>>, vector<2000x64xf32>,
    return
  }
  func.func @transform_0(%arg0: i32) -> (i32, i32) {
    %c0_i32 = arith.constant 0 : i32
    %c0_i32_0 = arith.constant 0 : i32
    return %arg0, %c0_i32 : i32, i32
  }
  func.func @transform_1(%arg0: i32) -> (i32, i32) {
    %c0_i32 = arith.constant 0 : i32
    %c0_i32_0 = arith.constant 0 : i32
    %c0_i32_1 = arith.constant 0 : i32
    return %c0_i32, %c0_i32_0 : i32, i32
  }
  func.func @transform_2(%arg0: i32) -> (i32, i32) {
    %c0_i32 = arith.constant 0 : i32
    %c0_i32_0 = arith.constant 0 : i32
    %c0_i32_1 = arith.constant 0 : i32
    return %c0_i32, %c0_i32_0 : i32, i32
  }
  func.func @transform_3(%arg0: i32) -> (i32, i32, i32) {
    %c0_i32 = arith.constant 0 : i32
    %c0_i32_0 = arith.constant 0 : i32
    %c0_i32_1 = arith.constant 0 : i32
    return %c0_i32, %arg0, %c0_i32_0 : i32, i32, i32
  }
  func.func @transform_4(%arg0: i32) -> (i32, i32) {
    %c0_i32 = arith.constant 0 : i32
    %c0_i32_0 = arith.constant 0 : i32
    %c0_i32_1 = arith.constant 0 : i32
    return %c0_i32, %c0_i32_0 : i32, i32
  }
  func.func @transform_5(%arg0: i32) -> (i32, i32) {
    %c0_i32 = arith.constant 0 : i32
    %c0_i32_0 = arith.constant 0 : i32
    return %arg0, %c0_i32 : i32, i32
  }
}

module attributes {stable_mosaic.version = 14 : i64} {
  func.func @_final_kernel(%arg0: memref<10240x64xf32, #tpu.memory_space<vmem>>, %arg1: memref<2x10240x64xf32, #tpu.memory_space<vmem>>, %arg2: memref<64x64xf32, #tpu.memory_space<vmem>>, %arg3: memref<1x64xf32, #tpu.memory_space<vmem>>, %arg4: memref<1x64xf32, #tpu.memory_space<vmem>>, %arg5: memref<1x128xf32, #tpu.memory_space<vmem>>, %arg6: memref<1x128xf32, #tpu.memory_space<vmem>>, %arg7: memref<1x256xf32, #tpu.memory_space<vmem>>, %arg8: memref<1x256xf32, #tpu.memory_space<vmem>>, %arg9: memref<64x128xf32, #tpu.memory_space<vmem>>, %arg10: memref<1x128xf32, #tpu.memory_space<vmem>>, %arg11: memref<128x128xf32, #tpu.memory_space<vmem>>, %arg12: memref<1x128xf32, #tpu.memory_space<vmem>>, %arg13: memref<128x256xf32, #tpu.memory_space<vmem>>, %arg14: memref<1x256xf32, #tpu.memory_space<vmem>>, %arg15: memref<256x128xf32, #tpu.memory_space<vmem>>, %arg16: memref<1x128xf32, #tpu.memory_space<vmem>>, %arg17: memref<128x1xf32, #tpu.memory_space<vmem>>, %arg18: memref<1x1xf32, #tpu.memory_space<vmem>>, %arg19: memref<1x1xf32, #tpu.memory_space<vmem>>) attributes {dimension_semantics = [], scalar_prefetch = 0 : i64, scratch_operands = 0 : i64, tpu.core_type = #tpu.core_type<tc>} {
    %get3A = arith.constant 0 : index
    %get3A_0 = arith.constant 0 : index
    %get3A_1 = arith.constant 0 : index
    %get3A_2 = vector.load %arg1[%get3A, %get3A_0, %get3A_1] : memref<2x10240x64xf32, #tpu.memory_space<vmem>>, vector<1x10000x64xf32>
    %get3A_3 = vector.shape_cast %get3A_2 : vector<1x10000x64xf32> to vector<10000x64xf32>
    %get3A_4 = arith.constant 1 : index
    %get3A_5 = arith.constant 0 : index
    %get3A_6 = arith.constant 0 : index
    %get3A_7 = vector.load %arg1[%get3A_4, %get3A_5, %get3A_6] : memref<2x10240x64xf32, #tpu.memory_space<vmem>>, vector<1x10000x64xf32>
    %get3A_8 = vector.shape_cast %get3A_7 : vector<1x10000x64xf32> to vector<10000x64xf32>
    %add3A = arith.addf %get3A_3, %get3A_8 : vector<10000x64xf32>
    %get3A_9 = arith.constant 0 : index
    %get3A_10 = arith.constant 0 : index
    %get3A_11 = vector.load %arg0[%get3A_9, %get3A_10] : memref<10240x64xf32, #tpu.memory_space<vmem>>, vector<10000x64xf32>
    %get3A_12 = arith.constant 0 : index
    %get3A_13 = arith.constant 0 : index
    %get3A_14 = vector.load %arg2[%get3A_12, %get3A_13] : memref<64x64xf32, #tpu.memory_space<vmem>>, vector<64x64xf32>
    %dot_general3A = arith.constant dense<0.000000e+00> : vector<10000x64xf32>
    %dot_general3A_15 = tpu.matmul %add3A, %get3A_14, %dot_general3A {dimension_numbers = #tpu.dot_dimension_numbers<[1], [0], [0], [1], [0, 0, 1, 1], [], []>, transpose_lhs_hint = false} : vector<10000x64xf32>, vector<64x64xf32>, vector<10000x64xf32> -> vector<10000x64xf32>
    %add3A_16 = arith.addf %get3A_11, %dot_general3A_15 : vector<10000x64xf32>
    %max3A = arith.constant 0.000000e+00 : f32
    %max3A_17 = vector.broadcast %max3A : f32 to vector<10000x64xf32>
    %max3A_18 = arith.maximumf %add3A_16, %max3A_17 : vector<10000x64xf32>
    %reduce_sum3A = arith.constant dense<0.000000e+00> : vector<64xf32>
    %reduce_sum3A_19 = vector.multi_reduction <add>, %max3A_18, %reduce_sum3A [0] : vector<10000x64xf32> to vector<64xf32>
    %broadcast_in_dim3A = vector.shape_cast %reduce_sum3A_19 : vector<64xf32> to vector<1x64xf32>
    %div3A = arith.constant 1.000000e+04 : f32
    %div3A_20 = vector.broadcast %div3A : f32 to vector<1x64xf32>
    %div3A_21 = arith.divf %broadcast_in_dim3A, %div3A_20 : vector<1x64xf32>
    %get3A_22 = arith.constant 0 : index
    %get3A_23 = arith.constant 0 : index
    %get3A_24 = vector.load %arg3[%get3A_22, %get3A_23] : memref<1x64xf32, #tpu.memory_space<vmem>>, vector<1x64xf32>
    %get3A_25 = arith.constant 0 : index
    %get3A_26 = arith.constant 0 : index
    %get3A_27 = vector.load %arg4[%get3A_25, %get3A_26] : memref<1x64xf32, #tpu.memory_space<vmem>>, vector<1x64xf32>
    %reduce_sum3A_28 = arith.constant dense<0.000000e+00> : vector<1xf32>
    %reduce_sum3A_29 = vector.multi_reduction <add>, %div3A_21, %reduce_sum3A_28 [1] : vector<1x64xf32> to vector<1xf32>
    %broadcast_in_dim3A_30 = vector.shape_cast %reduce_sum3A_29 : vector<1xf32> to vector<1x1xf32>
    %div3A_31 = arith.constant 6.400000e+01 : f32
    %div3A_32 = vector.broadcast %div3A_31 : f32 to vector<1x1xf32>
    %div3A_33 = arith.divf %broadcast_in_dim3A_30, %div3A_32 : vector<1x1xf32>
    %sub3A = vector.broadcast %div3A_33 : vector<1x1xf32> to vector<1x64xf32>
    %sub3A_34 = arith.subf %div3A_21, %sub3A : vector<1x64xf32>
    %mul3A = arith.mulf %sub3A_34, %sub3A_34 : vector<1x64xf32>
    %reduce_sum3A_35 = arith.constant dense<0.000000e+00> : vector<1xf32>
    %reduce_sum3A_36 = vector.multi_reduction <add>, %mul3A, %reduce_sum3A_35 [1] : vector<1x64xf32> to vector<1xf32>
    %broadcast_in_dim3A_37 = vector.shape_cast %reduce_sum3A_36 : vector<1xf32> to vector<1x1xf32>
    %div3A_38 = arith.constant 6.400000e+01 : f32
    %div3A_39 = vector.broadcast %div3A_38 : f32 to vector<1x1xf32>
    %div3A_40 = arith.divf %broadcast_in_dim3A_37, %div3A_39 : vector<1x1xf32>
    %add3A_41 = arith.constant 9.99999974E-6 : f32
    %add3A_42 = vector.broadcast %add3A_41 : f32 to vector<1x1xf32>
    %add3A_43 = arith.addf %div3A_40, %add3A_42 : vector<1x1xf32>
    %rsqrt3A = math.rsqrt %add3A_43 : vector<1x1xf32>
    %mul3A_44 = vector.broadcast %rsqrt3A : vector<1x1xf32> to vector<1x64xf32>
    %mul3A_45 = arith.mulf %sub3A_34, %mul3A_44 : vector<1x64xf32>
    %mul3A_46 = arith.mulf %mul3A_45, %get3A_24 : vector<1x64xf32>
    %add3A_47 = arith.addf %mul3A_46, %get3A_27 : vector<1x64xf32>
    %get3A_48 = arith.constant 0 : index
    %get3A_49 = arith.constant 0 : index
    %get3A_50 = vector.load %arg9[%get3A_48, %get3A_49] : memref<64x128xf32, #tpu.memory_space<vmem>>, vector<64x128xf32>
    %dot_general3A_51 = arith.constant dense<0.000000e+00> : vector<1x128xf32>
    %dot_general3A_52 = tpu.matmul %add3A_47, %get3A_50, %dot_general3A_51 {dimension_numbers = #tpu.dot_dimension_numbers<[1], [0], [0], [1], [0, 0, 1, 1], [], []>, transpose_lhs_hint = false} : vector<1x64xf32>, vector<64x128xf32>, vector<1x128xf32> -> vector<1x128xf32>
    %get3A_53 = arith.constant 0 : index
    %get3A_54 = arith.constant 0 : index
    %get3A_55 = vector.load %arg10[%get3A_53, %get3A_54] : memref<1x128xf32, #tpu.memory_space<vmem>>, vector<1x128xf32>
    %add3A_56 = arith.addf %dot_general3A_52, %get3A_55 : vector<1x128xf32>
    %max3A_57 = arith.constant 0.000000e+00 : f32
    %max3A_58 = vector.broadcast %max3A_57 : f32 to vector<1x128xf32>
    %max3A_59 = arith.maximumf %add3A_56, %max3A_58 : vector<1x128xf32>
    %get3A_60 = arith.constant 0 : index
    %get3A_61 = arith.constant 0 : index
    %get3A_62 = vector.load %arg5[%get3A_60, %get3A_61] : memref<1x128xf32, #tpu.memory_space<vmem>>, vector<1x128xf32>
    %get3A_63 = arith.constant 0 : index
    %get3A_64 = arith.constant 0 : index
    %get3A_65 = vector.load %arg6[%get3A_63, %get3A_64] : memref<1x128xf32, #tpu.memory_space<vmem>>, vector<1x128xf32>
    %reduce_sum3A_66 = arith.constant dense<0.000000e+00> : vector<1xf32>
    %reduce_sum3A_67 = vector.multi_reduction <add>, %max3A_59, %reduce_sum3A_66 [1] : vector<1x128xf32> to vector<1xf32>
    %broadcast_in_dim3A_68 = vector.shape_cast %reduce_sum3A_67 : vector<1xf32> to vector<1x1xf32>
    %div3A_69 = arith.constant 1.280000e+02 : f32
    %div3A_70 = vector.broadcast %div3A_69 : f32 to vector<1x1xf32>
    %div3A_71 = arith.divf %broadcast_in_dim3A_68, %div3A_70 : vector<1x1xf32>
    %sub3A_72 = vector.broadcast %div3A_71 : vector<1x1xf32> to vector<1x128xf32>
    %sub3A_73 = arith.subf %max3A_59, %sub3A_72 : vector<1x128xf32>
    %mul3A_74 = arith.mulf %sub3A_73, %sub3A_73 : vector<1x128xf32>
    %reduce_sum3A_75 = arith.constant dense<0.000000e+00> : vector<1xf32>
    %reduce_sum3A_76 = vector.multi_reduction <add>, %mul3A_74, %reduce_sum3A_75 [1] : vector<1x128xf32> to vector<1xf32>
    %broadcast_in_dim3A_77 = vector.shape_cast %reduce_sum3A_76 : vector<1xf32> to vector<1x1xf32>
    %div3A_78 = arith.constant 1.280000e+02 : f32
    %div3A_79 = vector.broadcast %div3A_78 : f32 to vector<1x1xf32>
    %div3A_80 = arith.divf %broadcast_in_dim3A_77, %div3A_79 : vector<1x1xf32>
    %add3A_81 = arith.constant 9.99999974E-6 : f32
    %add3A_82 = vector.broadcast %add3A_81 : f32 to vector<1x1xf32>
    %add3A_83 = arith.addf %div3A_80, %add3A_82 : vector<1x1xf32>
    %rsqrt3A_84 = math.rsqrt %add3A_83 : vector<1x1xf32>
    %mul3A_85 = vector.broadcast %rsqrt3A_84 : vector<1x1xf32> to vector<1x128xf32>
    %mul3A_86 = arith.mulf %sub3A_73, %mul3A_85 : vector<1x128xf32>
    %mul3A_87 = arith.mulf %mul3A_86, %get3A_62 : vector<1x128xf32>
    %add3A_88 = arith.addf %mul3A_87, %get3A_65 : vector<1x128xf32>
    %get3A_89 = arith.constant 0 : index
    %get3A_90 = arith.constant 0 : index
    %get3A_91 = vector.load %arg11[%get3A_89, %get3A_90] : memref<128x128xf32, #tpu.memory_space<vmem>>, vector<128x128xf32>
    %dot_general3A_92 = arith.constant dense<0.000000e+00> : vector<1x128xf32>
    %dot_general3A_93 = tpu.matmul %add3A_88, %get3A_91, %dot_general3A_92 {dimension_numbers = #tpu.dot_dimension_numbers<[1], [0], [0], [1], [0, 0, 1, 1], [], []>, transpose_lhs_hint = false} : vector<1x128xf32>, vector<128x128xf32>, vector<1x128xf32> -> vector<1x128xf32>
    %get3A_94 = arith.constant 0 : index
    %get3A_95 = arith.constant 0 : index
    %get3A_96 = vector.load %arg12[%get3A_94, %get3A_95] : memref<1x128xf32, #tpu.memory_space<vmem>>, vector<1x128xf32>
    %add3A_97 = arith.addf %dot_general3A_93, %get3A_96 : vector<1x128xf32>
    %max3A_98 = arith.constant 0.000000e+00 : f32
    %max3A_99 = vector.broadcast %max3A_98 : f32 to vector<1x128xf32>
    %max3A_100 = arith.maximumf %add3A_97, %max3A_99 : vector<1x128xf32>
    %get3A_101 = arith.constant 0 : index
    %get3A_102 = arith.constant 0 : index
    %get3A_103 = vector.load %arg13[%get3A_101, %get3A_102] : memref<128x256xf32, #tpu.memory_space<vmem>>, vector<128x256xf32>
    %dot_general3A_104 = arith.constant dense<0.000000e+00> : vector<1x256xf32>
    %dot_general3A_105 = tpu.matmul %max3A_100, %get3A_103, %dot_general3A_104 {dimension_numbers = #tpu.dot_dimension_numbers<[1], [0], [0], [1], [0, 0, 1, 1], [], []>, transpose_lhs_hint = false} : vector<1x128xf32>, vector<128x256xf32>, vector<1x256xf32> -> vector<1x256xf32>
    %get3A_106 = arith.constant 0 : index
    %get3A_107 = arith.constant 0 : index
    %get3A_108 = vector.load %arg14[%get3A_106, %get3A_107] : memref<1x256xf32, #tpu.memory_space<vmem>>, vector<1x256xf32>
    %add3A_109 = arith.addf %dot_general3A_105, %get3A_108 : vector<1x256xf32>
    %get3A_110 = arith.constant 0 : index
    %get3A_111 = arith.constant 0 : index
    %get3A_112 = vector.load %arg7[%get3A_110, %get3A_111] : memref<1x256xf32, #tpu.memory_space<vmem>>, vector<1x256xf32>
    %get3A_113 = arith.constant 0 : index
    %get3A_114 = arith.constant 0 : index
    %get3A_115 = vector.load %arg8[%get3A_113, %get3A_114] : memref<1x256xf32, #tpu.memory_space<vmem>>, vector<1x256xf32>
    %reduce_sum3A_116 = arith.constant dense<0.000000e+00> : vector<1xf32>
    %reduce_sum3A_117 = vector.multi_reduction <add>, %add3A_109, %reduce_sum3A_116 [1] : vector<1x256xf32> to vector<1xf32>
    %broadcast_in_dim3A_118 = vector.shape_cast %reduce_sum3A_117 : vector<1xf32> to vector<1x1xf32>
    %div3A_119 = arith.constant 2.560000e+02 : f32
    %div3A_120 = vector.broadcast %div3A_119 : f32 to vector<1x1xf32>
    %div3A_121 = arith.divf %broadcast_in_dim3A_118, %div3A_120 : vector<1x1xf32>
    %sub3A_122 = vector.broadcast %div3A_121 : vector<1x1xf32> to vector<1x256xf32>
    %sub3A_123 = arith.subf %add3A_109, %sub3A_122 : vector<1x256xf32>
    %mul3A_124 = arith.mulf %sub3A_123, %sub3A_123 : vector<1x256xf32>
    %reduce_sum3A_125 = arith.constant dense<0.000000e+00> : vector<1xf32>
    %reduce_sum3A_126 = vector.multi_reduction <add>, %mul3A_124, %reduce_sum3A_125 [1] : vector<1x256xf32> to vector<1xf32>
    %broadcast_in_dim3A_127 = vector.shape_cast %reduce_sum3A_126 : vector<1xf32> to vector<1x1xf32>
    %div3A_128 = arith.constant 2.560000e+02 : f32
    %div3A_129 = vector.broadcast %div3A_128 : f32 to vector<1x1xf32>
    %div3A_130 = arith.divf %broadcast_in_dim3A_127, %div3A_129 : vector<1x1xf32>
    %add3A_131 = arith.constant 9.99999974E-6 : f32
    %add3A_132 = vector.broadcast %add3A_131 : f32 to vector<1x1xf32>
    %add3A_133 = arith.addf %div3A_130, %add3A_132 : vector<1x1xf32>
    %rsqrt3A_134 = math.rsqrt %add3A_133 : vector<1x1xf32>
    %mul3A_135 = vector.broadcast %rsqrt3A_134 : vector<1x1xf32> to vector<1x256xf32>
    %mul3A_136 = arith.mulf %sub3A_123, %mul3A_135 : vector<1x256xf32>
    %mul3A_137 = arith.mulf %mul3A_136, %get3A_112 : vector<1x256xf32>
    %add3A_138 = arith.addf %mul3A_137, %get3A_115 : vector<1x256xf32>
    %max3A_139 = arith.constant 0.000000e+00 : f32
    %max3A_140 = vector.broadcast %max3A_139 : f32 to vector<1x256xf32>
    %max3A_141 = arith.maximumf %add3A_138, %max3A_140 : vector<1x256xf32>
    %get3A_142 = arith.constant 0 : index
    %get3A_143 = arith.constant 0 : index
    %get3A_144 = vector.load %arg15[%get3A_142, %get3A_143] : memref<256x128xf32, #tpu.memory_space<vmem>>, vector<256x128xf32>
    %dot_general3A_145 = arith.constant dense<0.000000e+00> : vector<1x128xf32>
    %dot_general3A_146 = tpu.matmul %max3A_141, %get3A_144, %dot_general3A_145 {dimension_numbers = #tpu.dot_dimension_numbers<[1], [0], [0], [1], [0, 0, 1, 1], [], []>, transpose_lhs_hint = false} : vector<1x256xf32>, vector<256x128xf32>, vector<1x128xf32> -> vector<1x128xf32>
    %get3A_147 = arith.constant 0 : index
    %get3A_148 = arith.constant 0 : index
    %get3A_149 = vector.load %arg16[%get3A_147, %get3A_148] : memref<1x128xf32, #tpu.memory_space<vmem>>, vector<1x128xf32>
    %add3A_150 = arith.addf %dot_general3A_146, %get3A_149 : vector<1x128xf32>
    %max3A_151 = arith.constant 0.000000e+00 : f32
    %max3A_152 = vector.broadcast %max3A_151 : f32 to vector<1x128xf32>
    %max3A_153 = arith.maximumf %add3A_150, %max3A_152 : vector<1x128xf32>
    %get3A_154 = arith.constant 0 : index
    %get3A_155 = arith.constant 0 : index
    %get3A_156 = vector.load %arg17[%get3A_154, %get3A_155] : memref<128x1xf32, #tpu.memory_space<vmem>>, vector<128x1xf32>
    %dot_general3A_157 = arith.constant dense<0.000000e+00> : vector<1x1xf32>
    %dot_general3A_158 = tpu.matmul %max3A_153, %get3A_156, %dot_general3A_157 {dimension_numbers = #tpu.dot_dimension_numbers<[1], [0], [0], [1], [0, 0, 1, 1], [], []>, transpose_lhs_hint = false} : vector<1x128xf32>, vector<128x1xf32>, vector<1x1xf32> -> vector<1x1xf32>
    %get3A_159 = arith.constant 0 : index
    %get3A_160 = arith.constant 0 : index
    %get3A_161 = vector.load %arg18[%get3A_159, %get3A_160] : memref<1x1xf32, #tpu.memory_space<vmem>>, vector<1x1xf32>
    %add3A_162 = arith.addf %dot_general3A_158, %get3A_161 : vector<1x1xf32>
    %swap3A = arith.constant 0 : index
    %swap3A_163 = arith.constant 0 : index
    %swap3A_164 = vector.load %arg19[%swap3A, %swap3A_163] : memref<1x1xf32, #tpu.memory_space<vmem>>, vector<1x1xf32>
    tpu.vector_store %arg19[%swap3A, %swap3A_163], %add3A_162 {strides = array<i32>} : memref<1x1xf32, #tpu.memory_space<vmem>>, vector<1x1xf32>,
    return
  }
}

</mosaic_0001>

<sc_bundles>
// kernel: kernel.10.cloned.1.call-start
scs
__scs_entry_jumppad:
0x0: {  	(pc) =	sbr.rel $0x88, $3  }
0x1: {  	(tag) =	ssettag $0x0;
	lr =	simm.s32 $0x1  }
0x2: {  	[smem:$0x3F85] =	sst lr;
	_ =	strace $0xD0000000  }
0x3: {  	_ = 	snop  }
0x4: {  	_ = 	snop  }
0x5: {  	_ = 	snop  }
0x6: {  	_ = 	snop  }
0x7: {  	_ = 	snop  }
__scs_overlays_trampoline_lowered:
0x8: {  	[smem:$0x3F94] =	sst s0  }
0x9: {  	[smem:$0x3F95] =	sst s1  }
0xa: {  	[smem:$0x3F96] =	sst s2  }
0xb: {  	[smem:$0x3F97] =	sst s3  }
0xc: {  	[smem:$0x3F98] =	sst s4  }
0xd: {  	[smem:$0x3F99] =	sst s5  }
0xe: {  	[smem:$0x3F9A] =	sst s6  }
0xf: {  	[smem:$0x3F9B] =	sst s7  }
0x10: {  	[smem:$0x3F9C] =	sst s8  }
0x11: {  	[smem:$0x3F9D] =	sst s9;
	s0 =	simm.s32 @!p0 $0x0  }
0x12: {  	s1 =	sld [smem:$0x3F83];
	s0 =	simm.s32 @p0 $0x1  }
0x13: {  	[smem:$0x3F9E] =	sst s0;
	s0 =	simm.s32 @!p1 $0x0  }
0x14: {  	s2 =	sld [smem:$0x3F82];
	s0 =	simm.s32 @p1 $0x1  }
0x15: {  	[smem:$0x3F9F] =	sst s0;
	s0 =	simm.s32 @!p2 $0x0  }
0x16: {  	s3 =	sld [smem:$0x3FDB];
	s0 =	simm.s32 @p2 $0x1  }
0x17: {  	s4 =	simm.s32 $0x1BF5;
	[smem:$0x3FA1] =	sst s0  }
0x18: {  	s0 =	sld [smem:$0x3F84];
	_ =	swait.ge [sflag:s4], $0x0  }
0x19: {  	s7 =	sld [smem:$0x3F85]  }
0x1a: {  	s8 =	sadd.s32 $0xFFFFE003, lr  }
0x1b: {  	s9 =	sadd.s32 $0xFFFFFEF7, lr;
	s5 =	simm.s32 $0xFFFFFFFF;
	p2 =	slt.u32 s8, $0xFFFFF086  }
0x1c: {  	p1 =	slt.u32 s9, $0xF7A;
	s5 =	simm.s32 @!p2 $0x0  }
0x1d: {  	s5 =	simm.s32 @p1 $0x1;
	p0 =	seq.s32 s7, s2  }
0x1e: {  	s7 =	smul.u32 @!p0 $0xF7A, s2;
	p2 =	seq.s32 @!p0 s5, $0x0  }
0x1f: {  	s9 =	smul.u32 $0xF7A, s1;
	s8 =	simm.s32 @!p0 $0x1BF5;
	p2 =	por !p2, p0  }
0x20: {  	[sflag:s8] =	ssyncset.s32 @!p0 $0xFFFFF086;
	s6 =	sadd.s32 @!p0 s3, s7;
	s7 =	simm.s32 @!p0 $0x108  }
0x21: {  	s3 =	sadd.s32 s3, s9;
	s6 =	sadd.s32 @!p0 $0x88, s6;
	s7 =	simm.s32 @p2 $0x1082  }
0x22: {  	[simem:s7], [sflag:s8] =	dma.local @!p0 [hbm:s6], $0xF7A  }
0x23: {  	s9 =	sor.u32 $0xD0000000, s2;
	s6 =	simm.s32 $0x108;
	_ =	swait.ge @!p0 [sflag:s8], $0x0  }
0x24: {  	s3 =	sadd.s32 $0x88, s3;
	s6 =	simm.s32 @!p1 $0x1082;
	[sflag:s4] =	ssyncset.s32 $0xFFFFF086  }
0x25: {  	[simem:s6], [sflag:s4] =	dma.local [hbm:s3], $0xF7A  }
0x26: {  	[smem:$0x3F85] =	sst s1;
	(tag) =	ssettag s2;
	_ =	strace s9  }
0x27: {  	s1 =	sld [smem:$0x3F95]  }
0x28: {  	s2 =	sld [smem:$0x3F96]  }
0x29: {  	s4 =	sld [smem:$0x3F98]  }
0x2a: {  	p0 =	seq.s32 s5, $0x0;
	s5 =	sld [smem:$0x3F99]  }
0x2b: {  	s6 =	sld [smem:$0x3F9A]  }
0x2c: {  	s7 =	sld [smem:$0x3F9B]  }
0x2d: {  	s3 =	simm.s32 $0x108;
	s8 =	sld [smem:$0x3F9C]  }
0x2e: {  	s3 =	simm.s32 @!p0 $0x1082;
	s9 =	sld [smem:$0x3F9D]  }
0x2f: {  	lr =	sadd.s32 s0, s3;
	s0 =	sld [smem:$0x3F94]  }
0x30: {  	s3 =	sld [smem:$0x3F97]  }
0x31: {  	[smem:$0x3FA0] =	sst s10  }
0x32: {  	s10 =	sld [smem:$0x3F9E];
	_ =	sdelay $0x3  }
0x33: {  	p0 =	seq.s32 s10, $0x1;
	s10 =	sld [smem:$0x3FA0];
	_ =	sdelay $0x3  }
0x34: {  	[smem:$0x3FA0] =	sst s10  }
0x35: {  	s10 =	sld [smem:$0x3F9F];
	_ =	sdelay $0x3  }
0x36: {  	p1 =	seq.s32 s10, $0x1;
	s10 =	sld [smem:$0x3FA0];
	_ =	sdelay $0x3  }
0x37: {  	[smem:$0x3FA0] =	sst s10  }
0x38: {  	s10 =	sld [smem:$0x3FA1]  }
0x39: {  	_ = 	snop;
	(pc) =	sbr.ind lr, $3  }
0x3a: {  	_ = 	snop  }
0x3b: {  	_ = 	snop  }
0x3c: {  	p2 =	seq.s32 s10, $0x1;
	s10 =	sld [smem:$0x3FA0]  }
0x3d: {  	_ =	shalt  }
0x3e: {  	_ =	shalt  }
0x3f: {  	_ =	shalt  }
0x40: {  	_ =	shalt  }
0x41: {  	_ =	shalt  }
0x42: {  	_ =	shalt  }
0x43: {  	_ =	shalt  }
0x44: {  	_ =	shalt  }
0x45: {  	_ =	shalt  }
0x46: {  	_ =	shalt  }
0x47: {  	_ =	shalt  }
0x48: {  	_ =	shalt  }
0x49: {  	_ =	shalt  }
0x4a: {  	_ =	shalt  }
0x4b: {  	_ =	shalt  }
0x4c: {  	_ =	shalt  }
0x4d: {  	_ =	shalt  }
0x4e: {  	_ =	shalt  }
0x4f: {  	_ =	shalt  }
0x50: {  	_ =	shalt  }
0x51: {  	_ =	shalt  }
0x52: {  	_ =	shalt  }
0x53: {  	_ =	shalt  }
0x54: {  	_ =	shalt  }
0x55: {  	_ =	shalt  }
0x56: {  	_ =	shalt  }
0x57: {  	_ =	shalt  }
0x58: {  	_ =	shalt  }
0x59: {  	_ =	shalt  }
0x5a: {  	_ =	shalt  }
0x5b: {  	_ =	shalt  }
0x5c: {  	_ =	shalt  }
0x5d: {  	_ =	shalt  }
0x5e: {  	_ =	shalt  }
0x5f: {  	_ =	shalt  }
0x60: {  	_ =	shalt  }
0x61: {  	_ =	shalt  }
0x62: {  	_ =	shalt  }
0x63: {  	_ =	shalt  }
0x64: {  	_ =	shalt  }
0x65: {  	_ =	shalt  }
0x66: {  	_ =	shalt  }
0x67: {  	_ =	shalt  }
0x68: {  	_ =	shalt  }
0x69: {  	_ =	shalt  }
0x6a: {  	_ =	shalt  }
0x6b: {  	_ =	shalt  }
0x6c: {  	_ =	shalt  }
0x6d: {  	_ =	shalt  }
0x6e: {  	_ =	shalt  }
0x6f: {  	_ =	shalt  }
0x70: {  	_ =	shalt  }
0x71: {  	_ =	shalt  }
0x72: {  	_ =	shalt  }
0x73: {  	_ =	shalt  }
0x74: {  	_ =	shalt  }
0x75: {  	_ =	shalt  }
0x76: {  	_ =	shalt  }
0x77: {  	_ =	shalt  }
0x78: {  	_ =	shalt  }
0x79: {  	_ =	shalt  }
0x7a: {  	_ =	shalt  }
0x7b: {  	_ =	shalt  }
0x7c: {  	_ =	shalt  }
0x7d: {  	_ =	shalt  }
0x7e: {  	_ =	shalt  }
0x7f: {  	_ =	shalt  }
0x80: {  	_ =	shalt  }
0x81: {  	_ =	shalt  }
0x82: {  	_ =	shalt  }
0x83: {  	_ =	shalt  }
0x84: {  	_ =	shalt  }
0x85: {  	_ =	shalt  }
0x86: {  	_ =	shalt  }
0x87: {  	_ =	shalt  }
.Lfunc_end0:
.L_simem_size_0:
called_computation_lowered:
.L_overlay_start_0:
0x88: {  	s2 =	sld [smem:$0x3FD9]  }
0x89: {  	s3 =	sld [smem:$0x3FFE];
	_ =	sdelay $0x1  }
0x8a: {  	s1 =	srdreg.scid  }
0x8b: {  	s0 =	sand.u32 $0x1, s1  }
0x8c: {  	s16 =	sshll.u32 s0, $0xA;
	s2 =	sadd.s32 s3, s2  }
0x8d: {  	s2 =	sadd.s32 s2, s16  }
0x8e: {  	[smem:$0x3FAC] =	sst s2  }
0x8f: {  	_ = 	snop  }
0x90: {  	(tm) =	ssettm $0x1  }
0x91: {  	s17 =	sld [smem:$0x3FFB];
	_ =	sdelay $0x3  }
0x92: {  	_ =	strace s17  }
0x93: {  	s2 =	sld [smem:$0x3FFC];
	_ =	sdelay $0x3  }
0x94: {  	_ =	strace s2  }
0x95: {  	s2 =	sld [smem:$0x3FFD];
	_ =	sdelay $0x3  }
0x96: {  	_ =	strace s2  }
0x97: {  	_ =	strace $0x8FFFFFFF  }
0x98: {  	s18 =	sld [smem:$0x3FDB];
	_ =	sdelay $0x1  }
0x99: {  	s19 =	simm.s32 $_scs_section_size  }
0x9a: {  	s4 =	simm.s32 $_size__tile_overlayer_lowered;
	s5 =	simm.s32 $_tile_overlayer_lowered  }
0x9b: {  	s22 =	simm.s32 $0x1BFF;
	s21 =	sshll.u32 s5, $0x1;
	s2 =	sadd.s32 s19, s18  }
0x9c: {  	s6 =	simm.s32 $0x0;
	s20 =	sshll.u32 s4, $0x1;
	s4 =	sadd.s32 s21, s2  }
0x9d: {  	[timem:s6], [sflag:s22] =	dma.local [hbm:s4], s20  }
0x9e: {  	_ =	swait.ge [sflag:s22], s20  }
0x9f: {  	s3 =	ssub.s32 $0x0, s20;
	[sflag:s22] =	ssyncset.done $0x0  }
0xa0: {  	[sflag:s22] =	ssyncadd.s32 s3;
	_ =	sdelay $0x1  }
0xa1: {  	s23 =	simm.s32 $0x1B8B  }
0xa2: {  	_ =	swait.ge [sflag:s23], $0x1  }
0xa3: {  	[sflag:s23] =	ssyncset.done $0x0  }
0xa4: {  	s25 =	simm.s32 $0x1B8E;
	s24 =	sld [smem:$0x3FFE];
	[sflag:s23] =	ssyncadd.s32 $0xFFFFFFFF  }
0xa5: {  	s26 =	simm.s32 $execute0_lowered;
	[smem:$0x3FD2] =	sst s25  }
0xa6: {  	s4 =	sshll.u32 s26, $0x1;
	_ =	strace $0x80000046;
	[dreg:$0x1] =	wrdreg $0xFFFFFFFF  }
0xa7: {  	s28 =	simm.s32 $_size_execute0_lowered;
	s2 =	sadd.s32 s2, s4;
	[dreg:$0x0] =	wrdreg $0x0  }
0xa8: {  	s4 =	sshll.u32 s28, $0x1;
	[dreg:$0x2] =	wrdreg s2  }
0xa9: {  	[dreg:$0x3] =	wrdreg s4  }
0xaa: {  	[dreg:$0x4] =	wrdreg $0xC0  }
0xab: {  	_ =	task [dreg:s6], $0x5FFFF  }
0xac: {  	[dreg:$0x1] =	wrdreg $0xFFFFFFFF  }
0xad: {  	[dreg:$0x0] =	wrdreg $0x60  }
0xae: {  	[dreg:$0x2] =	wrdreg s24  }
0xaf: {  	[dreg:$0x3] =	wrdreg $0xA8800  }
0xb0: {  	[dreg:$0x4] =	wrdreg $0x148800  }
0xb1: {  	[dreg:$0x5] =	wrdreg $0x9  }
0xb2: {  	_ =	task.clear_ibuf [dreg:s6], $0x6FFFF;
	_ =	strace $0x90000046  }
0xb3: {  	s29 =	simm.s32 $0x9;
	_ =	strace $0x80000048  }
0xb4: {  	_ =	swait.ge [sflag:s29], $0x1  }
0xb5: {  	[sflag:s29] =	ssyncadd.s32 $0xFFFFFFFF  }
0xb6: {  	_ =	strace $0x90000048  }
0xb7: {  	_ =	sfence  }
0xb8: {  	s30 =	sld [smem:$0x0];
	_ =	sdelay $0x2  }
0xb9: {  	s31 =	sshll.u32 s1, $0xD;
	s1 =	sshrl.u32 s1, $0x2  }
0xba: {  	s3 =	sand.u32 $0x4000, s31;
	s1 =	sadd.s32 s1, s30  }
0xbb: {  	s0 =	sor.u32 s3, s0;
	s1 =	sshll.u32 s1, $0x11  }
0xbc: {  	s0 =	sor.u32 s1, s0  }
0xbd: {  	s0 =	sadd.s32 $0x8F2B, s0  }
0xbe: {  	[sflag:s0] =	ssyncadd.remote.s32 $0x1  }
0xbf: {  	_ =	sfence.sel $0xFFFF  }
0xc0: {  	[dreg:$0x0] =	wrdreg $0xFFFFFFFF;
	(pc) =	sbr.abs _section_cstart, $3  }
0xc1: {  	[dreg:$0x1] =	wrdreg $0xFFFFFFFF  }
0xc2: {  	_ =	task.clear_ibuf [dreg:s6], $0x2FFFF;
	_ =	strace $0x9FFFFFFF  }
0xc3: {  	(tm) =	ssettm $0x7FFFFFFF  }
tec
execute0_lowered:
.L_overlay_start_1:
0x0: {  	(tag) =	ssettag $0x1  }
0x1: {  	s0 =	srdreg.scid;
	s1 =	rddreg [dreg:$0x0]  }
0x2: {  	s10 =	stileid.u32;
	s2 =	rddreg [dreg:$0x1];
	s4 =	simm.s32 $0x0  }
0x3: {  	s28 =	simm.s32 $0x2780;
	s29 =	simm.s32 $0x80;
	s31 =	simm.s32 $0x2800  }
0x4: {  	s30 =	simm.s32 $0x1;
	s0 =	sand.u32 $0x1, s0;
	s13 =	smul.u32 $0xA000, s10  }
0x5: {  	[smem:$0x7FF] =	sst s4;
	s5 =	sadd.s32 $0x4AA00, s1;
	s6 =	sadd.s32 $0x5000, s1  }
0x6: {  	s3 =	sshll.u32 s0, $0x4;
	s7 =	smul.u32 $0xA0000, s0;
	s0 =	ssub.s32 $0x2, s0  }
0x7: {  	s11 =	sor.u32 s10, s3;
	s3 =	rddreg [dreg:$0x2];
	s10 =	smul.u32 $0x28000, s10  }
0x8: {  	_ =	strace $0x80000047;
	s19 =	sshrl.u32 s0, $0x1;
	s12 =	smul.u32 $0x4F0, s11  }
0x9: {  	s23 =	sshrl.u32 s13, $0x3;
	s8 =	sadd.s32 s13, s7;
	s7 =	smul.u32 $0x4F, s11  }
0xa: {  	s0 =	ssub.s32 s0, s19;
	s11 =	smul.u32 $0x13C00, s11;
	s9 =	sshrl.u32 s8, $0x3  }
0xb: {  	s8 =	sadd.s32 $0x5EA00, s1;
	s15 =	sshrl.u32 s10, $0x2;
	s10 =	sadd.s32 s13, s2  }
0xc: {  	s13 =	sadd.s32 s13, s3;
	s14 =	sadd.s32 s12, s1;
	s1 =	sadd.s32 s9, s1  }
0xd: {  	s20 =	ssub.s32 $0x9C4, s7;
	s15 =	sadd.s32 s15, s2;
	s11 =	sadd.s32 s8, s11  }
0xe: {  	s24 =	sadd.s32 $0x1, s7;
	s12 =	sadd.s32 s6, s12;
	[dreg:$0xa] =	wrdreg s11  }
0xf: {  	s9 =	smin.u32 s20, $0x4F;
	s16 =	sadd.s32 $0x2000, s15;
	[dreg:$0xb] =	wrdreg s12  }
0x10: {  	s21 =	sadd.s32 $0x4000, s15;
	s22 =	sadd.s32 $0x6000, s15;
	[dreg:$0x4] =	wrdreg s16  }
0x11: {  	s15 =	sadd.s32 $0x8000, s15;
	s14 =	sadd.s32 $0x18C00, s14;
	[dreg:$0x5] =	wrdreg s21  }
0x12: {  	s25 =	sshll.u32 s24, $0xA;
	s26 =	sshll.u32 s24, $0x4;
	[dreg:$0x6] =	wrdreg s22  }
0x13: {  	s1 =	sadd.s32 $0x2CFA00, s1;
	s24 =	simm.s32 $0x7;
	[dreg:$0x7] =	wrdreg s15  }
0x14: {  	s12 =	simm.s32 $0x2;
	s15 =	sadd.s32 s5, s23;
	[dreg:$0x9] =	wrdreg s14  }
.Ltmp0:
0x15: {  	s11 =	sadd.s32 s8, s25;
	[dreg:$0xe] =	wrdreg s1;
	(pc) =	sbr.rel .LBB2_1-.Ltmp0, $4  }
0x16: {  	s22 =	smax.u32 s0, $0x1;
	s23 =	simm.s32 $0x2880;
	s25 =	sshrl.u32 s13, $0x3  }
0x17: {  	s1 =	simm.s32 $0x4880;
	s0 =	simm.s32 $0x5;
	[dreg:$0x8] =	wrdreg s15  }
0x18: {  	s13 =	simm.s32 $0x6;
	[dreg:$0xc] =	wrdreg s11;
	s11 =	sadd.s32 s6, s26  }
0x19: {  	v0 =	vimm.f32 $0.0e+00;
	s26 =	simm.s32 $0x3;
	[dreg:$0xd] =	wrdreg s11;
	s11 =	simm.s32 $0x4  }
.LBB2_13:
0x1a: {  	s4 =	sadd.s32 $0x1, s4  }
0x1b: {  	[bflag:$0x0] =	sbarrier.arrive $0xFFFF;
	p0 =	sne.s32 s4, s22  }
.Ltmp1:
0x1c: {  	s15 =	sshrl.u32 s10, $0x3;
	s16 =	rddreg [dreg:$0xe];
	(pc) =	sbr.rel @!p0 .LBB2_14-.Ltmp1, $4  }
0x1d: {  	[hbm:s16], [sflag:s14] =	dma.local [spmem:s15], $0x1400  }
0x1e: {  	_ =	swait.ge [sflag:s24], $0x1400  }
0x1f: {  	[sflag:s24] =	ssyncset.done $0x0  }
0x20: {  	[sflag:s24] =	ssyncadd.s32 $0xFFFFEC00  }
.LBB2_1:
0x21: {  	s14 =	simm.s32 $0x2900  }
0x22: {  	[tilespmem:s14+$0xFFFFFF80] =	vst v0  }
0x23: {  	[tilespmem:s14+$0x70] =	vst v0  }
0x24: {  	[tilespmem:s14+$0x60] =	vst v0  }
0x25: {  	[tilespmem:s14+$0x50] =	vst v0  }
0x26: {  	[tilespmem:s14+$0x40] =	vst v0  }
0x27: {  	[tilespmem:s14+$0x30] =	vst v0  }
0x28: {  	[tilespmem:s14+$0x20] =	vst v0  }
0x29: {  	[tilespmem:s14+$0x10] =	vst v0  }
0x2a: {  	[tilespmem:s14+$0x0] =	vst v0  }
0x2b: {  	[tilespmem:s14+$0xFFFFFFF0] =	vst v0  }
0x2c: {  	[tilespmem:s14+$0xFFFFFFE0] =	vst v0  }
0x2d: {  	[tilespmem:s14+$0xFFFFFFD0] =	vst v0  }
0x2e: {  	[tilespmem:s14+$0xFFFFFFC0] =	vst v0  }
0x2f: {  	[tilespmem:s14+$0xFFFFFFB0] =	vst v0  }
0x30: {  	s15 =	simm.s32 $0x0;
	[tilespmem:s14+$0xFFFFFFA0] =	vst v0  }
.LBB2_2:
0x31: {  	s15 =	sadd.s32 $0x4, s15;
	[tilespmem:s14+$0xFFFFFF90] =	vst v0;
	s14 =	sadd.s32 $0x100, s14  }
0x32: {  	[tilespmem:s14+$0xFFFFFF80] =	vst v0;
	p0 =	slt.u32 s15, $0x7C  }
0x33: {  	[tilespmem:s14+$0x70] =	vst v0  }
0x34: {  	[tilespmem:s14+$0x60] =	vst v0  }
0x35: {  	[tilespmem:s14+$0x50] =	vst v0  }
0x36: {  	[tilespmem:s14+$0x40] =	vst v0  }
0x37: {  	[tilespmem:s14+$0x30] =	vst v0  }
0x38: {  	[tilespmem:s14+$0x20] =	vst v0  }
0x39: {  	[tilespmem:s14+$0x10] =	vst v0  }
0x3a: {  	[tilespmem:s14+$0x0] =	vst v0  }
0x3b: {  	[tilespmem:s14+$0xFFFFFFF0] =	vst v0  }
.Ltmp2:
0x3c: {  	[tilespmem:s14+$0xFFFFFFE0] =	vst v0;
	(pc) =	sbr.rel @p0 .LBB2_2-.Ltmp2, $4  }
0x3d: {  	[tilespmem:s14+$0xFFFFFFD0] =	vst v0  }
0x3e: {  	[tilespmem:s14+$0xFFFFFFC0] =	vst v0  }
0x3f: {  	[tilespmem:s14+$0xFFFFFFB0] =	vst v0  }
0x40: {  	[tilespmem:s14+$0xFFFFFFA0] =	vst v0  }
0x41: {  	[tilespmem:s14+$0xFFFFFF90] =	vst v0  }
0x42: {  	[spmem:s10] =	stream.linear.scatter [tilespmem:s23], [sflag:$0x7], $0x2000, $0x38;
	[tilespmem:$0x1E880] =	vst v63  }
0x43: {  	_ =	swait.ge [sflag:s24], $0x2000  }
0x44: {  	[sflag:s24] =	ssyncset.done $0x0  }
0x45: {  	s16 =	rddreg [dreg:$0x4];
	[sflag:s24] =	ssyncadd.s32 $0xFFFFE000  }
0x46: {  	[spmem:s16] =	stream.linear.scatter [tilespmem:s23], [sflag:$0x7], $0x2000, $0x38;
	[tilespmem:$0x1E880] =	vst v63  }
0x47: {  	_ =	swait.ge [sflag:s24], $0x2000  }
0x48: {  	[sflag:s24] =	ssyncset.done $0x0  }
0x49: {  	s17 =	rddreg [dreg:$0x5];
	[sflag:s24] =	ssyncadd.s32 $0xFFFFE000  }
0x4a: {  	[spmem:s17] =	stream.linear.scatter [tilespmem:s23], [sflag:$0x7], $0x2000, $0x38;
	[tilespmem:$0x1E880] =	vst v63  }
0x4b: {  	_ =	swait.ge [sflag:s24], $0x2000  }
0x4c: {  	[sflag:s24] =	ssyncset.done $0x0  }
0x4d: {  	s18 =	rddreg [dreg:$0x6];
	[sflag:s24] =	ssyncadd.s32 $0xFFFFE000  }
0x4e: {  	[spmem:s18] =	stream.linear.scatter [tilespmem:s23], [sflag:$0x7], $0x2000, $0x38;
	[tilespmem:$0x1E880] =	vst v63  }
0x4f: {  	_ =	swait.ge [sflag:s24], $0x2000  }
0x50: {  	[sflag:s24] =	ssyncset.done $0x0  }
0x51: {  	s19 =	rddreg [dreg:$0x7];
	[sflag:s24] =	ssyncadd.s32 $0xFFFFE000  }
0x52: {  	[spmem:s19] =	stream.linear.scatter [tilespmem:s23], [sflag:$0x7], $0x2000, $0x38;
	[tilespmem:$0x1E880] =	vst v63  }
0x53: {  	s20 =	stileid.u32;
	_ =	swait.ge [sflag:s24], $0x2000  }
0x54: {  	s14 =	sshll.u32 s20, $0x6;
	[sflag:s24] =	ssyncset.done $0x0  }
0x55: {  	s14 =	sor.u32 $0x1C07, s14;
	s15 =	rddreg [dreg:$0x8];
	[sflag:s24] =	ssyncadd.s32 $0xFFFFE000  }
0x56: {  	[spmem:s25], [sflag:s14] =	dma.local [hbm:s15], $0x1400  }
0x57: {  	_ =	swait.ge [sflag:s24], $0x1400  }
0x58: {  	[sflag:s24] =	ssyncset.done $0x0  }
0x59: {  	s15 =	simm.s32 $0x0;
	s16 =	rddreg [dreg:$0x9];
	[sflag:s24] =	ssyncadd.s32 $0xFFFFEC00  }
0x5a: {  	[tilespmem:s15], [sflag:$0x7] =	stream.linear.gather [hbm4b:s16+s15], $0x2780, $0x38;
	[tilespmem:$0x1E880] =	vst v63  }
0x5b: {  	_ =	swait.ge [sflag:s24], $0x2780  }
0x5c: {  	[sflag:s24] =	ssyncset.done $0x0  }
0x5d: {  	[sflag:s24] =	ssyncadd.s32 $0xFFFFD880  }
0x5e: {  	[bflag:$0x0] =	sbarrier.arrive $0xFFFF  }
0x5f: {  	s17 =	simm.s32 $0x6880;
	s21 =	rddreg [dreg:$0xa]  }
0x60: {  	[tilespmem:s17], [sflag:$0x3] =	stream.linear.gather [hbm4b:s21+s15], $0x2000, $0x38;
	[tilespmem:$0x1E880] =	vst v63  }
0x61: {  	s18 =	rddreg [dreg:$0xb]  }
0x62: {  	[tilespmem:s28], [sflag:$0x5] =	stream.linear.gather [hbm4b:s18+s15], $0x80, $0x38;
	[tilespmem:$0x1E880] =	vst v63  }
0x63: {  	_ = 	snop  }
0x64: {  	[tilespmem:s23], [sflag:$0x1] =	stream.indirect.gather [spmem:s3], $0x40, s15, s29, $0xb8;
	[tilespmem:$0x1E880] =	vst v63  }
0x65: {  	s20 =	simm.s32 $0x8880;
	s19 =	rddreg [dreg:$0xc]  }
0x66: {  	[tilespmem:s20], [sflag:$0x4] =	stream.linear.gather [hbm4b:s19+s15], $0x2000, $0x38;
	[tilespmem:$0x1E880] =	vst v63  }
.Ltmp3:
0x67: {  	_ = 	snop;
	(pc) =	sbr.rel .LBB2_4-.Ltmp3, $4  }
0x68: {  	s21 =	rddreg [dreg:$0xd]  }
0x69: {  	[tilespmem:s31], [sflag:$0x6] =	stream.linear.gather [hbm4b:s21+s15], $0x80, $0x38;
	[tilespmem:$0x1E880] =	vst v63  }
0x6a: {  	_ = 	snop  }
0x6b: {  	[tilespmem:s1], [sflag:$0x2] =	stream.indirect.gather [hbm4b:s5+s29], $0x40, s29, s29, $0xb8;
	[tilespmem:$0x1E880] =	vst v63  }
.LBB2_12:
0x6c: {  	s16 =	sadd.s32 $0x3, s16  }
0x6d: {  	p0 =	sge.u32 s16, s9  }
0x6e: {  	s17 =	sadd.s32 @!p0 s7, s16  }
0x6f: {  	s15 =	sadd.s32 $0x1, s15;
	s18 =	sshll.u32 @!p0 s17, $0xA  }
0x70: {  	s19 =	simm.s32 @!p0 $0x0;
	s17 =	sshll.u32 @!p0 s17, $0x4;
	s18 =	sand.u32 @!p0 $0x1FFFFC00, s18  }
0x71: {  	s20 =	simm.s32 @!p0 $0x8880;
	s17 =	sand.u32 @!p0 $0x1FFFFFF0, s17;
	s18 =	sadd.s32 @!p0 s8, s18  }
0x72: {  	[tilespmem:s20], [sflag:$0x4] =	stream.linear.gather @!p0 [hbm4b:s18+s19], $0x2000, $0x38;
	[tilespmem:$0x1E880] =	vst v63  }
0x73: {  	s16 =	sshll.u32 @!p0 s16, $0x7;
	s17 =	sadd.s32 @!p0 s6, s17;
	s18 =	simm.s32 @!p0 $0x2800  }
0x74: {  	[tilespmem:s18], [sflag:$0x6] =	stream.linear.gather @!p0 [hbm4b:s17+s19], $0x80, $0x38;
	[tilespmem:$0x1E880] =	vst v63  }
0x75: {  	s16 =	sand.u32 @!p0 $0x3FFFFF80, s16;
	s17 =	simm.s32 @!p0 $0x80;
	s18 =	simm.s32 @!p0 $0x4880  }
0x76: {  	[tilespmem:s18], [sflag:$0x2] =	stream.indirect.gather @!p0 [hbm4b:s5+s17], $0x40, s16, s17, $0xb8;
	[tilespmem:$0x1E880] =	vst v63  }
0x77: {  	p0 =	sne.s32 s15, $0x28  }
.Ltmp4:
0x78: {  	_ = 	snop;
	(pc) =	sbr.rel @!p0 .LBB2_13-.Ltmp4, $1  }
0x79: {  	_ =	sdelay $0x3  }
.LBB2_4:
0x7a: {  	s16 =	sshll.u32 s15, $0x1  }
0x7b: {  	p0 =	sge.u32 s16, s9  }
.Ltmp5:
0x7c: {  	_ = 	snop;
	(pc) =	sbr.rel @p0 .LBB2_8-.Ltmp5, $1  }
0x7d: {  	_ =	sdelay $0x3  }
0x7e: {  	_ =	swait.ge [sflag:s26], $0x2000  }
0x7f: {  	[sflag:s26] =	ssyncset.done $0x0  }
0x80: {  	[sflag:s26] =	ssyncadd.s32 $0xFFFFE000  }
0x81: {  	_ =	swait.ge [sflag:s30], $0x2000  }
0x82: {  	[sflag:s30] =	ssyncset.done $0x0  }
0x83: {  	s17 =	simm.s32 $0x2900;
	[sflag:s30] =	ssyncadd.s32 $0xFFFFE000  }
0x84: {  	s18 =	simm.s32 $0x6900;
	v1 =	vld [tilespmem:s17+$0x40]  }
0x85: {  	v2 =	vld [tilespmem:s18+$0x40]  }
0x86: {  	v3 =	vld [tilespmem:s17+$0xFFFFFFC0]  }
0x87: {  	v4 =	vld [tilespmem:s18+$0xFFFFFFC0]  }
0x88: {  	v5 =	vld [tilespmem:s17+$0x0]  }
0x89: {  	v6 =	vld [tilespmem:s18+$0x0]  }
0x8a: {  	v7 =	vld [tilespmem:s17+$0xFFFFFF80];
	v1 =	vmul.f32 v2, v1  }
0x8b: {  	v2 =	vld [tilespmem:s18+$0xFFFFFF80]  }
0x8c: {  	[tilespmem:s17+$0x40] =	vst v1;
	v1 =	vld [tilespmem:s17+$0x50]  }
0x8d: {  	v3 =	vmul.f32 v4, v3;
	v4 =	vld [tilespmem:s18+$0x50]  }
0x8e: {  	v8 =	vld [tilespmem:s17+$0xFFFFFF90]  }
0x8f: {  	[tilespmem:s17+$0xFFFFFFC0] =	vst v3;
	v3 =	vmul.f32 v6, v5;
	v5 =	vld [tilespmem:s17+$0xFFFFFFD0]  }
0x90: {  	v6 =	vld [tilespmem:s18+$0xFFFFFFD0];
	v2 =	vmul.f32 v2, v7  }
0x91: {  	[tilespmem:s17+$0x0] =	vst v3;
	v3 =	vld [tilespmem:s17+$0x10]  }
0x92: {  	v7 =	vld [tilespmem:s18+$0x10];
	[tilespmem:s17+$0xFFFFFF80] =	vst v2;
	v1 =	vmul.f32 v4, v1  }
0x93: {  	v2 =	vld [tilespmem:s18+$0xFFFFFF90]  }
0x94: {  	[tilespmem:s17+$0x50] =	vst v1;
	v1 =	vld [tilespmem:s17+$0x60]  }
0x95: {  	v4 =	vmul.f32 v6, v5;
	v5 =	vld [tilespmem:s18+$0x60]  }
0x96: {  	v6 =	vld [tilespmem:s17+$0xFFFFFFA0]  }
0x97: {  	[tilespmem:s17+$0xFFFFFFD0] =	vst v4;
	v3 =	vmul.f32 v7, v3;
	v4 =	vld [tilespmem:s17+$0xFFFFFFE0]  }
0x98: {  	v7 =	vld [tilespmem:s18+$0xFFFFFFE0];
	v2 =	vmul.f32 v2, v8  }
0x99: {  	[tilespmem:s17+$0x10] =	vst v3;
	v3 =	vld [tilespmem:s17+$0x20]  }
0x9a: {  	v8 =	vld [tilespmem:s18+$0x20];
	[tilespmem:s17+$0xFFFFFF90] =	vst v2;
	v1 =	vmul.f32 v5, v1  }
0x9b: {  	v5 =	vld [tilespmem:s18+$0xFFFFFFA0]  }
0x9c: {  	v9 =	vld [tilespmem:s17+$0x70];
	[tilespmem:s17+$0x60] =	vst v1  }
0x9d: {  	v2 =	vmul.f32 v7, v4;
	v7 =	vld [tilespmem:s18+$0x70]  }
0x9e: {  	v1 =	vld [tilespmem:s17+$0xFFFFFFB0]  }
0x9f: {  	[tilespmem:s17+$0xFFFFFFE0] =	vst v2;
	v3 =	vmul.f32 v8, v3;
	v2 =	vld [tilespmem:s17+$0xFFFFFFF0]  }
0xa0: {  	v4 =	vld [tilespmem:s18+$0xFFFFFFF0];
	v5 =	vmul.f32 v5, v6  }
0xa1: {  	[tilespmem:s17+$0x20] =	vst v3;
	v3 =	vld [tilespmem:s17+$0x30]  }
0xa2: {  	[tilespmem:s17+$0xFFFFFFA0] =	vst v5;
	v5 =	vld [tilespmem:s18+$0x30];
	v7 =	vmul.f32 v7, v9  }
0xa3: {  	s19 =	simm.s32 $0x0;
	s20 =	simm.s32 $0x2A00;
	v6 =	vld [tilespmem:s18+$0xFFFFFFB0]  }
.LBB2_6:
0xa4: {  	v8 =	vld [tilespmem:s20+$0x40];
	[tilespmem:s17+$0x70] =	vst v7;
	s18 =	sadd.s32 $0x100, s18  }
0xa5: {  	s19 =	sadd.s32 $0x4, s19;
	v7 =	vld [tilespmem:s18+$0x40];
	v2 =	vmul.f32 v4, v2  }
0xa6: {  	p0 =	slt.u32 s19, $0x7C;
	v4 =	vld [tilespmem:s18+$0xFFFFFF80]  }
0xa7: {  	v9 =	vld [tilespmem:s20+$0xFFFFFFC0];
	[tilespmem:s17+$0xFFFFFFF0] =	vst v2;
	v2 =	vmul.f32 v5, v3  }
0xa8: {  	v3 =	vld [tilespmem:s18+$0xFFFFFFC0];
	v1 =	vmul.f32 v6, v1  }
0xa9: {  	v5 =	vld [tilespmem:s20+$0x0];
	[tilespmem:s17+$0x30] =	vst v2  }
0xaa: {  	v2 =	vld [tilespmem:s18+$0x0];
	v6 =	vmul.f32 v7, v8;
	[tilespmem:s17+$0xFFFFFFB0] =	vst v1;
	s17 =	smov.u32 s20  }
0xab: {  	v1 =	vld [tilespmem:s20+$0xFFFFFF80]  }
0xac: {  	[tilespmem:s20+$0x40] =	vst v6;
	v6 =	vld [tilespmem:s20+$0x50]  }
0xad: {  	v3 =	vmul.f32 v3, v9;
	v7 =	vld [tilespmem:s18+$0x50]  }
0xae: {  	v8 =	vld [tilespmem:s20+$0xFFFFFF90]  }
0xaf: {  	[tilespmem:s20+$0xFFFFFFC0] =	vst v3;
	v3 =	vld [tilespmem:s20+$0xFFFFFFD0];
	v2 =	vmul.f32 v2, v5  }
0xb0: {  	v1 =	vmul.f32 v4, v1;
	v4 =	vld [tilespmem:s18+$0xFFFFFFD0]  }
0xb1: {  	[tilespmem:s20+$0x0] =	vst v2;
	v2 =	vld [tilespmem:s20+$0x10]  }
0xb2: {  	[tilespmem:s20+$0xFFFFFF80] =	vst v1;
	v1 =	vld [tilespmem:s18+$0x10];
	v5 =	vmul.f32 v7, v6  }
0xb3: {  	v6 =	vld [tilespmem:s18+$0xFFFFFF90]  }
0xb4: {  	[tilespmem:s20+$0x50] =	vst v5;
	v5 =	vld [tilespmem:s20+$0x60]  }
0xb5: {  	v3 =	vmul.f32 v4, v3;
	v4 =	vld [tilespmem:s18+$0x60]  }
0xb6: {  	v7 =	vld [tilespmem:s20+$0xFFFFFFA0]  }
0xb7: {  	[tilespmem:s20+$0xFFFFFFD0] =	vst v3;
	v3 =	vld [tilespmem:s20+$0xFFFFFFE0];
	v1 =	vmul.f32 v1, v2  }
0xb8: {  	v2 =	vmul.f32 v6, v8;
	v6 =	vld [tilespmem:s18+$0xFFFFFFE0]  }
0xb9: {  	[tilespmem:s20+$0x10] =	vst v1;
	v8 =	vld [tilespmem:s20+$0x20]  }
0xba: {  	[tilespmem:s20+$0xFFFFFF90] =	vst v2;
	v9 =	vld [tilespmem:s18+$0x20];
	v1 =	vmul.f32 v4, v5  }
0xbb: {  	v4 =	vld [tilespmem:s18+$0xFFFFFFA0]  }
0xbc: {  	[tilespmem:s20+$0x60] =	vst v1;
	v10 =	vld [tilespmem:s20+$0x70]  }
0xbd: {  	v2 =	vmul.f32 v6, v3;
	v6 =	vld [tilespmem:s18+$0x70]  }
0xbe: {  	v1 =	vld [tilespmem:s20+$0xFFFFFFB0]  }
.Ltmp6:
0xbf: {  	[tilespmem:s20+$0xFFFFFFE0] =	vst v2;
	v2 =	vld [tilespmem:s20+$0xFFFFFFF0];
	v3 =	vmul.f32 v9, v8;
	(pc) =	sbr.rel @p0 .LBB2_6-.Ltmp6, $4  }
0xc0: {  	v5 =	vmul.f32 v4, v7;
	v4 =	vld [tilespmem:s18+$0xFFFFFFF0]  }
0xc1: {  	[tilespmem:s20+$0x20] =	vst v3;
	v3 =	vld [tilespmem:s20+$0x30]  }
0xc2: {  	[tilespmem:s20+$0xFFFFFFA0] =	vst v5;
	v5 =	vld [tilespmem:s18+$0x30];
	v7 =	vmul.f32 v6, v10  }
0xc3: {  	s20 =	sadd.s32 $0x100, s20;
	v6 =	vld [tilespmem:s18+$0xFFFFFFB0]  }
0xc4: {  	_ =	sdelay $0x1  }
0xc5: {  	v2 =	vmul.f32 v4, v2  }
0xc6: {  	[tilespmem:s17+$0x70] =	vst v7;
	v3 =	vmul.f32 v5, v3  }
0xc7: {  	[tilespmem:s17+$0xFFFFFFF0] =	vst v2;
	v1 =	vmul.f32 v6, v1  }
0xc8: {  	[tilespmem:s17+$0x30] =	vst v3  }
0xc9: {  	[tilespmem:s17+$0xFFFFFFB0] =	vst v1  }
0xca: {  	_ =	swait.ge [sflag:s0], $0x80  }
0xcb: {  	[sflag:s0] =	ssyncset.done $0x0  }
0xcc: {  	[sflag:s0] =	ssyncadd.s32 $0xFFFFFF80  }
0xcd: {  	[spmem:s2] =	stream.indirect.scatter.add.f32 [tilespmem:s23], [sflag:$0x7], $0x40, s28, s29, $0xb8;
	[tilespmem:$0x1E880] =	vst v63  }
0xce: {  	_ =	swait.ge [sflag:s24], $0x2000  }
0xcf: {  	[sflag:s24] =	ssyncset.done $0x0  }
0xd0: {  	[sflag:s24] =	ssyncadd.s32 $0xFFFFE000  }
.LBB2_8:
0xd1: {  	s17 =	sadd.s32 $0x2, s16  }
0xd2: {  	p0 =	sge.u32 s17, s9  }
0xd3: {  	s18 =	sadd.s32 @!p0 s7, s17  }
0xd4: {  	s20 =	simm.s32 @!p0 $0x0;
	s19 =	sshll.u32 @!p0 s18, $0xA  }
0xd5: {  	s21 =	simm.s32 @!p0 $0x6880;
	s18 =	sshll.u32 @!p0 s18, $0x4;
	s19 =	sand.u32 @!p0 $0x1FFFFC00, s19  }
0xd6: {  	s17 =	sshll.u32 @!p0 s17, $0x7;
	s18 =	sand.u32 @!p0 $0x1FFFFFF0, s18;
	s19 =	sadd.s32 @!p0 s8, s19  }
0xd7: {  	[tilespmem:s21], [sflag:$0x3] =	stream.linear.gather @!p0 [hbm4b:s19+s20], $0x2000, $0x38;
	[tilespmem:$0x1E880] =	vst v63  }
0xd8: {  	s17 =	sand.u32 @!p0 $0x3FFFFF80, s17;
	s18 =	sadd.s32 @!p0 s6, s18;
	s19 =	simm.s32 @!p0 $0x2780  }
0xd9: {  	[tilespmem:s19], [sflag:$0x5] =	stream.linear.gather @!p0 [hbm4b:s18+s20], $0x80, $0x38;
	[tilespmem:$0x1E880] =	vst v63  }
0xda: {  	s21 =	sor.u32 $0x1, s16;
	s18 =	simm.s32 @!p0 $0x80;
	s19 =	simm.s32 @!p0 $0x2880  }
0xdb: {  	[tilespmem:s19], [sflag:$0x1] =	stream.indirect.gather @!p0 [spmem:s3], $0x40, s17, s18, $0xb8;
	[tilespmem:$0x1E880] =	vst v63  }
0xdc: {  	p0 =	sge.u32 s21, s9  }
.Ltmp7:
0xdd: {  	_ = 	snop;
	(pc) =	sbr.rel @p0 .LBB2_12-.Ltmp7, $1  }
0xde: {  	_ =	sdelay $0x3  }
0xdf: {  	_ =	swait.ge [sflag:s11], $0x2000  }
0xe0: {  	[sflag:s11] =	ssyncset.done $0x0  }
0xe1: {  	[sflag:s11] =	ssyncadd.s32 $0xFFFFE000  }
0xe2: {  	_ =	swait.ge [sflag:s12], $0x2000  }
0xe3: {  	[sflag:s12] =	ssyncset.done $0x0  }
0xe4: {  	s17 =	simm.s32 $0x4900;
	[sflag:s12] =	ssyncadd.s32 $0xFFFFE000  }
0xe5: {  	s18 =	simm.s32 $0x8900;
	v1 =	vld [tilespmem:s17+$0x40]  }
0xe6: {  	v2 =	vld [tilespmem:s18+$0x40]  }
0xe7: {  	v3 =	vld [tilespmem:s17+$0xFFFFFFC0]  }
0xe8: {  	v4 =	vld [tilespmem:s18+$0xFFFFFFC0]  }
0xe9: {  	v5 =	vld [tilespmem:s17+$0x0]  }
0xea: {  	v6 =	vld [tilespmem:s18+$0x0]  }
0xeb: {  	v7 =	vld [tilespmem:s17+$0xFFFFFF80];
	v1 =	vmul.f32 v2, v1  }
0xec: {  	v2 =	vld [tilespmem:s18+$0xFFFFFF80]  }
0xed: {  	[tilespmem:s17+$0x40] =	vst v1;
	v1 =	vld [tilespmem:s17+$0x50]  }
0xee: {  	v3 =	vmul.f32 v4, v3;
	v4 =	vld [tilespmem:s18+$0x50]  }
0xef: {  	v8 =	vld [tilespmem:s17+$0xFFFFFF90]  }
0xf0: {  	[tilespmem:s17+$0xFFFFFFC0] =	vst v3;
	v3 =	vmul.f32 v6, v5;
	v5 =	vld [tilespmem:s17+$0xFFFFFFD0]  }
0xf1: {  	v6 =	vld [tilespmem:s18+$0xFFFFFFD0];
	v2 =	vmul.f32 v2, v7  }
0xf2: {  	[tilespmem:s17+$0x0] =	vst v3;
	v3 =	vld [tilespmem:s17+$0x10]  }
0xf3: {  	v7 =	vld [tilespmem:s18+$0x10];
	[tilespmem:s17+$0xFFFFFF80] =	vst v2;
	v1 =	vmul.f32 v4, v1  }
0xf4: {  	v2 =	vld [tilespmem:s18+$0xFFFFFF90]  }
0xf5: {  	[tilespmem:s17+$0x50] =	vst v1;
	v1 =	vld [tilespmem:s17+$0x60]  }
0xf6: {  	v4 =	vmul.f32 v6, v5;
	v5 =	vld [tilespmem:s18+$0x60]  }
0xf7: {  	v6 =	vld [tilespmem:s17+$0xFFFFFFA0]  }
0xf8: {  	[tilespmem:s17+$0xFFFFFFD0] =	vst v4;
	v3 =	vmul.f32 v7, v3;
	v4 =	vld [tilespmem:s17+$0xFFFFFFE0]  }
0xf9: {  	v7 =	vld [tilespmem:s18+$0xFFFFFFE0];
	v2 =	vmul.f32 v2, v8  }
0xfa: {  	[tilespmem:s17+$0x10] =	vst v3;
	v3 =	vld [tilespmem:s17+$0x20]  }
0xfb: {  	v8 =	vld [tilespmem:s18+$0x20];
	[tilespmem:s17+$0xFFFFFF90] =	vst v2;
	v1 =	vmul.f32 v5, v1  }
0xfc: {  	v5 =	vld [tilespmem:s18+$0xFFFFFFA0]  }
0xfd: {  	v9 =	vld [tilespmem:s17+$0x70];
	[tilespmem:s17+$0x60] =	vst v1  }
0xfe: {  	v2 =	vmul.f32 v7, v4;
	v7 =	vld [tilespmem:s18+$0x70]  }
0xff: {  	v1 =	vld [tilespmem:s17+$0xFFFFFFB0]  }
0x100: {  	[tilespmem:s17+$0xFFFFFFE0] =	vst v2;
	v3 =	vmul.f32 v8, v3;
	v2 =	vld [tilespmem:s17+$0xFFFFFFF0]  }
0x101: {  	v4 =	vld [tilespmem:s18+$0xFFFFFFF0];
	v5 =	vmul.f32 v5, v6  }
0x102: {  	[tilespmem:s17+$0x20] =	vst v3;
	v3 =	vld [tilespmem:s17+$0x30]  }
0x103: {  	[tilespmem:s17+$0xFFFFFFA0] =	vst v5;
	v5 =	vld [tilespmem:s18+$0x30];
	v7 =	vmul.f32 v7, v9  }
0x104: {  	s19 =	simm.s32 $0x0;
	s20 =	simm.s32 $0x4A00;
	v6 =	vld [tilespmem:s18+$0xFFFFFFB0]  }
.LBB2_10:
0x105: {  	v8 =	vld [tilespmem:s20+$0x40];
	[tilespmem:s17+$0x70] =	vst v7;
	s18 =	sadd.s32 $0x100, s18  }
0x106: {  	s19 =	sadd.s32 $0x4, s19;
	v7 =	vld [tilespmem:s18+$0x40];
	v2 =	vmul.f32 v4, v2  }
0x107: {  	p0 =	slt.u32 s19, $0x7C;
	v4 =	vld [tilespmem:s18+$0xFFFFFF80]  }
0x108: {  	v9 =	vld [tilespmem:s20+$0xFFFFFFC0];
	[tilespmem:s17+$0xFFFFFFF0] =	vst v2;
	v2 =	vmul.f32 v5, v3  }
0x109: {  	v3 =	vld [tilespmem:s18+$0xFFFFFFC0];
	v1 =	vmul.f32 v6, v1  }
0x10a: {  	v5 =	vld [tilespmem:s20+$0x0];
	[tilespmem:s17+$0x30] =	vst v2  }
0x10b: {  	v2 =	vld [tilespmem:s18+$0x0];
	v6 =	vmul.f32 v7, v8;
	[tilespmem:s17+$0xFFFFFFB0] =	vst v1;
	s17 =	smov.u32 s20  }
0x10c: {  	v1 =	vld [tilespmem:s20+$0xFFFFFF80]  }
0x10d: {  	[tilespmem:s20+$0x40] =	vst v6;
	v6 =	vld [tilespmem:s20+$0x50]  }
0x10e: {  	v3 =	vmul.f32 v3, v9;
	v7 =	vld [tilespmem:s18+$0x50]  }
0x10f: {  	v8 =	vld [tilespmem:s20+$0xFFFFFF90]  }
0x110: {  	[tilespmem:s20+$0xFFFFFFC0] =	vst v3;
	v3 =	vld [tilespmem:s20+$0xFFFFFFD0];
	v2 =	vmul.f32 v2, v5  }
0x111: {  	v1 =	vmul.f32 v4, v1;
	v4 =	vld [tilespmem:s18+$0xFFFFFFD0]  }
0x112: {  	[tilespmem:s20+$0x0] =	vst v2;
	v2 =	vld [tilespmem:s20+$0x10]  }
0x113: {  	[tilespmem:s20+$0xFFFFFF80] =	vst v1;
	v1 =	vld [tilespmem:s18+$0x10];
	v5 =	vmul.f32 v7, v6  }
0x114: {  	v6 =	vld [tilespmem:s18+$0xFFFFFF90]  }
0x115: {  	[tilespmem:s20+$0x50] =	vst v5;
	v5 =	vld [tilespmem:s20+$0x60]  }
0x116: {  	v3 =	vmul.f32 v4, v3;
	v4 =	vld [tilespmem:s18+$0x60]  }
0x117: {  	v7 =	vld [tilespmem:s20+$0xFFFFFFA0]  }
0x118: {  	[tilespmem:s20+$0xFFFFFFD0] =	vst v3;
	v3 =	vld [tilespmem:s20+$0xFFFFFFE0];
	v1 =	vmul.f32 v1, v2  }
0x119: {  	v2 =	vmul.f32 v6, v8;
	v6 =	vld [tilespmem:s18+$0xFFFFFFE0]  }
0x11a: {  	[tilespmem:s20+$0x10] =	vst v1;
	v8 =	vld [tilespmem:s20+$0x20]  }
0x11b: {  	[tilespmem:s20+$0xFFFFFF90] =	vst v2;
	v9 =	vld [tilespmem:s18+$0x20];
	v1 =	vmul.f32 v4, v5  }
0x11c: {  	v4 =	vld [tilespmem:s18+$0xFFFFFFA0]  }
0x11d: {  	[tilespmem:s20+$0x60] =	vst v1;
	v10 =	vld [tilespmem:s20+$0x70]  }
0x11e: {  	v2 =	vmul.f32 v6, v3;
	v6 =	vld [tilespmem:s18+$0x70]  }
0x11f: {  	v1 =	vld [tilespmem:s20+$0xFFFFFFB0]  }
.Ltmp8:
0x120: {  	[tilespmem:s20+$0xFFFFFFE0] =	vst v2;
	v2 =	vld [tilespmem:s20+$0xFFFFFFF0];
	v3 =	vmul.f32 v9, v8;
	(pc) =	sbr.rel @p0 .LBB2_10-.Ltmp8, $4  }
0x121: {  	v5 =	vmul.f32 v4, v7;
	v4 =	vld [tilespmem:s18+$0xFFFFFFF0]  }
0x122: {  	[tilespmem:s20+$0x20] =	vst v3;
	v3 =	vld [tilespmem:s20+$0x30]  }
0x123: {  	[tilespmem:s20+$0xFFFFFFA0] =	vst v5;
	v5 =	vld [tilespmem:s18+$0x30];
	v7 =	vmul.f32 v6, v10  }
0x124: {  	s20 =	sadd.s32 $0x100, s20;
	v6 =	vld [tilespmem:s18+$0xFFFFFFB0]  }
0x125: {  	_ =	sdelay $0x1  }
0x126: {  	v2 =	vmul.f32 v4, v2  }
0x127: {  	[tilespmem:s17+$0x70] =	vst v7;
	v3 =	vmul.f32 v5, v3  }
0x128: {  	[tilespmem:s17+$0xFFFFFFF0] =	vst v2;
	v1 =	vmul.f32 v6, v1  }
0x129: {  	[tilespmem:s17+$0x30] =	vst v3  }
0x12a: {  	[tilespmem:s17+$0xFFFFFFB0] =	vst v1  }
0x12b: {  	_ =	swait.ge [sflag:s13], $0x80  }
0x12c: {  	[sflag:s13] =	ssyncset.done $0x0  }
.Ltmp9:
0x12d: {  	[sflag:s13] =	ssyncadd.s32 $0xFFFFFF80;
	(pc) =	sbr.rel .LBB2_12-.Ltmp9, $4  }
0x12e: {  	[spmem:s2] =	stream.indirect.scatter.add.f32 [tilespmem:s1], [sflag:$0x7], $0x40, s31, s29, $0xb8;
	[tilespmem:$0x1E880] =	vst v63  }
0x12f: {  	_ =	swait.ge [sflag:s24], $0x2000  }
0x130: {  	[sflag:s24] =	ssyncset.done $0x0  }
0x131: {  	[sflag:s24] =	ssyncadd.s32 $0xFFFFE000  }
.LBB2_14:
0x132: {  	_ =	sfence.sel $0x180000  }
0x133: {  	[bflag:$0x0] =	sbarrier.arrive $0xFFFF  }
0x134: {  	_ =	strace $0x90000047  }
0x135: {  	s0 =	stileid.u32;
	[bflag:$0x2] =	sbarrier.arrive $0xFFFF  }
0x136: {  	p0 =	sne.s32 s0, $0x0;
	s0 =	rddreg [dreg:$0x3]  }
0x137: {  	s0 =	sadd.s32 @!p0 $0x100000, s0  }
0x138: {  	[sflag:s0] =	ssyncadd.tile.s32 @!p0 $0x1;
	_ =	shalt  }
.Lfunc_end2:
_tile_overlayer_lowered:
.L_overlay_start_2:
0x139: {  	(tag) =	ssettag $0x2  }
0x13a: {  	s0 =	rddreg [dreg:$0x0];
	s2 =	stileid.u32  }
0x13b: {  	s1 =	rddreg [dreg:$0x1];
	p0 =	sne.s32 s2, $0x0  }
0x13c: {  	s3 =	rddreg [dreg:$0x2];
	[bflag:$0x3] =	sbarrier.arrive $0xFFFF;
	s2 =	simm.s32 @!p0 $0x1C07  }
0x13d: {  	[timem:s3], [sflag:s2] =	dma.local @!p0 [hbm:s0], s1  }
0x13e: {  	s0 =	simm.s32 @!p0 $0x7  }
0x13f: {  	_ =	swait.ge @!p0 [sflag:s0], s1  }
0x140: {  	s1 =	ssub.s32 @!p0 $0x0, s1;
	[sflag:s0] =	ssyncset.done @!p0 $0x0  }
0x141: {  	[sflag:s0] =	ssyncadd.s32 @!p0 s1  }
0x142: {  	[bflag:$0x3] =	sbarrier.arrive $0xFFFF  }
0x143: {  	_ =	shalt  }

// kernel: kernel.13.cloned.1.call-start
scs
__scs_entry_jumppad:
0x0: {  	(pc) =	sbr.rel $0x88, $3  }
0x1: {  	(tag) =	ssettag $0x0;
	lr =	simm.s32 $0x1  }
0x2: {  	[smem:$0x3F85] =	sst lr;
	_ =	strace $0xD0000000  }
0x3: {  	_ = 	snop  }
0x4: {  	_ = 	snop  }
0x5: {  	_ = 	snop  }
0x6: {  	_ = 	snop  }
0x7: {  	_ = 	snop  }
__scs_overlays_trampoline_lowered:
0x8: {  	[smem:$0x3F94] =	sst s0  }
0x9: {  	[smem:$0x3F95] =	sst s1  }
0xa: {  	[smem:$0x3F96] =	sst s2  }
0xb: {  	[smem:$0x3F97] =	sst s3  }
0xc: {  	[smem:$0x3F98] =	sst s4  }
0xd: {  	[smem:$0x3F99] =	sst s5  }
0xe: {  	[smem:$0x3F9A] =	sst s6  }
0xf: {  	[smem:$0x3F9B] =	sst s7  }
0x10: {  	[smem:$0x3F9C] =	sst s8  }
0x11: {  	[smem:$0x3F9D] =	sst s9;
	s0 =	simm.s32 @!p0 $0x0  }
0x12: {  	s1 =	sld [smem:$0x3F83];
	s0 =	simm.s32 @p0 $0x1  }
0x13: {  	[smem:$0x3F9E] =	sst s0;
	s0 =	simm.s32 @!p1 $0x0  }
0x14: {  	s2 =	sld [smem:$0x3F82];
	s0 =	simm.s32 @p1 $0x1  }
0x15: {  	[smem:$0x3F9F] =	sst s0;
	s0 =	simm.s32 @!p2 $0x0  }
0x16: {  	s3 =	sld [smem:$0x3FDB];
	s0 =	simm.s32 @p2 $0x1  }
0x17: {  	s4 =	simm.s32 $0x1BF5;
	[smem:$0x3FA1] =	sst s0  }
0x18: {  	s0 =	sld [smem:$0x3F84];
	_ =	swait.ge [sflag:s4], $0x0  }
0x19: {  	s7 =	sld [smem:$0x3F85]  }
0x1a: {  	s8 =	sadd.s32 $0xFFFFE003, lr  }
0x1b: {  	s9 =	sadd.s32 $0xFFFFFEF7, lr;
	s5 =	simm.s32 $0xFFFFFFFF;
	p2 =	slt.u32 s8, $0xFFFFF086  }
0x1c: {  	p1 =	slt.u32 s9, $0xF7A;
	s5 =	simm.s32 @!p2 $0x0  }
0x1d: {  	s5 =	simm.s32 @p1 $0x1;
	p0 =	seq.s32 s7, s2  }
0x1e: {  	s7 =	smul.u32 @!p0 $0xF7A, s2;
	p2 =	seq.s32 @!p0 s5, $0x0  }
0x1f: {  	s9 =	smul.u32 $0xF7A, s1;
	s8 =	simm.s32 @!p0 $0x1BF5;
	p2 =	por !p2, p0  }
0x20: {  	[sflag:s8] =	ssyncset.s32 @!p0 $0xFFFFF086;
	s6 =	sadd.s32 @!p0 s3, s7;
	s7 =	simm.s32 @!p0 $0x108  }
0x21: {  	s3 =	sadd.s32 s3, s9;
	s6 =	sadd.s32 @!p0 $0x88, s6;
	s7 =	simm.s32 @p2 $0x1082  }
0x22: {  	[simem:s7], [sflag:s8] =	dma.local @!p0 [hbm:s6], $0xF7A  }
0x23: {  	s9 =	sor.u32 $0xD0000000, s2;
	s6 =	simm.s32 $0x108;
	_ =	swait.ge @!p0 [sflag:s8], $0x0  }
0x24: {  	s3 =	sadd.s32 $0x88, s3;
	s6 =	simm.s32 @!p1 $0x1082;
	[sflag:s4] =	ssyncset.s32 $0xFFFFF086  }
0x25: {  	[simem:s6], [sflag:s4] =	dma.local [hbm:s3], $0xF7A  }
0x26: {  	[smem:$0x3F85] =	sst s1;
	(tag) =	ssettag s2;
	_ =	strace s9  }
0x27: {  	s1 =	sld [smem:$0x3F95]  }
0x28: {  	s2 =	sld [smem:$0x3F96]  }
0x29: {  	s4 =	sld [smem:$0x3F98]  }
0x2a: {  	p0 =	seq.s32 s5, $0x0;
	s5 =	sld [smem:$0x3F99]  }
0x2b: {  	s6 =	sld [smem:$0x3F9A]  }
0x2c: {  	s7 =	sld [smem:$0x3F9B]  }
0x2d: {  	s3 =	simm.s32 $0x108;
	s8 =	sld [smem:$0x3F9C]  }
0x2e: {  	s3 =	simm.s32 @!p0 $0x1082;
	s9 =	sld [smem:$0x3F9D]  }
0x2f: {  	lr =	sadd.s32 s0, s3;
	s0 =	sld [smem:$0x3F94]  }
0x30: {  	s3 =	sld [smem:$0x3F97]  }
0x31: {  	[smem:$0x3FA0] =	sst s10  }
0x32: {  	s10 =	sld [smem:$0x3F9E];
	_ =	sdelay $0x3  }
0x33: {  	p0 =	seq.s32 s10, $0x1;
	s10 =	sld [smem:$0x3FA0];
	_ =	sdelay $0x3  }
0x34: {  	[smem:$0x3FA0] =	sst s10  }
0x35: {  	s10 =	sld [smem:$0x3F9F];
	_ =	sdelay $0x3  }
0x36: {  	p1 =	seq.s32 s10, $0x1;
	s10 =	sld [smem:$0x3FA0];
	_ =	sdelay $0x3  }
0x37: {  	[smem:$0x3FA0] =	sst s10  }
0x38: {  	s10 =	sld [smem:$0x3FA1]  }
0x39: {  	_ = 	snop;
	(pc) =	sbr.ind lr, $3  }
0x3a: {  	_ = 	snop  }
0x3b: {  	_ = 	snop  }
0x3c: {  	p2 =	seq.s32 s10, $0x1;
	s10 =	sld [smem:$0x3FA0]  }
0x3d: {  	_ =	shalt  }
0x3e: {  	_ =	shalt  }
0x3f: {  	_ =	shalt  }
0x40: {  	_ =	shalt  }
0x41: {  	_ =	shalt  }
0x42: {  	_ =	shalt  }
0x43: {  	_ =	shalt  }
0x44: {  	_ =	shalt  }
0x45: {  	_ =	shalt  }
0x46: {  	_ =	shalt  }
0x47: {  	_ =	shalt  }
0x48: {  	_ =	shalt  }
0x49: {  	_ =	shalt  }
0x4a: {  	_ =	shalt  }
0x4b: {  	_ =	shalt  }
0x4c: {  	_ =	shalt  }
0x4d: {  	_ =	shalt  }
0x4e: {  	_ =	shalt  }
0x4f: {  	_ =	shalt  }
0x50: {  	_ =	shalt  }
0x51: {  	_ =	shalt  }
0x52: {  	_ =	shalt  }
0x53: {  	_ =	shalt  }
0x54: {  	_ =	shalt  }
0x55: {  	_ =	shalt  }
0x56: {  	_ =	shalt  }
0x57: {  	_ =	shalt  }
0x58: {  	_ =	shalt  }
0x59: {  	_ =	shalt  }
0x5a: {  	_ =	shalt  }
0x5b: {  	_ =	shalt  }
0x5c: {  	_ =	shalt  }
0x5d: {  	_ =	shalt  }
0x5e: {  	_ =	shalt  }
0x5f: {  	_ =	shalt  }
0x60: {  	_ =	shalt  }
0x61: {  	_ =	shalt  }
0x62: {  	_ =	shalt  }
0x63: {  	_ =	shalt  }
0x64: {  	_ =	shalt  }
0x65: {  	_ =	shalt  }
0x66: {  	_ =	shalt  }
0x67: {  	_ =	shalt  }
0x68: {  	_ =	shalt  }
0x69: {  	_ =	shalt  }
0x6a: {  	_ =	shalt  }
0x6b: {  	_ =	shalt  }
0x6c: {  	_ =	shalt  }
0x6d: {  	_ =	shalt  }
0x6e: {  	_ =	shalt  }
0x6f: {  	_ =	shalt  }
0x70: {  	_ =	shalt  }
0x71: {  	_ =	shalt  }
0x72: {  	_ =	shalt  }
0x73: {  	_ =	shalt  }
0x74: {  	_ =	shalt  }
0x75: {  	_ =	shalt  }
0x76: {  	_ =	shalt  }
0x77: {  	_ =	shalt  }
0x78: {  	_ =	shalt  }
0x79: {  	_ =	shalt  }
0x7a: {  	_ =	shalt  }
0x7b: {  	_ =	shalt  }
0x7c: {  	_ =	shalt  }
0x7d: {  	_ =	shalt  }
0x7e: {  	_ =	shalt  }
0x7f: {  	_ =	shalt  }
0x80: {  	_ =	shalt  }
0x81: {  	_ =	shalt  }
0x82: {  	_ =	shalt  }
0x83: {  	_ =	shalt  }
0x84: {  	_ =	shalt  }
0x85: {  	_ =	shalt  }
0x86: {  	_ =	shalt  }
0x87: {  	_ =	shalt  }
.Lfunc_end0:
.L_simem_size_0:
called_computation.1_lowered:
.L_overlay_start_0:
0x88: {  	s2 =	sld [smem:$0x3FD9]  }
0x89: {  	s3 =	sld [smem:$0x3FFE];
	_ =	sdelay $0x1  }
0x8a: {  	s1 =	srdreg.scid  }
0x8b: {  	s0 =	sand.u32 $0x1, s1  }
0x8c: {  	s16 =	sshll.u32 s0, $0xA;
	s2 =	sadd.s32 s3, s2  }
0x8d: {  	s2 =	sadd.s32 s2, s16  }
0x8e: {  	[smem:$0x3FAC] =	sst s2  }
0x8f: {  	_ = 	snop  }
0x90: {  	(tm) =	ssettm $0x1  }
0x91: {  	s17 =	sld [smem:$0x3FFB];
	_ =	sdelay $0x3  }
0x92: {  	_ =	strace s17  }
0x93: {  	s2 =	sld [smem:$0x3FFC];
	_ =	sdelay $0x3  }
0x94: {  	_ =	strace s2  }
0x95: {  	s2 =	sld [smem:$0x3FFD];
	_ =	sdelay $0x3  }
0x96: {  	_ =	strace s2  }
0x97: {  	_ =	strace $0x8FFFFFFF  }
0x98: {  	s18 =	sld [smem:$0x3FDB];
	_ =	sdelay $0x1  }
0x99: {  	s19 =	simm.s32 $_scs_section_size  }
0x9a: {  	s4 =	simm.s32 $_size__tile_overlayer_lowered;
	s5 =	simm.s32 $_tile_overlayer_lowered  }
0x9b: {  	s22 =	simm.s32 $0x1BFF;
	s21 =	sshll.u32 s5, $0x1;
	s2 =	sadd.s32 s19, s18  }
0x9c: {  	s6 =	simm.s32 $0x0;
	s20 =	sshll.u32 s4, $0x1;
	s4 =	sadd.s32 s21, s2  }
0x9d: {  	[timem:s6], [sflag:s22] =	dma.local [hbm:s4], s20  }
0x9e: {  	_ =	swait.ge [sflag:s22], s20  }
0x9f: {  	s3 =	ssub.s32 $0x0, s20;
	[sflag:s22] =	ssyncset.done $0x0  }
0xa0: {  	[sflag:s22] =	ssyncadd.s32 s3;
	_ =	sdelay $0x1  }
0xa1: {  	s23 =	simm.s32 $0x1B8B  }
0xa2: {  	_ =	swait.ge [sflag:s23], $0x1  }
0xa3: {  	[sflag:s23] =	ssyncset.done $0x0  }
0xa4: {  	s25 =	simm.s32 $0x1B8E;
	s24 =	sld [smem:$0x3FFE];
	[sflag:s23] =	ssyncadd.s32 $0xFFFFFFFF  }
0xa5: {  	s26 =	simm.s32 $execute0_lowered;
	[smem:$0x3FD2] =	sst s25  }
0xa6: {  	s4 =	sshll.u32 s26, $0x1;
	_ =	strace $0x80000049;
	[dreg:$0x1] =	wrdreg $0xFFFFFFFF  }
0xa7: {  	s28 =	simm.s32 $_size_execute0_lowered;
	s2 =	sadd.s32 s2, s4;
	[dreg:$0x0] =	wrdreg $0x0  }
0xa8: {  	s4 =	sshll.u32 s28, $0x1;
	[dreg:$0x2] =	wrdreg s2  }
0xa9: {  	[dreg:$0x3] =	wrdreg s4  }
0xaa: {  	[dreg:$0x4] =	wrdreg $0xC0  }
0xab: {  	_ =	task [dreg:s6], $0x5FFFF  }
0xac: {  	[dreg:$0x1] =	wrdreg $0xFFFFFFFF  }
0xad: {  	[dreg:$0x0] =	wrdreg $0x60  }
0xae: {  	[dreg:$0x2] =	wrdreg s24  }
0xaf: {  	[dreg:$0x3] =	wrdreg $0xA8800  }
0xb0: {  	[dreg:$0x4] =	wrdreg $0x148800  }
0xb1: {  	[dreg:$0x5] =	wrdreg $0x9  }
0xb2: {  	_ =	task.clear_ibuf [dreg:s6], $0x6FFFF;
	_ =	strace $0x90000049  }
0xb3: {  	s29 =	simm.s32 $0x9;
	_ =	strace $0x8000004B  }
0xb4: {  	_ =	swait.ge [sflag:s29], $0x1  }
0xb5: {  	[sflag:s29] =	ssyncadd.s32 $0xFFFFFFFF  }
0xb6: {  	_ =	strace $0x9000004B  }
0xb7: {  	_ =	sfence  }
0xb8: {  	s30 =	sld [smem:$0x0];
	_ =	sdelay $0x2  }
0xb9: {  	s31 =	sshll.u32 s1, $0xD;
	s1 =	sshrl.u32 s1, $0x2  }
0xba: {  	s3 =	sand.u32 $0x4000, s31;
	s1 =	sadd.s32 s1, s30  }
0xbb: {  	s0 =	sor.u32 s3, s0;
	s1 =	sshll.u32 s1, $0x11  }
0xbc: {  	s0 =	sor.u32 s1, s0  }
0xbd: {  	s0 =	sadd.s32 $0x8F2B, s0  }
0xbe: {  	[sflag:s0] =	ssyncadd.remote.s32 $0x1  }
0xbf: {  	_ =	sfence.sel $0xFFFF  }
0xc0: {  	[dreg:$0x0] =	wrdreg $0xFFFFFFFF;
	(pc) =	sbr.abs _section_cstart, $3  }
0xc1: {  	[dreg:$0x1] =	wrdreg $0xFFFFFFFF  }
0xc2: {  	_ =	task.clear_ibuf [dreg:s6], $0x2FFFF;
	_ =	strace $0x9FFFFFFF  }
0xc3: {  	(tm) =	ssettm $0x7FFFFFFF  }
tec
execute0_lowered:
.L_overlay_start_1:
0x0: {  	(tag) =	ssettag $0x1  }
0x1: {  	s0 =	srdreg.scid;
	s1 =	rddreg [dreg:$0x0]  }
0x2: {  	s10 =	stileid.u32;
	s2 =	rddreg [dreg:$0x1];
	s4 =	simm.s32 $0x0  }
0x3: {  	s28 =	simm.s32 $0x2780;
	s29 =	simm.s32 $0x80;
	s31 =	simm.s32 $0x2800  }
0x4: {  	s30 =	simm.s32 $0x1;
	s0 =	sand.u32 $0x1, s0;
	s13 =	smul.u32 $0xA000, s10  }
0x5: {  	[smem:$0x7FF] =	sst s4;
	s5 =	sadd.s32 $0x4AA00, s1;
	s6 =	sadd.s32 $0xEE00, s1  }
0x6: {  	s3 =	sshll.u32 s0, $0x4;
	s7 =	smul.u32 $0xA0000, s0;
	s0 =	ssub.s32 $0x2, s0  }
0x7: {  	s11 =	sor.u32 s10, s3;
	s3 =	rddreg [dreg:$0x2];
	s10 =	smul.u32 $0x28000, s10  }
0x8: {  	_ =	strace $0x8000004A;
	s19 =	sshrl.u32 s0, $0x1;
	s12 =	smul.u32 $0x4F0, s11  }
0x9: {  	s23 =	sshrl.u32 s13, $0x3;
	s8 =	sadd.s32 s13, s7;
	s7 =	smul.u32 $0x4F, s11  }
0xa: {  	s0 =	ssub.s32 s0, s19;
	s11 =	smul.u32 $0x13C00, s11;
	s9 =	sshrl.u32 s8, $0x3  }
0xb: {  	s8 =	sadd.s32 $0x5EA00, s1;
	s15 =	sshrl.u32 s10, $0x2;
	s10 =	sadd.s32 s13, s2  }
0xc: {  	s13 =	sadd.s32 s13, s3;
	s14 =	sadd.s32 s12, s1;
	s1 =	sadd.s32 s9, s1  }
0xd: {  	s20 =	ssub.s32 $0x9C4, s7;
	s15 =	sadd.s32 s15, s2;
	s11 =	sadd.s32 s8, s11  }
0xe: {  	s24 =	sadd.s32 $0x1, s7;
	s12 =	sadd.s32 s6, s12;
	[dreg:$0xa] =	wrdreg s11  }
0xf: {  	s9 =	smin.u32 s20, $0x4F;
	s16 =	sadd.s32 $0x2000, s15;
	[dreg:$0xb] =	wrdreg s12  }
0x10: {  	s21 =	sadd.s32 $0x4000, s15;
	s22 =	sadd.s32 $0x6000, s15;
	[dreg:$0x4] =	wrdreg s16  }
0x11: {  	s15 =	sadd.s32 $0x8000, s15;
	s14 =	sadd.s32 $0x2F7A00, s14;
	[dreg:$0x5] =	wrdreg s21  }
0x12: {  	s25 =	sshll.u32 s24, $0xA;
	s26 =	sshll.u32 s24, $0x4;
	[dreg:$0x6] =	wrdreg s22  }
0x13: {  	s1 =	sadd.s32 $0x2CFA00, s1;
	s24 =	simm.s32 $0x7;
	[dreg:$0x7] =	wrdreg s15  }
0x14: {  	s12 =	simm.s32 $0x2;
	s15 =	sadd.s32 s5, s23;
	[dreg:$0x9] =	wrdreg s14  }
.Ltmp0:
0x15: {  	s11 =	sadd.s32 s8, s25;
	[dreg:$0xe] =	wrdreg s1;
	(pc) =	sbr.rel .LBB2_1-.Ltmp0, $4  }
0x16: {  	s22 =	smax.u32 s0, $0x1;
	s23 =	simm.s32 $0x2880;
	s25 =	sshrl.u32 s13, $0x3  }
0x17: {  	s1 =	simm.s32 $0x4880;
	s0 =	simm.s32 $0x5;
	[dreg:$0x8] =	wrdreg s15  }
0x18: {  	s13 =	simm.s32 $0x6;
	[dreg:$0xc] =	wrdreg s11;
	s11 =	sadd.s32 s6, s26  }
0x19: {  	v0 =	vimm.f32 $0.0e+00;
	s26 =	simm.s32 $0x3;
	[dreg:$0xd] =	wrdreg s11;
	s11 =	simm.s32 $0x4  }
.LBB2_13:
0x1a: {  	s4 =	sadd.s32 $0x1, s4  }
0x1b: {  	[bflag:$0x0] =	sbarrier.arrive $0xFFFF;
	p0 =	sne.s32 s4, s22  }
.Ltmp1:
0x1c: {  	s15 =	sshrl.u32 s10, $0x3;
	s16 =	rddreg [dreg:$0xe];
	(pc) =	sbr.rel @!p0 .LBB2_14-.Ltmp1, $4  }
0x1d: {  	[hbm:s16], [sflag:s14] =	dma.local [spmem:s15], $0x1400  }
0x1e: {  	_ =	swait.ge [sflag:s24], $0x1400  }
0x1f: {  	[sflag:s24] =	ssyncset.done $0x0  }
0x20: {  	[sflag:s24] =	ssyncadd.s32 $0xFFFFEC00  }
.LBB2_1:
0x21: {  	s14 =	simm.s32 $0x2900  }
0x22: {  	[tilespmem:s14+$0xFFFFFF80] =	vst v0  }
0x23: {  	[tilespmem:s14+$0x70] =	vst v0  }
0x24: {  	[tilespmem:s14+$0x60] =	vst v0  }
0x25: {  	[tilespmem:s14+$0x50] =	vst v0  }
0x26: {  	[tilespmem:s14+$0x40] =	vst v0  }
0x27: {  	[tilespmem:s14+$0x30] =	vst v0  }
0x28: {  	[tilespmem:s14+$0x20] =	vst v0  }
0x29: {  	[tilespmem:s14+$0x10] =	vst v0  }
0x2a: {  	[tilespmem:s14+$0x0] =	vst v0  }
0x2b: {  	[tilespmem:s14+$0xFFFFFFF0] =	vst v0  }
0x2c: {  	[tilespmem:s14+$0xFFFFFFE0] =	vst v0  }
0x2d: {  	[tilespmem:s14+$0xFFFFFFD0] =	vst v0  }
0x2e: {  	[tilespmem:s14+$0xFFFFFFC0] =	vst v0  }
0x2f: {  	[tilespmem:s14+$0xFFFFFFB0] =	vst v0  }
0x30: {  	s15 =	simm.s32 $0x0;
	[tilespmem:s14+$0xFFFFFFA0] =	vst v0  }
.LBB2_2:
0x31: {  	s15 =	sadd.s32 $0x4, s15;
	[tilespmem:s14+$0xFFFFFF90] =	vst v0;
	s14 =	sadd.s32 $0x100, s14  }
0x32: {  	[tilespmem:s14+$0xFFFFFF80] =	vst v0;
	p0 =	slt.u32 s15, $0x7C  }
0x33: {  	[tilespmem:s14+$0x70] =	vst v0  }
0x34: {  	[tilespmem:s14+$0x60] =	vst v0  }
0x35: {  	[tilespmem:s14+$0x50] =	vst v0  }
0x36: {  	[tilespmem:s14+$0x40] =	vst v0  }
0x37: {  	[tilespmem:s14+$0x30] =	vst v0  }
0x38: {  	[tilespmem:s14+$0x20] =	vst v0  }
0x39: {  	[tilespmem:s14+$0x10] =	vst v0  }
0x3a: {  	[tilespmem:s14+$0x0] =	vst v0  }
0x3b: {  	[tilespmem:s14+$0xFFFFFFF0] =	vst v0  }
.Ltmp2:
0x3c: {  	[tilespmem:s14+$0xFFFFFFE0] =	vst v0;
	(pc) =	sbr.rel @p0 .LBB2_2-.Ltmp2, $4  }
0x3d: {  	[tilespmem:s14+$0xFFFFFFD0] =	vst v0  }
0x3e: {  	[tilespmem:s14+$0xFFFFFFC0] =	vst v0  }
0x3f: {  	[tilespmem:s14+$0xFFFFFFB0] =	vst v0  }
0x40: {  	[tilespmem:s14+$0xFFFFFFA0] =	vst v0  }
0x41: {  	[tilespmem:s14+$0xFFFFFF90] =	vst v0  }
0x42: {  	[spmem:s10] =	stream.linear.scatter [tilespmem:s23], [sflag:$0x7], $0x2000, $0x38;
	[tilespmem:$0x1E880] =	vst v63  }
0x43: {  	_ =	swait.ge [sflag:s24], $0x2000  }
0x44: {  	[sflag:s24] =	ssyncset.done $0x0  }
0x45: {  	s16 =	rddreg [dreg:$0x4];
	[sflag:s24] =	ssyncadd.s32 $0xFFFFE000  }
0x46: {  	[spmem:s16] =	stream.linear.scatter [tilespmem:s23], [sflag:$0x7], $0x2000, $0x38;
	[tilespmem:$0x1E880] =	vst v63  }
0x47: {  	_ =	swait.ge [sflag:s24], $0x2000  }
0x48: {  	[sflag:s24] =	ssyncset.done $0x0  }
0x49: {  	s17 =	rddreg [dreg:$0x5];
	[sflag:s24] =	ssyncadd.s32 $0xFFFFE000  }
0x4a: {  	[spmem:s17] =	stream.linear.scatter [tilespmem:s23], [sflag:$0x7], $0x2000, $0x38;
	[tilespmem:$0x1E880] =	vst v63  }
0x4b: {  	_ =	swait.ge [sflag:s24], $0x2000  }
0x4c: {  	[sflag:s24] =	ssyncset.done $0x0  }
0x4d: {  	s18 =	rddreg [dreg:$0x6];
	[sflag:s24] =	ssyncadd.s32 $0xFFFFE000  }
0x4e: {  	[spmem:s18] =	stream.linear.scatter [tilespmem:s23], [sflag:$0x7], $0x2000, $0x38;
	[tilespmem:$0x1E880] =	vst v63  }
0x4f: {  	_ =	swait.ge [sflag:s24], $0x2000  }
0x50: {  	[sflag:s24] =	ssyncset.done $0x0  }
0x51: {  	s19 =	rddreg [dreg:$0x7];
	[sflag:s24] =	ssyncadd.s32 $0xFFFFE000  }
0x52: {  	[spmem:s19] =	stream.linear.scatter [tilespmem:s23], [sflag:$0x7], $0x2000, $0x38;
	[tilespmem:$0x1E880] =	vst v63  }
0x53: {  	s20 =	stileid.u32;
	_ =	swait.ge [sflag:s24], $0x2000  }
0x54: {  	s14 =	sshll.u32 s20, $0x6;
	[sflag:s24] =	ssyncset.done $0x0  }
0x55: {  	s14 =	sor.u32 $0x1C07, s14;
	s15 =	rddreg [dreg:$0x8];
	[sflag:s24] =	ssyncadd.s32 $0xFFFFE000  }
0x56: {  	[spmem:s25], [sflag:s14] =	dma.local [hbm:s15], $0x1400  }
0x57: {  	_ =	swait.ge [sflag:s24], $0x1400  }
0x58: {  	[sflag:s24] =	ssyncset.done $0x0  }
0x59: {  	s15 =	simm.s32 $0x0;
	s16 =	rddreg [dreg:$0x9];
	[sflag:s24] =	ssyncadd.s32 $0xFFFFEC00  }
0x5a: {  	[tilespmem:s15], [sflag:$0x7] =	stream.linear.gather [hbm4b:s16+s15], $0x2780, $0x38;
	[tilespmem:$0x1E880] =	vst v63  }
0x5b: {  	_ =	swait.ge [sflag:s24], $0x2780  }
0x5c: {  	[sflag:s24] =	ssyncset.done $0x0  }
0x5d: {  	[sflag:s24] =	ssyncadd.s32 $0xFFFFD880  }
0x5e: {  	[bflag:$0x0] =	sbarrier.arrive $0xFFFF  }
0x5f: {  	s17 =	simm.s32 $0x6880;
	s21 =	rddreg [dreg:$0xa]  }
0x60: {  	[tilespmem:s17], [sflag:$0x3] =	stream.linear.gather [hbm4b:s21+s15], $0x2000, $0x38;
	[tilespmem:$0x1E880] =	vst v63  }
0x61: {  	s18 =	rddreg [dreg:$0xb]  }
0x62: {  	[tilespmem:s28], [sflag:$0x5] =	stream.linear.gather [hbm4b:s18+s15], $0x80, $0x38;
	[tilespmem:$0x1E880] =	vst v63  }
0x63: {  	_ = 	snop  }
0x64: {  	[tilespmem:s23], [sflag:$0x1] =	stream.indirect.gather [spmem:s3], $0x40, s15, s29, $0xb8;
	[tilespmem:$0x1E880] =	vst v63  }
0x65: {  	s20 =	simm.s32 $0x8880;
	s19 =	rddreg [dreg:$0xc]  }
0x66: {  	[tilespmem:s20], [sflag:$0x4] =	stream.linear.gather [hbm4b:s19+s15], $0x2000, $0x38;
	[tilespmem:$0x1E880] =	vst v63  }
.Ltmp3:
0x67: {  	_ = 	snop;
	(pc) =	sbr.rel .LBB2_4-.Ltmp3, $4  }
0x68: {  	s21 =	rddreg [dreg:$0xd]  }
0x69: {  	[tilespmem:s31], [sflag:$0x6] =	stream.linear.gather [hbm4b:s21+s15], $0x80, $0x38;
	[tilespmem:$0x1E880] =	vst v63  }
0x6a: {  	_ = 	snop  }
0x6b: {  	[tilespmem:s1], [sflag:$0x2] =	stream.indirect.gather [hbm4b:s5+s29], $0x40, s29, s29, $0xb8;
	[tilespmem:$0x1E880] =	vst v63  }
.LBB2_12:
0x6c: {  	s16 =	sadd.s32 $0x3, s16  }
0x6d: {  	p0 =	sge.u32 s16, s9  }
0x6e: {  	s17 =	sadd.s32 @!p0 s7, s16  }
0x6f: {  	s15 =	sadd.s32 $0x1, s15;
	s18 =	sshll.u32 @!p0 s17, $0xA  }
0x70: {  	s19 =	simm.s32 @!p0 $0x0;
	s17 =	sshll.u32 @!p0 s17, $0x4;
	s18 =	sand.u32 @!p0 $0x1FFFFC00, s18  }
0x71: {  	s20 =	simm.s32 @!p0 $0x8880;
	s17 =	sand.u32 @!p0 $0x1FFFFFF0, s17;
	s18 =	sadd.s32 @!p0 s8, s18  }
0x72: {  	[tilespmem:s20], [sflag:$0x4] =	stream.linear.gather @!p0 [hbm4b:s18+s19], $0x2000, $0x38;
	[tilespmem:$0x1E880] =	vst v63  }
0x73: {  	s16 =	sshll.u32 @!p0 s16, $0x7;
	s17 =	sadd.s32 @!p0 s6, s17;
	s18 =	simm.s32 @!p0 $0x2800  }
0x74: {  	[tilespmem:s18], [sflag:$0x6] =	stream.linear.gather @!p0 [hbm4b:s17+s19], $0x80, $0x38;
	[tilespmem:$0x1E880] =	vst v63  }
0x75: {  	s16 =	sand.u32 @!p0 $0x3FFFFF80, s16;
	s17 =	simm.s32 @!p0 $0x80;
	s18 =	simm.s32 @!p0 $0x4880  }
0x76: {  	[tilespmem:s18], [sflag:$0x2] =	stream.indirect.gather @!p0 [hbm4b:s5+s17], $0x40, s16, s17, $0xb8;
	[tilespmem:$0x1E880] =	vst v63  }
0x77: {  	p0 =	sne.s32 s15, $0x28  }
.Ltmp4:
0x78: {  	_ = 	snop;
	(pc) =	sbr.rel @!p0 .LBB2_13-.Ltmp4, $1  }
0x79: {  	_ =	sdelay $0x3  }
.LBB2_4:
0x7a: {  	s16 =	sshll.u32 s15, $0x1  }
0x7b: {  	p0 =	sge.u32 s16, s9  }
.Ltmp5:
0x7c: {  	_ = 	snop;
	(pc) =	sbr.rel @p0 .LBB2_8-.Ltmp5, $1  }
0x7d: {  	_ =	sdelay $0x3  }
0x7e: {  	_ =	swait.ge [sflag:s26], $0x2000  }
0x7f: {  	[sflag:s26] =	ssyncset.done $0x0  }
0x80: {  	[sflag:s26] =	ssyncadd.s32 $0xFFFFE000  }
0x81: {  	_ =	swait.ge [sflag:s30], $0x2000  }
0x82: {  	[sflag:s30] =	ssyncset.done $0x0  }
0x83: {  	s17 =	simm.s32 $0x2900;
	[sflag:s30] =	ssyncadd.s32 $0xFFFFE000  }
0x84: {  	s18 =	simm.s32 $0x6900;
	v1 =	vld [tilespmem:s17+$0x40]  }
0x85: {  	v2 =	vld [tilespmem:s18+$0x40]  }
0x86: {  	v3 =	vld [tilespmem:s17+$0xFFFFFFC0]  }
0x87: {  	v4 =	vld [tilespmem:s18+$0xFFFFFFC0]  }
0x88: {  	v5 =	vld [tilespmem:s17+$0x0]  }
0x89: {  	v6 =	vld [tilespmem:s18+$0x0]  }
0x8a: {  	v7 =	vld [tilespmem:s17+$0xFFFFFF80];
	v1 =	vmul.f32 v2, v1  }
0x8b: {  	v2 =	vld [tilespmem:s18+$0xFFFFFF80]  }
0x8c: {  	[tilespmem:s17+$0x40] =	vst v1;
	v1 =	vld [tilespmem:s17+$0x50]  }
0x8d: {  	v3 =	vmul.f32 v4, v3;
	v4 =	vld [tilespmem:s18+$0x50]  }
0x8e: {  	v8 =	vld [tilespmem:s17+$0xFFFFFF90]  }
0x8f: {  	[tilespmem:s17+$0xFFFFFFC0] =	vst v3;
	v3 =	vmul.f32 v6, v5;
	v5 =	vld [tilespmem:s17+$0xFFFFFFD0]  }
0x90: {  	v6 =	vld [tilespmem:s18+$0xFFFFFFD0];
	v2 =	vmul.f32 v2, v7  }
0x91: {  	[tilespmem:s17+$0x0] =	vst v3;
	v3 =	vld [tilespmem:s17+$0x10]  }
0x92: {  	v7 =	vld [tilespmem:s18+$0x10];
	[tilespmem:s17+$0xFFFFFF80] =	vst v2;
	v1 =	vmul.f32 v4, v1  }
0x93: {  	v2 =	vld [tilespmem:s18+$0xFFFFFF90]  }
0x94: {  	[tilespmem:s17+$0x50] =	vst v1;
	v1 =	vld [tilespmem:s17+$0x60]  }
0x95: {  	v4 =	vmul.f32 v6, v5;
	v5 =	vld [tilespmem:s18+$0x60]  }
0x96: {  	v6 =	vld [tilespmem:s17+$0xFFFFFFA0]  }
0x97: {  	[tilespmem:s17+$0xFFFFFFD0] =	vst v4;
	v3 =	vmul.f32 v7, v3;
	v4 =	vld [tilespmem:s17+$0xFFFFFFE0]  }
0x98: {  	v7 =	vld [tilespmem:s18+$0xFFFFFFE0];
	v2 =	vmul.f32 v2, v8  }
0x99: {  	[tilespmem:s17+$0x10] =	vst v3;
	v3 =	vld [tilespmem:s17+$0x20]  }
0x9a: {  	v8 =	vld [tilespmem:s18+$0x20];
	[tilespmem:s17+$0xFFFFFF90] =	vst v2;
	v1 =	vmul.f32 v5, v1  }
0x9b: {  	v5 =	vld [tilespmem:s18+$0xFFFFFFA0]  }
0x9c: {  	v9 =	vld [tilespmem:s17+$0x70];
	[tilespmem:s17+$0x60] =	vst v1  }
0x9d: {  	v2 =	vmul.f32 v7, v4;
	v7 =	vld [tilespmem:s18+$0x70]  }
0x9e: {  	v1 =	vld [tilespmem:s17+$0xFFFFFFB0]  }
0x9f: {  	[tilespmem:s17+$0xFFFFFFE0] =	vst v2;
	v3 =	vmul.f32 v8, v3;
	v2 =	vld [tilespmem:s17+$0xFFFFFFF0]  }
0xa0: {  	v4 =	vld [tilespmem:s18+$0xFFFFFFF0];
	v5 =	vmul.f32 v5, v6  }
0xa1: {  	[tilespmem:s17+$0x20] =	vst v3;
	v3 =	vld [tilespmem:s17+$0x30]  }
0xa2: {  	[tilespmem:s17+$0xFFFFFFA0] =	vst v5;
	v5 =	vld [tilespmem:s18+$0x30];
	v7 =	vmul.f32 v7, v9  }
0xa3: {  	s19 =	simm.s32 $0x0;
	s20 =	simm.s32 $0x2A00;
	v6 =	vld [tilespmem:s18+$0xFFFFFFB0]  }
.LBB2_6:
0xa4: {  	v8 =	vld [tilespmem:s20+$0x40];
	[tilespmem:s17+$0x70] =	vst v7;
	s18 =	sadd.s32 $0x100, s18  }
0xa5: {  	s19 =	sadd.s32 $0x4, s19;
	v7 =	vld [tilespmem:s18+$0x40];
	v2 =	vmul.f32 v4, v2  }
0xa6: {  	p0 =	slt.u32 s19, $0x7C;
	v4 =	vld [tilespmem:s18+$0xFFFFFF80]  }
0xa7: {  	v9 =	vld [tilespmem:s20+$0xFFFFFFC0];
	[tilespmem:s17+$0xFFFFFFF0] =	vst v2;
	v2 =	vmul.f32 v5, v3  }
0xa8: {  	v3 =	vld [tilespmem:s18+$0xFFFFFFC0];
	v1 =	vmul.f32 v6, v1  }
0xa9: {  	v5 =	vld [tilespmem:s20+$0x0];
	[tilespmem:s17+$0x30] =	vst v2  }
0xaa: {  	v2 =	vld [tilespmem:s18+$0x0];
	v6 =	vmul.f32 v7, v8;
	[tilespmem:s17+$0xFFFFFFB0] =	vst v1;
	s17 =	smov.u32 s20  }
0xab: {  	v1 =	vld [tilespmem:s20+$0xFFFFFF80]  }
0xac: {  	[tilespmem:s20+$0x40] =	vst v6;
	v6 =	vld [tilespmem:s20+$0x50]  }
0xad: {  	v3 =	vmul.f32 v3, v9;
	v7 =	vld [tilespmem:s18+$0x50]  }
0xae: {  	v8 =	vld [tilespmem:s20+$0xFFFFFF90]  }
0xaf: {  	[tilespmem:s20+$0xFFFFFFC0] =	vst v3;
	v3 =	vld [tilespmem:s20+$0xFFFFFFD0];
	v2 =	vmul.f32 v2, v5  }
0xb0: {  	v1 =	vmul.f32 v4, v1;
	v4 =	vld [tilespmem:s18+$0xFFFFFFD0]  }
0xb1: {  	[tilespmem:s20+$0x0] =	vst v2;
	v2 =	vld [tilespmem:s20+$0x10]  }
0xb2: {  	[tilespmem:s20+$0xFFFFFF80] =	vst v1;
	v1 =	vld [tilespmem:s18+$0x10];
	v5 =	vmul.f32 v7, v6  }
0xb3: {  	v6 =	vld [tilespmem:s18+$0xFFFFFF90]  }
0xb4: {  	[tilespmem:s20+$0x50] =	vst v5;
	v5 =	vld [tilespmem:s20+$0x60]  }
0xb5: {  	v3 =	vmul.f32 v4, v3;
	v4 =	vld [tilespmem:s18+$0x60]  }
0xb6: {  	v7 =	vld [tilespmem:s20+$0xFFFFFFA0]  }
0xb7: {  	[tilespmem:s20+$0xFFFFFFD0] =	vst v3;
	v3 =	vld [tilespmem:s20+$0xFFFFFFE0];
	v1 =	vmul.f32 v1, v2  }
0xb8: {  	v2 =	vmul.f32 v6, v8;
	v6 =	vld [tilespmem:s18+$0xFFFFFFE0]  }
0xb9: {  	[tilespmem:s20+$0x10] =	vst v1;
	v8 =	vld [tilespmem:s20+$0x20]  }
0xba: {  	[tilespmem:s20+$0xFFFFFF90] =	vst v2;
	v9 =	vld [tilespmem:s18+$0x20];
	v1 =	vmul.f32 v4, v5  }
0xbb: {  	v4 =	vld [tilespmem:s18+$0xFFFFFFA0]  }
0xbc: {  	[tilespmem:s20+$0x60] =	vst v1;
	v10 =	vld [tilespmem:s20+$0x70]  }
0xbd: {  	v2 =	vmul.f32 v6, v3;
	v6 =	vld [tilespmem:s18+$0x70]  }
0xbe: {  	v1 =	vld [tilespmem:s20+$0xFFFFFFB0]  }
.Ltmp6:
0xbf: {  	[tilespmem:s20+$0xFFFFFFE0] =	vst v2;
	v2 =	vld [tilespmem:s20+$0xFFFFFFF0];
	v3 =	vmul.f32 v9, v8;
	(pc) =	sbr.rel @p0 .LBB2_6-.Ltmp6, $4  }
0xc0: {  	v5 =	vmul.f32 v4, v7;
	v4 =	vld [tilespmem:s18+$0xFFFFFFF0]  }
0xc1: {  	[tilespmem:s20+$0x20] =	vst v3;
	v3 =	vld [tilespmem:s20+$0x30]  }
0xc2: {  	[tilespmem:s20+$0xFFFFFFA0] =	vst v5;
	v5 =	vld [tilespmem:s18+$0x30];
	v7 =	vmul.f32 v6, v10  }
0xc3: {  	s20 =	sadd.s32 $0x100, s20;
	v6 =	vld [tilespmem:s18+$0xFFFFFFB0]  }
0xc4: {  	_ =	sdelay $0x1  }
0xc5: {  	v2 =	vmul.f32 v4, v2  }
0xc6: {  	[tilespmem:s17+$0x70] =	vst v7;
	v3 =	vmul.f32 v5, v3  }
0xc7: {  	[tilespmem:s17+$0xFFFFFFF0] =	vst v2;
	v1 =	vmul.f32 v6, v1  }
0xc8: {  	[tilespmem:s17+$0x30] =	vst v3  }
0xc9: {  	[tilespmem:s17+$0xFFFFFFB0] =	vst v1  }
0xca: {  	_ =	swait.ge [sflag:s0], $0x80  }
0xcb: {  	[sflag:s0] =	ssyncset.done $0x0  }
0xcc: {  	[sflag:s0] =	ssyncadd.s32 $0xFFFFFF80  }
0xcd: {  	[spmem:s2] =	stream.indirect.scatter.add.f32 [tilespmem:s23], [sflag:$0x7], $0x40, s28, s29, $0xb8;
	[tilespmem:$0x1E880] =	vst v63  }
0xce: {  	_ =	swait.ge [sflag:s24], $0x2000  }
0xcf: {  	[sflag:s24] =	ssyncset.done $0x0  }
0xd0: {  	[sflag:s24] =	ssyncadd.s32 $0xFFFFE000  }
.LBB2_8:
0xd1: {  	s17 =	sadd.s32 $0x2, s16  }
0xd2: {  	p0 =	sge.u32 s17, s9  }
0xd3: {  	s18 =	sadd.s32 @!p0 s7, s17  }
0xd4: {  	s20 =	simm.s32 @!p0 $0x0;
	s19 =	sshll.u32 @!p0 s18, $0xA  }
0xd5: {  	s21 =	simm.s32 @!p0 $0x6880;
	s18 =	sshll.u32 @!p0 s18, $0x4;
	s19 =	sand.u32 @!p0 $0x1FFFFC00, s19  }
0xd6: {  	s17 =	sshll.u32 @!p0 s17, $0x7;
	s18 =	sand.u32 @!p0 $0x1FFFFFF0, s18;
	s19 =	sadd.s32 @!p0 s8, s19  }
0xd7: {  	[tilespmem:s21], [sflag:$0x3] =	stream.linear.gather @!p0 [hbm4b:s19+s20], $0x2000, $0x38;
	[tilespmem:$0x1E880] =	vst v63  }
0xd8: {  	s17 =	sand.u32 @!p0 $0x3FFFFF80, s17;
	s18 =	sadd.s32 @!p0 s6, s18;
	s19 =	simm.s32 @!p0 $0x2780  }
0xd9: {  	[tilespmem:s19], [sflag:$0x5] =	stream.linear.gather @!p0 [hbm4b:s18+s20], $0x80, $0x38;
	[tilespmem:$0x1E880] =	vst v63  }
0xda: {  	s21 =	sor.u32 $0x1, s16;
	s18 =	simm.s32 @!p0 $0x80;
	s19 =	simm.s32 @!p0 $0x2880  }
0xdb: {  	[tilespmem:s19], [sflag:$0x1] =	stream.indirect.gather @!p0 [spmem:s3], $0x40, s17, s18, $0xb8;
	[tilespmem:$0x1E880] =	vst v63  }
0xdc: {  	p0 =	sge.u32 s21, s9  }
.Ltmp7:
0xdd: {  	_ = 	snop;
	(pc) =	sbr.rel @p0 .LBB2_12-.Ltmp7, $1  }
0xde: {  	_ =	sdelay $0x3  }
0xdf: {  	_ =	swait.ge [sflag:s11], $0x2000  }
0xe0: {  	[sflag:s11] =	ssyncset.done $0x0  }
0xe1: {  	[sflag:s11] =	ssyncadd.s32 $0xFFFFE000  }
0xe2: {  	_ =	swait.ge [sflag:s12], $0x2000  }
0xe3: {  	[sflag:s12] =	ssyncset.done $0x0  }
0xe4: {  	s17 =	simm.s32 $0x4900;
	[sflag:s12] =	ssyncadd.s32 $0xFFFFE000  }
0xe5: {  	s18 =	simm.s32 $0x8900;
	v1 =	vld [tilespmem:s17+$0x40]  }
0xe6: {  	v2 =	vld [tilespmem:s18+$0x40]  }
0xe7: {  	v3 =	vld [tilespmem:s17+$0xFFFFFFC0]  }
0xe8: {  	v4 =	vld [tilespmem:s18+$0xFFFFFFC0]  }
0xe9: {  	v5 =	vld [tilespmem:s17+$0x0]  }
0xea: {  	v6 =	vld [tilespmem:s18+$0x0]  }
0xeb: {  	v7 =	vld [tilespmem:s17+$0xFFFFFF80];
	v1 =	vmul.f32 v2, v1  }
0xec: {  	v2 =	vld [tilespmem:s18+$0xFFFFFF80]  }
0xed: {  	[tilespmem:s17+$0x40] =	vst v1;
	v1 =	vld [tilespmem:s17+$0x50]  }
0xee: {  	v3 =	vmul.f32 v4, v3;
	v4 =	vld [tilespmem:s18+$0x50]  }
0xef: {  	v8 =	vld [tilespmem:s17+$0xFFFFFF90]  }
0xf0: {  	[tilespmem:s17+$0xFFFFFFC0] =	vst v3;
	v3 =	vmul.f32 v6, v5;
	v5 =	vld [tilespmem:s17+$0xFFFFFFD0]  }
0xf1: {  	v6 =	vld [tilespmem:s18+$0xFFFFFFD0];
	v2 =	vmul.f32 v2, v7  }
0xf2: {  	[tilespmem:s17+$0x0] =	vst v3;
	v3 =	vld [tilespmem:s17+$0x10]  }
0xf3: {  	v7 =	vld [tilespmem:s18+$0x10];
	[tilespmem:s17+$0xFFFFFF80] =	vst v2;
	v1 =	vmul.f32 v4, v1  }
0xf4: {  	v2 =	vld [tilespmem:s18+$0xFFFFFF90]  }
0xf5: {  	[tilespmem:s17+$0x50] =	vst v1;
	v1 =	vld [tilespmem:s17+$0x60]  }
0xf6: {  	v4 =	vmul.f32 v6, v5;
	v5 =	vld [tilespmem:s18+$0x60]  }
0xf7: {  	v6 =	vld [tilespmem:s17+$0xFFFFFFA0]  }
0xf8: {  	[tilespmem:s17+$0xFFFFFFD0] =	vst v4;
	v3 =	vmul.f32 v7, v3;
	v4 =	vld [tilespmem:s17+$0xFFFFFFE0]  }
0xf9: {  	v7 =	vld [tilespmem:s18+$0xFFFFFFE0];
	v2 =	vmul.f32 v2, v8  }
0xfa: {  	[tilespmem:s17+$0x10] =	vst v3;
	v3 =	vld [tilespmem:s17+$0x20]  }
0xfb: {  	v8 =	vld [tilespmem:s18+$0x20];
	[tilespmem:s17+$0xFFFFFF90] =	vst v2;
	v1 =	vmul.f32 v5, v1  }
0xfc: {  	v5 =	vld [tilespmem:s18+$0xFFFFFFA0]  }
0xfd: {  	v9 =	vld [tilespmem:s17+$0x70];
	[tilespmem:s17+$0x60] =	vst v1  }
0xfe: {  	v2 =	vmul.f32 v7, v4;
	v7 =	vld [tilespmem:s18+$0x70]  }
0xff: {  	v1 =	vld [tilespmem:s17+$0xFFFFFFB0]  }
0x100: {  	[tilespmem:s17+$0xFFFFFFE0] =	vst v2;
	v3 =	vmul.f32 v8, v3;
	v2 =	vld [tilespmem:s17+$0xFFFFFFF0]  }
0x101: {  	v4 =	vld [tilespmem:s18+$0xFFFFFFF0];
	v5 =	vmul.f32 v5, v6  }
0x102: {  	[tilespmem:s17+$0x20] =	vst v3;
	v3 =	vld [tilespmem:s17+$0x30]  }
0x103: {  	[tilespmem:s17+$0xFFFFFFA0] =	vst v5;
	v5 =	vld [tilespmem:s18+$0x30];
	v7 =	vmul.f32 v7, v9  }
0x104: {  	s19 =	simm.s32 $0x0;
	s20 =	simm.s32 $0x4A00;
	v6 =	vld [tilespmem:s18+$0xFFFFFFB0]  }
.LBB2_10:
0x105: {  	v8 =	vld [tilespmem:s20+$0x40];
	[tilespmem:s17+$0x70] =	vst v7;
	s18 =	sadd.s32 $0x100, s18  }
0x106: {  	s19 =	sadd.s32 $0x4, s19;
	v7 =	vld [tilespmem:s18+$0x40];
	v2 =	vmul.f32 v4, v2  }
0x107: {  	p0 =	slt.u32 s19, $0x7C;
	v4 =	vld [tilespmem:s18+$0xFFFFFF80]  }
0x108: {  	v9 =	vld [tilespmem:s20+$0xFFFFFFC0];
	[tilespmem:s17+$0xFFFFFFF0] =	vst v2;
	v2 =	vmul.f32 v5, v3  }
0x109: {  	v3 =	vld [tilespmem:s18+$0xFFFFFFC0];
	v1 =	vmul.f32 v6, v1  }
0x10a: {  	v5 =	vld [tilespmem:s20+$0x0];
	[tilespmem:s17+$0x30] =	vst v2  }
0x10b: {  	v2 =	vld [tilespmem:s18+$0x0];
	v6 =	vmul.f32 v7, v8;
	[tilespmem:s17+$0xFFFFFFB0] =	vst v1;
	s17 =	smov.u32 s20  }
0x10c: {  	v1 =	vld [tilespmem:s20+$0xFFFFFF80]  }
0x10d: {  	[tilespmem:s20+$0x40] =	vst v6;
	v6 =	vld [tilespmem:s20+$0x50]  }
0x10e: {  	v3 =	vmul.f32 v3, v9;
	v7 =	vld [tilespmem:s18+$0x50]  }
0x10f: {  	v8 =	vld [tilespmem:s20+$0xFFFFFF90]  }
0x110: {  	[tilespmem:s20+$0xFFFFFFC0] =	vst v3;
	v3 =	vld [tilespmem:s20+$0xFFFFFFD0];
	v2 =	vmul.f32 v2, v5  }
0x111: {  	v1 =	vmul.f32 v4, v1;
	v4 =	vld [tilespmem:s18+$0xFFFFFFD0]  }
0x112: {  	[tilespmem:s20+$0x0] =	vst v2;
	v2 =	vld [tilespmem:s20+$0x10]  }
0x113: {  	[tilespmem:s20+$0xFFFFFF80] =	vst v1;
	v1 =	vld [tilespmem:s18+$0x10];
	v5 =	vmul.f32 v7, v6  }
0x114: {  	v6 =	vld [tilespmem:s18+$0xFFFFFF90]  }
0x115: {  	[tilespmem:s20+$0x50] =	vst v5;
	v5 =	vld [tilespmem:s20+$0x60]  }
0x116: {  	v3 =	vmul.f32 v4, v3;
	v4 =	vld [tilespmem:s18+$0x60]  }
0x117: {  	v7 =	vld [tilespmem:s20+$0xFFFFFFA0]  }
0x118: {  	[tilespmem:s20+$0xFFFFFFD0] =	vst v3;
	v3 =	vld [tilespmem:s20+$0xFFFFFFE0];
	v1 =	vmul.f32 v1, v2  }
0x119: {  	v2 =	vmul.f32 v6, v8;
	v6 =	vld [tilespmem:s18+$0xFFFFFFE0]  }
0x11a: {  	[tilespmem:s20+$0x10] =	vst v1;
	v8 =	vld [tilespmem:s20+$0x20]  }
0x11b: {  	[tilespmem:s20+$0xFFFFFF90] =	vst v2;
	v9 =	vld [tilespmem:s18+$0x20];
	v1 =	vmul.f32 v4, v5  }
0x11c: {  	v4 =	vld [tilespmem:s18+$0xFFFFFFA0]  }
0x11d: {  	[tilespmem:s20+$0x60] =	vst v1;
	v10 =	vld [tilespmem:s20+$0x70]  }
0x11e: {  	v2 =	vmul.f32 v6, v3;
	v6 =	vld [tilespmem:s18+$0x70]  }
0x11f: {  	v1 =	vld [tilespmem:s20+$0xFFFFFFB0]  }
.Ltmp8:
0x120: {  	[tilespmem:s20+$0xFFFFFFE0] =	vst v2;
	v2 =	vld [tilespmem:s20+$0xFFFFFFF0];
	v3 =	vmul.f32 v9, v8;
	(pc) =	sbr.rel @p0 .LBB2_10-.Ltmp8, $4  }
0x121: {  	v5 =	vmul.f32 v4, v7;
	v4 =	vld [tilespmem:s18+$0xFFFFFFF0]  }
0x122: {  	[tilespmem:s20+$0x20] =	vst v3;
	v3 =	vld [tilespmem:s20+$0x30]  }
0x123: {  	[tilespmem:s20+$0xFFFFFFA0] =	vst v5;
	v5 =	vld [tilespmem:s18+$0x30];
	v7 =	vmul.f32 v6, v10  }
0x124: {  	s20 =	sadd.s32 $0x100, s20;
	v6 =	vld [tilespmem:s18+$0xFFFFFFB0]  }
0x125: {  	_ =	sdelay $0x1  }
0x126: {  	v2 =	vmul.f32 v4, v2  }
0x127: {  	[tilespmem:s17+$0x70] =	vst v7;
	v3 =	vmul.f32 v5, v3  }
0x128: {  	[tilespmem:s17+$0xFFFFFFF0] =	vst v2;
	v1 =	vmul.f32 v6, v1  }
0x129: {  	[tilespmem:s17+$0x30] =	vst v3  }
0x12a: {  	[tilespmem:s17+$0xFFFFFFB0] =	vst v1  }
0x12b: {  	_ =	swait.ge [sflag:s13], $0x80  }
0x12c: {  	[sflag:s13] =	ssyncset.done $0x0  }
.Ltmp9:
0x12d: {  	[sflag:s13] =	ssyncadd.s32 $0xFFFFFF80;
	(pc) =	sbr.rel .LBB2_12-.Ltmp9, $4  }
0x12e: {  	[spmem:s2] =	stream.indirect.scatter.add.f32 [tilespmem:s1], [sflag:$0x7], $0x40, s31, s29, $0xb8;
	[tilespmem:$0x1E880] =	vst v63  }
0x12f: {  	_ =	swait.ge [sflag:s24], $0x2000  }
0x130: {  	[sflag:s24] =	ssyncset.done $0x0  }
0x131: {  	[sflag:s24] =	ssyncadd.s32 $0xFFFFE000  }
.LBB2_14:
0x132: {  	_ =	sfence.sel $0x180000  }
0x133: {  	[bflag:$0x0] =	sbarrier.arrive $0xFFFF  }
0x134: {  	_ =	strace $0x9000004A  }
0x135: {  	s0 =	stileid.u32;
	[bflag:$0x2] =	sbarrier.arrive $0xFFFF  }
0x136: {  	p0 =	sne.s32 s0, $0x0;
	s0 =	rddreg [dreg:$0x3]  }
0x137: {  	s0 =	sadd.s32 @!p0 $0x100000, s0  }
0x138: {  	[sflag:s0] =	ssyncadd.tile.s32 @!p0 $0x1;
	_ =	shalt  }
.Lfunc_end2:
_tile_overlayer_lowered:
.L_overlay_start_2:
0x139: {  	(tag) =	ssettag $0x2  }
0x13a: {  	s0 =	rddreg [dreg:$0x0];
	s2 =	stileid.u32  }
0x13b: {  	s1 =	rddreg [dreg:$0x1];
	p0 =	sne.s32 s2, $0x0  }
0x13c: {  	s3 =	rddreg [dreg:$0x2];
	[bflag:$0x3] =	sbarrier.arrive $0xFFFF;
	s2 =	simm.s32 @!p0 $0x1C07  }
0x13d: {  	[timem:s3], [sflag:s2] =	dma.local @!p0 [hbm:s0], s1  }
0x13e: {  	s0 =	simm.s32 @!p0 $0x7  }
0x13f: {  	_ =	swait.ge @!p0 [sflag:s0], s1  }
0x140: {  	s1 =	ssub.s32 @!p0 $0x0, s1;
	[sflag:s0] =	ssyncset.done @!p0 $0x0  }
0x141: {  	[sflag:s0] =	ssyncadd.s32 @!p0 s1  }
0x142: {  	[bflag:$0x3] =	sbarrier.arrive $0xFFFF  }
0x143: {  	_ =	shalt  }

</sc_bundles>
